<compile_context>
chip_gen: v7x
topology: tpu7x:2x2x1
jax: 0.10.2.dev20260603
libtpu: 0.0.44.dev20260713+nightly
codegen_flags: <defaults>
</compile_context>

<pallas_src>
import functools

import jax
import jax.numpy as jnp
from jax import lax
from jax.experimental import pallas as pl
from jax.experimental.pallas import tpu as pltpu
from jax.experimental.pallas import tpu_sc as plsc

B, D, H = 4096, 1024, 2048
BM = 512
BC = 512
NBLK = B // BC + 1
BP = NBLK * BC
OW = 128
NC, NS = 2, 16
NW = NC * NS
CHUNK = B // NW
SUB = 32


def _route_body(x_ref, p_ref, t_ref):
    xb = x_ref[...]
    p = p_ref[...]
    diff0 = xb - p[0:1, :]
    diff1 = xb - p[1:2, :]
    d0 = jnp.sqrt(jnp.sum(diff0 * diff0, axis=1, keepdims=True))
    d1 = jnp.sqrt(jnp.sum(diff1 * diff1, axis=1, keepdims=True))
    t_ref[...] = (d1 < d0).astype(jnp.int32)


def _sc_scatter_body(x_hbm, t_hbm, xs_hbm, dst_hbm, be_hbm,
                     tball, mytbuf, dstbuf, bufa, bufb, bufc,
                     idxa, idxb, idxc, bebuf,
                     sema, semb, semc):
    wid = lax.axis_index("s") * NC + lax.axis_index("c")
    my_first_vreg = wid * (CHUNK // 16)
    base = wid * CHUNK

    in_a = pltpu.async_copy(x_hbm.at[pl.ds(base + 0 * SUB, SUB)], bufa, sema)
    in_b = pltpu.async_copy(x_hbm.at[pl.ds(base + 1 * SUB, SUB)], bufb, semb)
    in_c = pltpu.async_copy(x_hbm.at[pl.ds(base + 2 * SUB, SUB)], bufc, semc)

    pltpu.sync_copy(t_hbm, tball)
    pltpu.sync_copy(t_hbm.at[pl.ds(base, CHUNK)], mytbuf)

    zero = jnp.zeros((16,), jnp.int32)
    acc_before = zero
    acc_total = zero
    for v in range(B // 16):
        t16 = tball[pl.ds(v * 16, 16)]
        pred = my_first_vreg > v
        acc_before = acc_before + jnp.where(pred, t16, zero)
        acc_total = acc_total + t16
    ones_before = jnp.sum(acc_before)
    n1 = jnp.sum(acc_total)
    n0 = B - n1
    nb0 = (n0 + BC - 1) // BC
    off1 = nb0 * BC

    carry = ones_before
    for v in range(CHUNK // 16):
        t16 = mytbuf[pl.ds(v * 16, 16)]
        incl = jnp.cumsum(t16)
        c1x = carry + incl - t16
        ilin = base + v * 16 + lax.iota(jnp.int32, 16)
        c0x = ilin - c1x
        dstbuf[pl.ds(v * 16, 16)] = jnp.where(t16 > 0, off1 + c1x, c0x)
        carry = carry + jnp.sum(t16)

    pltpu.sync_copy(dstbuf, dst_hbm.at[pl.ds(base, CHUNK)])

    def fill_idx(idx_v, s_i):
        for u in range(SUB // 16):
            idx_v[pl.ds(u * 16, 16)] = dstbuf[pl.ds(s_i * SUB + u * 16, 16)]

    fill_idx(idxa, 0)
    fill_idx(idxb, 1)
    fill_idx(idxc, 2)
    in_a.wait()
    out_a = pltpu.async_copy(bufa, xs_hbm.at[idxa], sema)
    in_b.wait()
    out_b = pltpu.async_copy(bufb, xs_hbm.at[idxb], semb)
    in_c.wait()
    out_c = pltpu.async_copy(bufc, xs_hbm.at[idxc], semc)
    out_a.wait()
    in_a2 = pltpu.async_copy(x_hbm.at[pl.ds(base + 3 * SUB, SUB)], bufa, sema)
    fill_idx(idxa, 3)
    in_a2.wait()
    out_a2 = pltpu.async_copy(bufa, xs_hbm.at[idxa], sema)
    out_b.wait()
    out_c.wait()
    out_a2.wait()

    @pl.when(wid == 0)
    def _():
        g = lax.iota(jnp.int32, 16)
        bebuf[pl.ds(0, 16)] = (g >= nb0).astype(jnp.int32)
        bebuf[pl.ds(16, 16)] = ((g + 16) >= nb0).astype(jnp.int32)
        pltpu.sync_copy(bebuf, be_hbm)


def _moe_body(be_ref, xs_ref, w1_ref, b1_ref, w2_ref, b2_ref, o_ref):
    xb = xs_ref[...]
    dn = (((1,), (1,)), ((), ()))
    h = jax.nn.relu(
        jax.lax.dot_general(xb, w1_ref[0], dn, preferred_element_type=jnp.float32)
        + b1_ref[0])
    o2 = (jax.lax.dot_general(h, w2_ref[0], dn, preferred_element_type=jnp.float32)
          + b2_ref[0])
    o_ref[...] = jnp.concatenate(
        [o2, jnp.zeros((BC, OW - 2), jnp.float32)], axis=1)


def _sc_gather_body(os_hbm, dst_hbm, out_hbm, dstbuf, rows, sem):
    wid = lax.axis_index("s") * NC + lax.axis_index("c")
    pltpu.sync_copy(dst_hbm.at[pl.ds(wid * CHUNK, CHUNK)], dstbuf)
    pltpu.async_copy(os_hbm.at[dstbuf], rows, sem).wait()
    pltpu.sync_copy(rows, out_hbm.at[pl.ds(wid * CHUNK, CHUNK)])


_sc_mesh = plsc.VectorSubcoreMesh(core_axis_name="c", subcore_axis_name="s")

_sc_params = pltpu.CompilerParams(needs_layout_passes=False)

_sc_scatter = functools.partial(
    pl.kernel, _sc_scatter_body, mesh=_sc_mesh,
    compiler_params=_sc_params,
    out_type=[
        jax.ShapeDtypeStruct((BP, D), jnp.float32),
        jax.ShapeDtypeStruct((B,), jnp.int32),
        jax.ShapeDtypeStruct((NW,), jnp.int32),
    ],
    scratch_types=[
        pltpu.VMEM((B,), jnp.int32),
        pltpu.VMEM((CHUNK,), jnp.int32),
        pltpu.VMEM((CHUNK,), jnp.int32),
        pltpu.VMEM((SUB, D), jnp.float32),
        pltpu.VMEM((SUB, D), jnp.float32),
        pltpu.VMEM((SUB, D), jnp.float32),
        pltpu.VMEM((SUB,), jnp.int32),
        pltpu.VMEM((SUB,), jnp.int32),
        pltpu.VMEM((SUB,), jnp.int32),
        pltpu.VMEM((NW,), jnp.int32),
        pltpu.SemaphoreType.DMA,
        pltpu.SemaphoreType.DMA,
        pltpu.SemaphoreType.DMA,
    ],
)

_sc_gather = functools.partial(
    pl.kernel, _sc_gather_body, mesh=_sc_mesh,
    compiler_params=_sc_params,
    out_type=[jax.ShapeDtypeStruct((B, OW), jnp.float32)],
    scratch_types=[
        pltpu.VMEM((CHUNK,), jnp.int32),
        pltpu.VMEM((CHUNK, OW), jnp.float32),
        pltpu.SemaphoreType.DMA,
    ],
)


def kernel(x, w1, b1, w2, b2, prototypes):
    b1r = b1.reshape(2, 1, H)
    b2r = b2.reshape(2, 1, 2)

    t2d = pl.pallas_call(
        _route_body,
        grid=(B // BM,),
        in_specs=[
            pl.BlockSpec((BM, D), lambda i: (i, 0)),
            pl.BlockSpec((2, D), lambda i: (0, 0)),
        ],
        out_specs=pl.BlockSpec((BM, 1), lambda i: (i, 0)),
        out_shape=jax.ShapeDtypeStruct((B, 1), jnp.int32),
    )(x, prototypes)
    t_flat = t2d.reshape(B)

    xs, dst, be = _sc_scatter()(x, t_flat)
    return xs[:B, :2] + be[0] + dst[0]

# --- scband reference (transcript-rebuilt; emitter-appended) ---
"""Pipeline reference for scband-dnavault-paradox-57312043598258 (READ-ONLY COPY).

The authoritative reference and input builder live on the scoring server;
editing this copy changes nothing except your own understanding.
"""

import jax, jax.numpy as jnp
import numpy as np

B, D, H = 4096, 1024, 2048

def setup_inputs(seed: int = 0) -> dict:
    key = jax.random.key(seed)
    ks = jax.random.split(key, 5)
    x = jax.random.normal(ks[0], (B, D), dtype=jnp.float32)
    # learned parameters sized per init_kwargs (2 task experts)
    w1 = jax.random.normal(ks[1], (2, H, D), dtype=jnp.float32) * (2.0 / D) ** 0.5
    b1 = jnp.zeros((2, H), dtype=jnp.float32)
    w2 = jax.random.normal(ks[2], (2, 2, H), dtype=jnp.float32) * (2.0 / H) ** 0.5
    b2 = jnp.zeros((2, 2), dtype=jnp.float32)
    # prototypes buffer (randomized slightly to exercise both routing branches)
    prototypes = jax.random.normal(ks[3], (2, D), dtype=jnp.float32) * 0.1
    return {"x": x, "w1": w1, "b1": b1, "w2": w2, "b2": b2, "prototypes": prototypes}

def reference(x, w1, b1, w2, b2, prototypes):
    # task_id is None at inference: route each token to nearest prototype (cdist + argmin)
    diff = x[:, None, :] - prototypes[None, :, :]            # [B, 2, D]
    dists = jnp.sqrt(jnp.sum(diff * diff, axis=-1))          # [B, 2] euclidean, matches torch.cdist p=2
    t = jnp.argmin(dists, axis=1)                            # [B] int routing decision
    # per-token expert FFN: out_i = w2[t_i] @ relu(w1[t_i] @ x_i + b1[t_i]) + b2[t_i]
    # computed densely for both experts then gathered per token (identical math to the python loop)
    h = jax.nn.relu(jnp.einsum('bd,ehd->ebh', x, w1) + b1[:, None, :])   # [2, B, H]
    out_all = jnp.einsum('ebh,eoh->ebo', h, w2) + b2[:, None, :]         # [2, B, 2]
    out = out_all[t, jnp.arange(x.shape[0])]                              # [B, 2] gather by routing index
    return out

if __name__ == "__main__":
    import jax
    _d = setup_inputs()
    print(jax.jit(kernel)(*tuple(_d.values())))

</pallas_src>

<mosaic_0001>
#map = affine_map<(d0, d1) -> (0, 0)>
#map1 = affine_map<(d0, d1) -> (0)>
module attributes {stable_mosaic.version = 14 : i64} {
  func.func @_sc_scatter_body(%arg0: i32, %arg1: i32, %arg2: memref<4096x1024xf32, #tpu.memory_space<hbm>>, %arg3: memref<4096xi32, #tpu.memory_space<hbm>>, %arg4: memref<4608x1024xf32, #tpu.memory_space<hbm>>, %arg5: memref<4096xi32, #tpu.memory_space<hbm>>, %arg6: memref<32xi32, #tpu.memory_space<hbm>>, %arg7: memref<4096xi32, #tpu.memory_space<vmem>>, %arg8: memref<128xi32, #tpu.memory_space<vmem>>, %arg9: memref<128xi32, #tpu.memory_space<vmem>>, %arg10: memref<32x1024xf32, #tpu.memory_space<vmem>>, %arg11: memref<32x1024xf32, #tpu.memory_space<vmem>>, %arg12: memref<32x1024xf32, #tpu.memory_space<vmem>>, %arg13: memref<32xi32, #tpu.memory_space<vmem>>, %arg14: memref<32xi32, #tpu.memory_space<vmem>>, %arg15: memref<32xi32, #tpu.memory_space<vmem>>, %arg16: memref<32xi32, #tpu.memory_space<vmem>>, %arg17: memref<!tpu.dma_semaphore, #tpu.memory_space<semaphore_mem>>, %arg18: memref<!tpu.dma_semaphore, #tpu.memory_space<semaphore_mem>>, %arg19: memref<!tpu.dma_semaphore, #tpu.memory_space<semaphore_mem>>) attributes {dimension_semantics = [#tpu.dimension_semantics<core_parallel>, #tpu.dimension_semantics<subcore_parallel>], iteration_bounds = array<i64: 2, 16>, scalar_prefetch = 0 : i64, scratch_operands = 13 : i64, tpu.core_type = #tpu.core_type<sc_vector_subcore>, window_params = [{transform_indices = #map}, {transform_indices = #map1}, {transform_indices = #map}, {transform_indices = #map1}, {transform_indices = #map1}]} {
    %mul3A = arith.constant 2 : i32
    %mul3A_0 = arith.muli %arg1, %mul3A : i32
    %add3A = arith.addi %mul3A_0, %arg0 : i32
    %mul3A_1 = arith.constant 8 : i32
    %mul3A_2 = arith.muli %add3A, %mul3A_1 : i32
    %mul3A_3 = arith.constant 128 : i32
    %mul3A_4 = arith.muli %add3A, %mul3A_3 : i32
    %add3A_5 = arith.constant 0 : i32
    %add3A_6 = arith.addi %mul3A_4, %add3A_5 : i32
    %dma_start3A = arith.constant 0 : i32
    %dma_start3A_7 = tpu.memref_slice %arg2[%add3A_6, %dma_start3A] : memref<4096x1024xf32, #tpu.memory_space<hbm>> -> memref<32x1024xf32, #tpu.memory_space<hbm>>
    %dma_start3A_8 = arith.constant 0 : i32
    %dma_start3A_9 = tpu.memref_slice %arg2[%add3A_6, %dma_start3A_8] : memref<4096x1024xf32, #tpu.memory_space<hbm>> -> memref<32x1024xf32, #tpu.memory_space<hbm>>
    tpu.enqueue_dma source(%dma_start3A_9 : memref<32x1024xf32, #tpu.memory_space<hbm>>) target(%arg10 : memref<32x1024xf32, #tpu.memory_space<vmem>>) target_semaphore(%arg17 : memref<!tpu.dma_semaphore, #tpu.memory_space<semaphore_mem>>)
    %add3A_10 = arith.constant 32 : i32
    %add3A_11 = arith.addi %mul3A_4, %add3A_10 : i32
    %dma_start3A_12 = arith.constant 0 : i32
    %dma_start3A_13 = tpu.memref_slice %arg2[%add3A_11, %dma_start3A_12] : memref<4096x1024xf32, #tpu.memory_space<hbm>> -> memref<32x1024xf32, #tpu.memory_space<hbm>>
    %dma_start3A_14 = arith.constant 0 : i32
    %dma_start3A_15 = tpu.memref_slice %arg2[%add3A_11, %dma_start3A_14] : memref<4096x1024xf32, #tpu.memory_space<hbm>> -> memref<32x1024xf32, #tpu.memory_space<hbm>>
    tpu.enqueue_dma source(%dma_start3A_15 : memref<32x1024xf32, #tpu.memory_space<hbm>>) target(%arg11 : memref<32x1024xf32, #tpu.memory_space<vmem>>) target_semaphore(%arg18 : memref<!tpu.dma_semaphore, #tpu.memory_space<semaphore_mem>>)
    %add3A_16 = arith.constant 64 : i32
    %add3A_17 = arith.addi %mul3A_4, %add3A_16 : i32
    %dma_start3A_18 = arith.constant 0 : i32
    %dma_start3A_19 = tpu.memref_slice %arg2[%add3A_17, %dma_start3A_18] : memref<4096x1024xf32, #tpu.memory_space<hbm>> -> memref<32x1024xf32, #tpu.memory_space<hbm>>
    %dma_start3A_20 = arith.constant 0 : i32
    %dma_start3A_21 = tpu.memref_slice %arg2[%add3A_17, %dma_start3A_20] : memref<4096x1024xf32, #tpu.memory_space<hbm>> -> memref<32x1024xf32, #tpu.memory_space<hbm>>
    tpu.enqueue_dma source(%dma_start3A_21 : memref<32x1024xf32, #tpu.memory_space<hbm>>) target(%arg12 : memref<32x1024xf32, #tpu.memory_space<vmem>>) target_semaphore(%arg19 : memref<!tpu.dma_semaphore, #tpu.memory_space<semaphore_mem>>)
    "tpu.region"() ({
      %run_scoped3A = tpu.sem_alloc : memref<!tpu.dma_semaphore, #tpu.memory_space<semaphore_mem>>
      tpu.enqueue_dma source(%arg3 : memref<4096xi32, #tpu.memory_space<hbm>>) target(%arg7 : memref<4096xi32, #tpu.memory_space<vmem>>) target_semaphore(%run_scoped3A : memref<!tpu.dma_semaphore, #tpu.memory_space<semaphore_mem>>)
      tpu.wait_dma2 semaphore(%run_scoped3A : memref<!tpu.dma_semaphore, #tpu.memory_space<semaphore_mem>>) src(%arg3 : memref<4096xi32, #tpu.memory_space<hbm>>) dst(%arg7 : memref<4096xi32, #tpu.memory_space<vmem>>)
      tpu.yield
    }) : () -> ()
    "tpu.region"() ({
      %run_scoped3A = tpu.sem_alloc : memref<!tpu.dma_semaphore, #tpu.memory_space<semaphore_mem>>
      %dma_start3A_2136 = tpu.memref_slice %arg3[%mul3A_4] : memref<4096xi32, #tpu.memory_space<hbm>> -> memref<128xi32, #tpu.memory_space<hbm>>
      %dma_start3A_2137 = tpu.memref_slice %arg3[%mul3A_4] : memref<4096xi32, #tpu.memory_space<hbm>> -> memref<128xi32, #tpu.memory_space<hbm>>
      tpu.enqueue_dma source(%dma_start3A_2137 : memref<128xi32, #tpu.memory_space<hbm>>) target(%arg8 : memref<128xi32, #tpu.memory_space<vmem>>) target_semaphore(%run_scoped3A : memref<!tpu.dma_semaphore, #tpu.memory_space<semaphore_mem>>)
      %dma_wait3A_2138 = tpu.memref_slice %arg3[%mul3A_4] : memref<4096xi32, #tpu.memory_space<hbm>> -> memref<128xi32, #tpu.memory_space<hbm>>
      %dma_wait3A_2139 = tpu.memref_slice %arg3[%mul3A_4] : memref<4096xi32, #tpu.memory_space<hbm>> -> memref<128xi32, #tpu.memory_space<hbm>>
      tpu.wait_dma2 semaphore(%run_scoped3A : memref<!tpu.dma_semaphore, #tpu.memory_space<semaphore_mem>>) src(%dma_wait3A_2139 : memref<128xi32, #tpu.memory_space<hbm>>) dst(%arg8 : memref<128xi32, #tpu.memory_space<vmem>>)
      tpu.yield
    }) : () -> ()
    %broadcast_in_dim3A = arith.constant 0 : i32
    %broadcast_in_dim3A_22 = vector.broadcast %broadcast_in_dim3A : i32 to vector<16xi32>
    %get3A = arith.constant 0 : index
    %get3A_23 = tpu.vector_load %arg7[%get3A] {strides = array<i32>} : memref<4096xi32, #tpu.memory_space<vmem>>, vector<16xi32>,
    %gt3A = arith.constant 0 : i32
    %gt3A_24 = arith.cmpi sgt, %mul3A_2, %gt3A : i32
    %select_n3A = arith.select %gt3A_24, %get3A_23, %broadcast_in_dim3A_22 : vector<16xi32>
    %add3A_25 = arith.addi %broadcast_in_dim3A_22, %select_n3A : vector<16xi32>
    %add3A_26 = arith.addi %broadcast_in_dim3A_22, %get3A_23 : vector<16xi32>
    %get3A_27 = arith.constant 16 : index
    %get3A_28 = tpu.vector_load %arg7[%get3A_27] {strides = array<i32>} : memref<4096xi32, #tpu.memory_space<vmem>>, vector<16xi32>,
    %gt3A_29 = arith.constant 1 : i32
    %gt3A_30 = arith.cmpi sgt, %mul3A_2, %gt3A_29 : i32
    %select_n3A_31 = arith.select %gt3A_30, %get3A_28, %broadcast_in_dim3A_22 : vector<16xi32>
    %add3A_32 = arith.addi %add3A_25, %select_n3A_31 : vector<16xi32>
    %add3A_33 = arith.addi %add3A_26, %get3A_28 : vector<16xi32>
    %get3A_34 = arith.constant 32 : index
    %get3A_35 = tpu.vector_load %arg7[%get3A_34] {strides = array<i32>} : memref<4096xi32, #tpu.memory_space<vmem>>, vector<16xi32>,
    %gt3A_36 = arith.constant 2 : i32
    %gt3A_37 = arith.cmpi sgt, %mul3A_2, %gt3A_36 : i32
    %select_n3A_38 = arith.select %gt3A_37, %get3A_35, %broadcast_in_dim3A_22 : vector<16xi32>
    %add3A_39 = arith.addi %add3A_32, %select_n3A_38 : vector<16xi32>
    %add3A_40 = arith.addi %add3A_33, %get3A_35 : vector<16xi32>
    %get3A_41 = arith.constant 48 : index
    %get3A_42 = tpu.vector_load %arg7[%get3A_41] {strides = array<i32>} : memref<4096xi32, #tpu.memory_space<vmem>>, vector<16xi32>,
    %gt3A_43 = arith.constant 3 : i32
    %gt3A_44 = arith.cmpi sgt, %mul3A_2, %gt3A_43 : i32
    %select_n3A_45 = arith.select %gt3A_44, %get3A_42, %broadcast_in_dim3A_22 : vector<16xi32>
    %add3A_46 = arith.addi %add3A_39, %select_n3A_45 : vector<16xi32>
    %add3A_47 = arith.addi %add3A_40, %get3A_42 : vector<16xi32>
    %get3A_48 = arith.constant 64 : index
    %get3A_49 = tpu.vector_load %arg7[%get3A_48] {strides = array<i32>} : memref<4096xi32, #tpu.memory_space<vmem>>, vector<16xi32>,
    %gt3A_50 = arith.constant 4 : i32
    %gt3A_51 = arith.cmpi sgt, %mul3A_2, %gt3A_50 : i32
    %select_n3A_52 = arith.select %gt3A_51, %get3A_49, %broadcast_in_dim3A_22 : vector<16xi32>
    %add3A_53 = arith.addi %add3A_46, %select_n3A_52 : vector<16xi32>
    %add3A_54 = arith.addi %add3A_47, %get3A_49 : vector<16xi32>
    %get3A_55 = arith.constant 80 : index
    %get3A_56 = tpu.vector_load %arg7[%get3A_55] {strides = array<i32>} : memref<4096xi32, #tpu.memory_space<vmem>>, vector<16xi32>,
    %gt3A_57 = arith.constant 5 : i32
    %gt3A_58 = arith.cmpi sgt, %mul3A_2, %gt3A_57 : i32
    %select_n3A_59 = arith.select %gt3A_58, %get3A_56, %broadcast_in_dim3A_22 : vector<16xi32>
    %add3A_60 = arith.addi %add3A_53, %select_n3A_59 : vector<16xi32>
    %add3A_61 = arith.addi %add3A_54, %get3A_56 : vector<16xi32>
    %get3A_62 = arith.constant 96 : index
    %get3A_63 = tpu.vector_load %arg7[%get3A_62] {strides = array<i32>} : memref<4096xi32, #tpu.memory_space<vmem>>, vector<16xi32>,
    %gt3A_64 = arith.constant 6 : i32
    %gt3A_65 = arith.cmpi sgt, %mul3A_2, %gt3A_64 : i32
    %select_n3A_66 = arith.select %gt3A_65, %get3A_63, %broadcast_in_dim3A_22 : vector<16xi32>
    %add3A_67 = arith.addi %add3A_60, %select_n3A_66 : vector<16xi32>
    %add3A_68 = arith.addi %add3A_61, %get3A_63 : vector<16xi32>
    %get3A_69 = arith.constant 112 : index
    %get3A_70 = tpu.vector_load %arg7[%get3A_69] {strides = array<i32>} : memref<4096xi32, #tpu.memory_space<vmem>>, vector<16xi32>,
    %gt3A_71 = arith.constant 7 : i32
    %gt3A_72 = arith.cmpi sgt, %mul3A_2, %gt3A_71 : i32
    %select_n3A_73 = arith.select %gt3A_72, %get3A_70, %broadcast_in_dim3A_22 : vector<16xi32>
    %add3A_74 = arith.addi %add3A_67, %select_n3A_73 : vector<16xi32>
    %add3A_75 = arith.addi %add3A_68, %get3A_70 : vector<16xi32>
    %get3A_76 = arith.constant 128 : index
    %get3A_77 = tpu.vector_load %arg7[%get3A_76] {strides = array<i32>} : memref<4096xi32, #tpu.memory_space<vmem>>, vector<16xi32>,
    %gt3A_78 = arith.constant 8 : i32
    %gt3A_79 = arith.cmpi sgt, %mul3A_2, %gt3A_78 : i32
    %select_n3A_80 = arith.select %gt3A_79, %get3A_77, %broadcast_in_dim3A_22 : vector<16xi32>
    %add3A_81 = arith.addi %add3A_74, %select_n3A_80 : vector<16xi32>
    %add3A_82 = arith.addi %add3A_75, %get3A_77 : vector<16xi32>
    %get3A_83 = arith.constant 144 : index
    %get3A_84 = tpu.vector_load %arg7[%get3A_83] {strides = array<i32>} : memref<4096xi32, #tpu.memory_space<vmem>>, vector<16xi32>,
    %gt3A_85 = arith.constant 9 : i32
    %gt3A_86 = arith.cmpi sgt, %mul3A_2, %gt3A_85 : i32
    %select_n3A_87 = arith.select %gt3A_86, %get3A_84, %broadcast_in_dim3A_22 : vector<16xi32>
    %add3A_88 = arith.addi %add3A_81, %select_n3A_87 : vector<16xi32>
    %add3A_89 = arith.addi %add3A_82, %get3A_84 : vector<16xi32>
    %get3A_90 = arith.constant 160 : index
    %get3A_91 = tpu.vector_load %arg7[%get3A_90] {strides = array<i32>} : memref<4096xi32, #tpu.memory_space<vmem>>, vector<16xi32>,
    %gt3A_92 = arith.constant 10 : i32
    %gt3A_93 = arith.cmpi sgt, %mul3A_2, %gt3A_92 : i32
    %select_n3A_94 = arith.select %gt3A_93, %get3A_91, %broadcast_in_dim3A_22 : vector<16xi32>
    %add3A_95 = arith.addi %add3A_88, %select_n3A_94 : vector<16xi32>
    %add3A_96 = arith.addi %add3A_89, %get3A_91 : vector<16xi32>
    %get3A_97 = arith.constant 176 : index
    %get3A_98 = tpu.vector_load %arg7[%get3A_97] {strides = array<i32>} : memref<4096xi32, #tpu.memory_space<vmem>>, vector<16xi32>,
    %gt3A_99 = arith.constant 11 : i32
    %gt3A_100 = arith.cmpi sgt, %mul3A_2, %gt3A_99 : i32
    %select_n3A_101 = arith.select %gt3A_100, %get3A_98, %broadcast_in_dim3A_22 : vector<16xi32>
    %add3A_102 = arith.addi %add3A_95, %select_n3A_101 : vector<16xi32>
    %add3A_103 = arith.addi %add3A_96, %get3A_98 : vector<16xi32>
    %get3A_104 = arith.constant 192 : index
    %get3A_105 = tpu.vector_load %arg7[%get3A_104] {strides = array<i32>} : memref<4096xi32, #tpu.memory_space<vmem>>, vector<16xi32>,
    %gt3A_106 = arith.constant 12 : i32
    %gt3A_107 = arith.cmpi sgt, %mul3A_2, %gt3A_106 : i32
    %select_n3A_108 = arith.select %gt3A_107, %get3A_105, %broadcast_in_dim3A_22 : vector<16xi32>
    %add3A_109 = arith.addi %add3A_102, %select_n3A_108 : vector<16xi32>
    %add3A_110 = arith.addi %add3A_103, %get3A_105 : vector<16xi32>
    %get3A_111 = arith.constant 208 : index
    %get3A_112 = tpu.vector_load %arg7[%get3A_111] {strides = array<i32>} : memref<4096xi32, #tpu.memory_space<vmem>>, vector<16xi32>,
    %gt3A_113 = arith.constant 13 : i32
    %gt3A_114 = arith.cmpi sgt, %mul3A_2, %gt3A_113 : i32
    %select_n3A_115 = arith.select %gt3A_114, %get3A_112, %broadcast_in_dim3A_22 : vector<16xi32>
    %add3A_116 = arith.addi %add3A_109, %select_n3A_115 : vector<16xi32>
    %add3A_117 = arith.addi %add3A_110, %get3A_112 : vector<16xi32>
    %get3A_118 = arith.constant 224 : index
    %get3A_119 = tpu.vector_load %arg7[%get3A_118] {strides = array<i32>} : memref<4096xi32, #tpu.memory_space<vmem>>, vector<16xi32>,
    %gt3A_120 = arith.constant 14 : i32
    %gt3A_121 = arith.cmpi sgt, %mul3A_2, %gt3A_120 : i32
    %select_n3A_122 = arith.select %gt3A_121, %get3A_119, %broadcast_in_dim3A_22 : vector<16xi32>
    %add3A_123 = arith.addi %add3A_116, %select_n3A_122 : vector<16xi32>
    %add3A_124 = arith.addi %add3A_117, %get3A_119 : vector<16xi32>
    %get3A_125 = arith.constant 240 : index
    %get3A_126 = tpu.vector_load %arg7[%get3A_125] {strides = array<i32>} : memref<4096xi32, #tpu.memory_space<vmem>>, vector<16xi32>,
    %gt3A_127 = arith.constant 15 : i32
    %gt3A_128 = arith.cmpi sgt, %mul3A_2, %gt3A_127 : i32
    %select_n3A_129 = arith.select %gt3A_128, %get3A_126, %broadcast_in_dim3A_22 : vector<16xi32>
    %add3A_130 = arith.addi %add3A_123, %select_n3A_129 : vector<16xi32>
    %add3A_131 = arith.addi %add3A_124, %get3A_126 : vector<16xi32>
    %get3A_132 = arith.constant 256 : index
    %get3A_133 = tpu.vector_load %arg7[%get3A_132] {strides = array<i32>} : memref<4096xi32, #tpu.memory_space<vmem>>, vector<16xi32>,
    %gt3A_134 = arith.constant 16 : i32
    %gt3A_135 = arith.cmpi sgt, %mul3A_2, %gt3A_134 : i32
    %select_n3A_136 = arith.select %gt3A_135, %get3A_133, %broadcast_in_dim3A_22 : vector<16xi32>
    %add3A_137 = arith.addi %add3A_130, %select_n3A_136 : vector<16xi32>
    %add3A_138 = arith.addi %add3A_131, %get3A_133 : vector<16xi32>
    %get3A_139 = arith.constant 272 : index
    %get3A_140 = tpu.vector_load %arg7[%get3A_139] {strides = array<i32>} : memref<4096xi32, #tpu.memory_space<vmem>>, vector<16xi32>,
    %gt3A_141 = arith.constant 17 : i32
    %gt3A_142 = arith.cmpi sgt, %mul3A_2, %gt3A_141 : i32
    %select_n3A_143 = arith.select %gt3A_142, %get3A_140, %broadcast_in_dim3A_22 : vector<16xi32>
    %add3A_144 = arith.addi %add3A_137, %select_n3A_143 : vector<16xi32>
    %add3A_145 = arith.addi %add3A_138, %get3A_140 : vector<16xi32>
    %get3A_146 = arith.constant 288 : index
    %get3A_147 = tpu.vector_load %arg7[%get3A_146] {strides = array<i32>} : memref<4096xi32, #tpu.memory_space<vmem>>, vector<16xi32>,
    %gt3A_148 = arith.constant 18 : i32
    %gt3A_149 = arith.cmpi sgt, %mul3A_2, %gt3A_148 : i32
    %select_n3A_150 = arith.select %gt3A_149, %get3A_147, %broadcast_in_dim3A_22 : vector<16xi32>
    %add3A_151 = arith.addi %add3A_144, %select_n3A_150 : vector<16xi32>
    %add3A_152 = arith.addi %add3A_145, %get3A_147 : vector<16xi32>
    %get3A_153 = arith.constant 304 : index
    %get3A_154 = tpu.vector_load %arg7[%get3A_153] {strides = array<i32>} : memref<4096xi32, #tpu.memory_space<vmem>>, vector<16xi32>,
    %gt3A_155 = arith.constant 19 : i32
    %gt3A_156 = arith.cmpi sgt, %mul3A_2, %gt3A_155 : i32
    %select_n3A_157 = arith.select %gt3A_156, %get3A_154, %broadcast_in_dim3A_22 : vector<16xi32>
    %add3A_158 = arith.addi %add3A_151, %select_n3A_157 : vector<16xi32>
    %add3A_159 = arith.addi %add3A_152, %get3A_154 : vector<16xi32>
    %get3A_160 = arith.constant 320 : index
    %get3A_161 = tpu.vector_load %arg7[%get3A_160] {strides = array<i32>} : memref<4096xi32, #tpu.memory_space<vmem>>, vector<16xi32>,
    %gt3A_162 = arith.constant 20 : i32
    %gt3A_163 = arith.cmpi sgt, %mul3A_2, %gt3A_162 : i32
    %select_n3A_164 = arith.select %gt3A_163, %get3A_161, %broadcast_in_dim3A_22 : vector<16xi32>
    %add3A_165 = arith.addi %add3A_158, %select_n3A_164 : vector<16xi32>
    %add3A_166 = arith.addi %add3A_159, %get3A_161 : vector<16xi32>
    %get3A_167 = arith.constant 336 : index
    %get3A_168 = tpu.vector_load %arg7[%get3A_167] {strides = array<i32>} : memref<4096xi32, #tpu.memory_space<vmem>>, vector<16xi32>,
    %gt3A_169 = arith.constant 21 : i32
    %gt3A_170 = arith.cmpi sgt, %mul3A_2, %gt3A_169 : i32
    %select_n3A_171 = arith.select %gt3A_170, %get3A_168, %broadcast_in_dim3A_22 : vector<16xi32>
    %add3A_172 = arith.addi %add3A_165, %select_n3A_171 : vector<16xi32>
    %add3A_173 = arith.addi %add3A_166, %get3A_168 : vector<16xi32>
    %get3A_174 = arith.constant 352 : index
    %get3A_175 = tpu.vector_load %arg7[%get3A_174] {strides = array<i32>} : memref<4096xi32, #tpu.memory_space<vmem>>, vector<16xi32>,
    %gt3A_176 = arith.constant 22 : i32
    %gt3A_177 = arith.cmpi sgt, %mul3A_2, %gt3A_176 : i32
    %select_n3A_178 = arith.select %gt3A_177, %get3A_175, %broadcast_in_dim3A_22 : vector<16xi32>
    %add3A_179 = arith.addi %add3A_172, %select_n3A_178 : vector<16xi32>
    %add3A_180 = arith.addi %add3A_173, %get3A_175 : vector<16xi32>
    %get3A_181 = arith.constant 368 : index
    %get3A_182 = tpu.vector_load %arg7[%get3A_181] {strides = array<i32>} : memref<4096xi32, #tpu.memory_space<vmem>>, vector<16xi32>,
    %gt3A_183 = arith.constant 23 : i32
    %gt3A_184 = arith.cmpi sgt, %mul3A_2, %gt3A_183 : i32
    %select_n3A_185 = arith.select %gt3A_184, %get3A_182, %broadcast_in_dim3A_22 : vector<16xi32>
    %add3A_186 = arith.addi %add3A_179, %select_n3A_185 : vector<16xi32>
    %add3A_187 = arith.addi %add3A_180, %get3A_182 : vector<16xi32>
    %get3A_188 = arith.constant 384 : index
    %get3A_189 = tpu.vector_load %arg7[%get3A_188] {strides = array<i32>} : memref<4096xi32, #tpu.memory_space<vmem>>, vector<16xi32>,
    %gt3A_190 = arith.constant 24 : i32
    %gt3A_191 = arith.cmpi sgt, %mul3A_2, %gt3A_190 : i32
    %select_n3A_192 = arith.select %gt3A_191, %get3A_189, %broadcast_in_dim3A_22 : vector<16xi32>
    %add3A_193 = arith.addi %add3A_186, %select_n3A_192 : vector<16xi32>
    %add3A_194 = arith.addi %add3A_187, %get3A_189 : vector<16xi32>
    %get3A_195 = arith.constant 400 : index
    %get3A_196 = tpu.vector_load %arg7[%get3A_195] {strides = array<i32>} : memref<4096xi32, #tpu.memory_space<vmem>>, vector<16xi32>,
    %gt3A_197 = arith.constant 25 : i32
    %gt3A_198 = arith.cmpi sgt, %mul3A_2, %gt3A_197 : i32
    %select_n3A_199 = arith.select %gt3A_198, %get3A_196, %broadcast_in_dim3A_22 : vector<16xi32>
    %add3A_200 = arith.addi %add3A_193, %select_n3A_199 : vector<16xi32>
    %add3A_201 = arith.addi %add3A_194, %get3A_196 : vector<16xi32>
    %get3A_202 = arith.constant 416 : index
    %get3A_203 = tpu.vector_load %arg7[%get3A_202] {strides = array<i32>} : memref<4096xi32, #tpu.memory_space<vmem>>, vector<16xi32>,
    %gt3A_204 = arith.constant 26 : i32
    %gt3A_205 = arith.cmpi sgt, %mul3A_2, %gt3A_204 : i32
    %select_n3A_206 = arith.select %gt3A_205, %get3A_203, %broadcast_in_dim3A_22 : vector<16xi32>
    %add3A_207 = arith.addi %add3A_200, %select_n3A_206 : vector<16xi32>
    %add3A_208 = arith.addi %add3A_201, %get3A_203 : vector<16xi32>
    %get3A_209 = arith.constant 432 : index
    %get3A_210 = tpu.vector_load %arg7[%get3A_209] {strides = array<i32>} : memref<4096xi32, #tpu.memory_space<vmem>>, vector<16xi32>,
    %gt3A_211 = arith.constant 27 : i32
    %gt3A_212 = arith.cmpi sgt, %mul3A_2, %gt3A_211 : i32
    %select_n3A_213 = arith.select %gt3A_212, %get3A_210, %broadcast_in_dim3A_22 : vector<16xi32>
    %add3A_214 = arith.addi %add3A_207, %select_n3A_213 : vector<16xi32>
    %add3A_215 = arith.addi %add3A_208, %get3A_210 : vector<16xi32>
    %get3A_216 = arith.constant 448 : index
    %get3A_217 = tpu.vector_load %arg7[%get3A_216] {strides = array<i32>} : memref<4096xi32, #tpu.memory_space<vmem>>, vector<16xi32>,
    %gt3A_218 = arith.constant 28 : i32
    %gt3A_219 = arith.cmpi sgt, %mul3A_2, %gt3A_218 : i32
    %select_n3A_220 = arith.select %gt3A_219, %get3A_217, %broadcast_in_dim3A_22 : vector<16xi32>
    %add3A_221 = arith.addi %add3A_214, %select_n3A_220 : vector<16xi32>
    %add3A_222 = arith.addi %add3A_215, %get3A_217 : vector<16xi32>
    %get3A_223 = arith.constant 464 : index
    %get3A_224 = tpu.vector_load %arg7[%get3A_223] {strides = array<i32>} : memref<4096xi32, #tpu.memory_space<vmem>>, vector<16xi32>,
    %gt3A_225 = arith.constant 29 : i32
    %gt3A_226 = arith.cmpi sgt, %mul3A_2, %gt3A_225 : i32
    %select_n3A_227 = arith.select %gt3A_226, %get3A_224, %broadcast_in_dim3A_22 : vector<16xi32>
    %add3A_228 = arith.addi %add3A_221, %select_n3A_227 : vector<16xi32>
    %add3A_229 = arith.addi %add3A_222, %get3A_224 : vector<16xi32>
    %get3A_230 = arith.constant 480 : index
    %get3A_231 = tpu.vector_load %arg7[%get3A_230] {strides = array<i32>} : memref<4096xi32, #tpu.memory_space<vmem>>, vector<16xi32>,
    %gt3A_232 = arith.constant 30 : i32
    %gt3A_233 = arith.cmpi sgt, %mul3A_2, %gt3A_232 : i32
    %select_n3A_234 = arith.select %gt3A_233, %get3A_231, %broadcast_in_dim3A_22 : vector<16xi32>
    %add3A_235 = arith.addi %add3A_228, %select_n3A_234 : vector<16xi32>
    %add3A_236 = arith.addi %add3A_229, %get3A_231 : vector<16xi32>
    %get3A_237 = arith.constant 496 : index
    %get3A_238 = tpu.vector_load %arg7[%get3A_237] {strides = array<i32>} : memref<4096xi32, #tpu.memory_space<vmem>>, vector<16xi32>,
    %gt3A_239 = arith.constant 31 : i32
    %gt3A_240 = arith.cmpi sgt, %mul3A_2, %gt3A_239 : i32
    %select_n3A_241 = arith.select %gt3A_240, %get3A_238, %broadcast_in_dim3A_22 : vector<16xi32>
    %add3A_242 = arith.addi %add3A_235, %select_n3A_241 : vector<16xi32>
    %add3A_243 = arith.addi %add3A_236, %get3A_238 : vector<16xi32>
    %get3A_244 = arith.constant 512 : index
    %get3A_245 = tpu.vector_load %arg7[%get3A_244] {strides = array<i32>} : memref<4096xi32, #tpu.memory_space<vmem>>, vector<16xi32>,
    %gt3A_246 = arith.constant 32 : i32
    %gt3A_247 = arith.cmpi sgt, %mul3A_2, %gt3A_246 : i32
    %select_n3A_248 = arith.select %gt3A_247, %get3A_245, %broadcast_in_dim3A_22 : vector<16xi32>
    %add3A_249 = arith.addi %add3A_242, %select_n3A_248 : vector<16xi32>
    %add3A_250 = arith.addi %add3A_243, %get3A_245 : vector<16xi32>
    %get3A_251 = arith.constant 528 : index
    %get3A_252 = tpu.vector_load %arg7[%get3A_251] {strides = array<i32>} : memref<4096xi32, #tpu.memory_space<vmem>>, vector<16xi32>,
    %gt3A_253 = arith.constant 33 : i32
    %gt3A_254 = arith.cmpi sgt, %mul3A_2, %gt3A_253 : i32
    %select_n3A_255 = arith.select %gt3A_254, %get3A_252, %broadcast_in_dim3A_22 : vector<16xi32>
    %add3A_256 = arith.addi %add3A_249, %select_n3A_255 : vector<16xi32>
    %add3A_257 = arith.addi %add3A_250, %get3A_252 : vector<16xi32>
    %get3A_258 = arith.constant 544 : index
    %get3A_259 = tpu.vector_load %arg7[%get3A_258] {strides = array<i32>} : memref<4096xi32, #tpu.memory_space<vmem>>, vector<16xi32>,
    %gt3A_260 = arith.constant 34 : i32
    %gt3A_261 = arith.cmpi sgt, %mul3A_2, %gt3A_260 : i32
    %select_n3A_262 = arith.select %gt3A_261, %get3A_259, %broadcast_in_dim3A_22 : vector<16xi32>
    %add3A_263 = arith.addi %add3A_256, %select_n3A_262 : vector<16xi32>
    %add3A_264 = arith.addi %add3A_257, %get3A_259 : vector<16xi32>
    %get3A_265 = arith.constant 560 : index
    %get3A_266 = tpu.vector_load %arg7[%get3A_265] {strides = array<i32>} : memref<4096xi32, #tpu.memory_space<vmem>>, vector<16xi32>,
    %gt3A_267 = arith.constant 35 : i32
    %gt3A_268 = arith.cmpi sgt, %mul3A_2, %gt3A_267 : i32
    %select_n3A_269 = arith.select %gt3A_268, %get3A_266, %broadcast_in_dim3A_22 : vector<16xi32>
    %add3A_270 = arith.addi %add3A_263, %select_n3A_269 : vector<16xi32>
    %add3A_271 = arith.addi %add3A_264, %get3A_266 : vector<16xi32>
    %get3A_272 = arith.constant 576 : index
    %get3A_273 = tpu.vector_load %arg7[%get3A_272] {strides = array<i32>} : memref<4096xi32, #tpu.memory_space<vmem>>, vector<16xi32>,
    %gt3A_274 = arith.constant 36 : i32
    %gt3A_275 = arith.cmpi sgt, %mul3A_2, %gt3A_274 : i32
    %select_n3A_276 = arith.select %gt3A_275, %get3A_273, %broadcast_in_dim3A_22 : vector<16xi32>
    %add3A_277 = arith.addi %add3A_270, %select_n3A_276 : vector<16xi32>
    %add3A_278 = arith.addi %add3A_271, %get3A_273 : vector<16xi32>
    %get3A_279 = arith.constant 592 : index
    %get3A_280 = tpu.vector_load %arg7[%get3A_279] {strides = array<i32>} : memref<4096xi32, #tpu.memory_space<vmem>>, vector<16xi32>,
    %gt3A_281 = arith.constant 37 : i32
    %gt3A_282 = arith.cmpi sgt, %mul3A_2, %gt3A_281 : i32
    %select_n3A_283 = arith.select %gt3A_282, %get3A_280, %broadcast_in_dim3A_22 : vector<16xi32>
    %add3A_284 = arith.addi %add3A_277, %select_n3A_283 : vector<16xi32>
    %add3A_285 = arith.addi %add3A_278, %get3A_280 : vector<16xi32>
    %get3A_286 = arith.constant 608 : index
    %get3A_287 = tpu.vector_load %arg7[%get3A_286] {strides = array<i32>} : memref<4096xi32, #tpu.memory_space<vmem>>, vector<16xi32>,
    %gt3A_288 = arith.constant 38 : i32
    %gt3A_289 = arith.cmpi sgt, %mul3A_2, %gt3A_288 : i32
    %select_n3A_290 = arith.select %gt3A_289, %get3A_287, %broadcast_in_dim3A_22 : vector<16xi32>
    %add3A_291 = arith.addi %add3A_284, %select_n3A_290 : vector<16xi32>
    %add3A_292 = arith.addi %add3A_285, %get3A_287 : vector<16xi32>
    %get3A_293 = arith.constant 624 : index
    %get3A_294 = tpu.vector_load %arg7[%get3A_293] {strides = array<i32>} : memref<4096xi32, #tpu.memory_space<vmem>>, vector<16xi32>,
    %gt3A_295 = arith.constant 39 : i32
    %gt3A_296 = arith.cmpi sgt, %mul3A_2, %gt3A_295 : i32
    %select_n3A_297 = arith.select %gt3A_296, %get3A_294, %broadcast_in_dim3A_22 : vector<16xi32>
    %add3A_298 = arith.addi %add3A_291, %select_n3A_297 : vector<16xi32>
    %add3A_299 = arith.addi %add3A_292, %get3A_294 : vector<16xi32>
    %get3A_300 = arith.constant 640 : index
    %get3A_301 = tpu.vector_load %arg7[%get3A_300] {strides = array<i32>} : memref<4096xi32, #tpu.memory_space<vmem>>, vector<16xi32>,
    %gt3A_302 = arith.constant 40 : i32
    %gt3A_303 = arith.cmpi sgt, %mul3A_2, %gt3A_302 : i32
    %select_n3A_304 = arith.select %gt3A_303, %get3A_301, %broadcast_in_dim3A_22 : vector<16xi32>
    %add3A_305 = arith.addi %add3A_298, %select_n3A_304 : vector<16xi32>
    %add3A_306 = arith.addi %add3A_299, %get3A_301 : vector<16xi32>
    %get3A_307 = arith.constant 656 : index
    %get3A_308 = tpu.vector_load %arg7[%get3A_307] {strides = array<i32>} : memref<4096xi32, #tpu.memory_space<vmem>>, vector<16xi32>,
    %gt3A_309 = arith.constant 41 : i32
    %gt3A_310 = arith.cmpi sgt, %mul3A_2, %gt3A_309 : i32
    %select_n3A_311 = arith.select %gt3A_310, %get3A_308, %broadcast_in_dim3A_22 : vector<16xi32>
    %add3A_312 = arith.addi %add3A_305, %select_n3A_311 : vector<16xi32>
    %add3A_313 = arith.addi %add3A_306, %get3A_308 : vector<16xi32>
    %get3A_314 = arith.constant 672 : index
    %get3A_315 = tpu.vector_load %arg7[%get3A_314] {strides = array<i32>} : memref<4096xi32, #tpu.memory_space<vmem>>, vector<16xi32>,
    %gt3A_316 = arith.constant 42 : i32
    %gt3A_317 = arith.cmpi sgt, %mul3A_2, %gt3A_316 : i32
    %select_n3A_318 = arith.select %gt3A_317, %get3A_315, %broadcast_in_dim3A_22 : vector<16xi32>
    %add3A_319 = arith.addi %add3A_312, %select_n3A_318 : vector<16xi32>
    %add3A_320 = arith.addi %add3A_313, %get3A_315 : vector<16xi32>
    %get3A_321 = arith.constant 688 : index
    %get3A_322 = tpu.vector_load %arg7[%get3A_321] {strides = array<i32>} : memref<4096xi32, #tpu.memory_space<vmem>>, vector<16xi32>,
    %gt3A_323 = arith.constant 43 : i32
    %gt3A_324 = arith.cmpi sgt, %mul3A_2, %gt3A_323 : i32
    %select_n3A_325 = arith.select %gt3A_324, %get3A_322, %broadcast_in_dim3A_22 : vector<16xi32>
    %add3A_326 = arith.addi %add3A_319, %select_n3A_325 : vector<16xi32>
    %add3A_327 = arith.addi %add3A_320, %get3A_322 : vector<16xi32>
    %get3A_328 = arith.constant 704 : index
    %get3A_329 = tpu.vector_load %arg7[%get3A_328] {strides = array<i32>} : memref<4096xi32, #tpu.memory_space<vmem>>, vector<16xi32>,
    %gt3A_330 = arith.constant 44 : i32
    %gt3A_331 = arith.cmpi sgt, %mul3A_2, %gt3A_330 : i32
    %select_n3A_332 = arith.select %gt3A_331, %get3A_329, %broadcast_in_dim3A_22 : vector<16xi32>
    %add3A_333 = arith.addi %add3A_326, %select_n3A_332 : vector<16xi32>
    %add3A_334 = arith.addi %add3A_327, %get3A_329 : vector<16xi32>
    %get3A_335 = arith.constant 720 : index
    %get3A_336 = tpu.vector_load %arg7[%get3A_335] {strides = array<i32>} : memref<4096xi32, #tpu.memory_space<vmem>>, vector<16xi32>,
    %gt3A_337 = arith.constant 45 : i32
    %gt3A_338 = arith.cmpi sgt, %mul3A_2, %gt3A_337 : i32
    %select_n3A_339 = arith.select %gt3A_338, %get3A_336, %broadcast_in_dim3A_22 : vector<16xi32>
    %add3A_340 = arith.addi %add3A_333, %select_n3A_339 : vector<16xi32>
    %add3A_341 = arith.addi %add3A_334, %get3A_336 : vector<16xi32>
    %get3A_342 = arith.constant 736 : index
    %get3A_343 = tpu.vector_load %arg7[%get3A_342] {strides = array<i32>} : memref<4096xi32, #tpu.memory_space<vmem>>, vector<16xi32>,
    %gt3A_344 = arith.constant 46 : i32
    %gt3A_345 = arith.cmpi sgt, %mul3A_2, %gt3A_344 : i32
    %select_n3A_346 = arith.select %gt3A_345, %get3A_343, %broadcast_in_dim3A_22 : vector<16xi32>
    %add3A_347 = arith.addi %add3A_340, %select_n3A_346 : vector<16xi32>
    %add3A_348 = arith.addi %add3A_341, %get3A_343 : vector<16xi32>
    %get3A_349 = arith.constant 752 : index
    %get3A_350 = tpu.vector_load %arg7[%get3A_349] {strides = array<i32>} : memref<4096xi32, #tpu.memory_space<vmem>>, vector<16xi32>,
    %gt3A_351 = arith.constant 47 : i32
    %gt3A_352 = arith.cmpi sgt, %mul3A_2, %gt3A_351 : i32
    %select_n3A_353 = arith.select %gt3A_352, %get3A_350, %broadcast_in_dim3A_22 : vector<16xi32>
    %add3A_354 = arith.addi %add3A_347, %select_n3A_353 : vector<16xi32>
    %add3A_355 = arith.addi %add3A_348, %get3A_350 : vector<16xi32>
    %get3A_356 = arith.constant 768 : index
    %get3A_357 = tpu.vector_load %arg7[%get3A_356] {strides = array<i32>} : memref<4096xi32, #tpu.memory_space<vmem>>, vector<16xi32>,
    %gt3A_358 = arith.constant 48 : i32
    %gt3A_359 = arith.cmpi sgt, %mul3A_2, %gt3A_358 : i32
    %select_n3A_360 = arith.select %gt3A_359, %get3A_357, %broadcast_in_dim3A_22 : vector<16xi32>
    %add3A_361 = arith.addi %add3A_354, %select_n3A_360 : vector<16xi32>
    %add3A_362 = arith.addi %add3A_355, %get3A_357 : vector<16xi32>
    %get3A_363 = arith.constant 784 : index
    %get3A_364 = tpu.vector_load %arg7[%get3A_363] {strides = array<i32>} : memref<4096xi32, #tpu.memory_space<vmem>>, vector<16xi32>,
    %gt3A_365 = arith.constant 49 : i32
    %gt3A_366 = arith.cmpi sgt, %mul3A_2, %gt3A_365 : i32
    %select_n3A_367 = arith.select %gt3A_366, %get3A_364, %broadcast_in_dim3A_22 : vector<16xi32>
    %add3A_368 = arith.addi %add3A_361, %select_n3A_367 : vector<16xi32>
    %add3A_369 = arith.addi %add3A_362, %get3A_364 : vector<16xi32>
    %get3A_370 = arith.constant 800 : index
    %get3A_371 = tpu.vector_load %arg7[%get3A_370] {strides = array<i32>} : memref<4096xi32, #tpu.memory_space<vmem>>, vector<16xi32>,
    %gt3A_372 = arith.constant 50 : i32
    %gt3A_373 = arith.cmpi sgt, %mul3A_2, %gt3A_372 : i32
    %select_n3A_374 = arith.select %gt3A_373, %get3A_371, %broadcast_in_dim3A_22 : vector<16xi32>
    %add3A_375 = arith.addi %add3A_368, %select_n3A_374 : vector<16xi32>
    %add3A_376 = arith.addi %add3A_369, %get3A_371 : vector<16xi32>
    %get3A_377 = arith.constant 816 : index
    %get3A_378 = tpu.vector_load %arg7[%get3A_377] {strides = array<i32>} : memref<4096xi32, #tpu.memory_space<vmem>>, vector<16xi32>,
    %gt3A_379 = arith.constant 51 : i32
    %gt3A_380 = arith.cmpi sgt, %mul3A_2, %gt3A_379 : i32
    %select_n3A_381 = arith.select %gt3A_380, %get3A_378, %broadcast_in_dim3A_22 : vector<16xi32>
    %add3A_382 = arith.addi %add3A_375, %select_n3A_381 : vector<16xi32>
    %add3A_383 = arith.addi %add3A_376, %get3A_378 : vector<16xi32>
    %get3A_384 = arith.constant 832 : index
    %get3A_385 = tpu.vector_load %arg7[%get3A_384] {strides = array<i32>} : memref<4096xi32, #tpu.memory_space<vmem>>, vector<16xi32>,
    %gt3A_386 = arith.constant 52 : i32
    %gt3A_387 = arith.cmpi sgt, %mul3A_2, %gt3A_386 : i32
    %select_n3A_388 = arith.select %gt3A_387, %get3A_385, %broadcast_in_dim3A_22 : vector<16xi32>
    %add3A_389 = arith.addi %add3A_382, %select_n3A_388 : vector<16xi32>
    %add3A_390 = arith.addi %add3A_383, %get3A_385 : vector<16xi32>
    %get3A_391 = arith.constant 848 : index
    %get3A_392 = tpu.vector_load %arg7[%get3A_391] {strides = array<i32>} : memref<4096xi32, #tpu.memory_space<vmem>>, vector<16xi32>,
    %gt3A_393 = arith.constant 53 : i32
    %gt3A_394 = arith.cmpi sgt, %mul3A_2, %gt3A_393 : i32
    %select_n3A_395 = arith.select %gt3A_394, %get3A_392, %broadcast_in_dim3A_22 : vector<16xi32>
    %add3A_396 = arith.addi %add3A_389, %select_n3A_395 : vector<16xi32>
    %add3A_397 = arith.addi %add3A_390, %get3A_392 : vector<16xi32>
    %get3A_398 = arith.constant 864 : index
    %get3A_399 = tpu.vector_load %arg7[%get3A_398] {strides = array<i32>} : memref<4096xi32, #tpu.memory_space<vmem>>, vector<16xi32>,
    %gt3A_400 = arith.constant 54 : i32
    %gt3A_401 = arith.cmpi sgt, %mul3A_2, %gt3A_400 : i32
    %select_n3A_402 = arith.select %gt3A_401, %get3A_399, %broadcast_in_dim3A_22 : vector<16xi32>
    %add3A_403 = arith.addi %add3A_396, %select_n3A_402 : vector<16xi32>
    %add3A_404 = arith.addi %add3A_397, %get3A_399 : vector<16xi32>
    %get3A_405 = arith.constant 880 : index
    %get3A_406 = tpu.vector_load %arg7[%get3A_405] {strides = array<i32>} : memref<4096xi32, #tpu.memory_space<vmem>>, vector<16xi32>,
    %gt3A_407 = arith.constant 55 : i32
    %gt3A_408 = arith.cmpi sgt, %mul3A_2, %gt3A_407 : i32
    %select_n3A_409 = arith.select %gt3A_408, %get3A_406, %broadcast_in_dim3A_22 : vector<16xi32>
    %add3A_410 = arith.addi %add3A_403, %select_n3A_409 : vector<16xi32>
    %add3A_411 = arith.addi %add3A_404, %get3A_406 : vector<16xi32>
    %get3A_412 = arith.constant 896 : index
    %get3A_413 = tpu.vector_load %arg7[%get3A_412] {strides = array<i32>} : memref<4096xi32, #tpu.memory_space<vmem>>, vector<16xi32>,
    %gt3A_414 = arith.constant 56 : i32
    %gt3A_415 = arith.cmpi sgt, %mul3A_2, %gt3A_414 : i32
    %select_n3A_416 = arith.select %gt3A_415, %get3A_413, %broadcast_in_dim3A_22 : vector<16xi32>
    %add3A_417 = arith.addi %add3A_410, %select_n3A_416 : vector<16xi32>
    %add3A_418 = arith.addi %add3A_411, %get3A_413 : vector<16xi32>
    %get3A_419 = arith.constant 912 : index
    %get3A_420 = tpu.vector_load %arg7[%get3A_419] {strides = array<i32>} : memref<4096xi32, #tpu.memory_space<vmem>>, vector<16xi32>,
    %gt3A_421 = arith.constant 57 : i32
    %gt3A_422 = arith.cmpi sgt, %mul3A_2, %gt3A_421 : i32
    %select_n3A_423 = arith.select %gt3A_422, %get3A_420, %broadcast_in_dim3A_22 : vector<16xi32>
    %add3A_424 = arith.addi %add3A_417, %select_n3A_423 : vector<16xi32>
    %add3A_425 = arith.addi %add3A_418, %get3A_420 : vector<16xi32>
    %get3A_426 = arith.constant 928 : index
    %get3A_427 = tpu.vector_load %arg7[%get3A_426] {strides = array<i32>} : memref<4096xi32, #tpu.memory_space<vmem>>, vector<16xi32>,
    %gt3A_428 = arith.constant 58 : i32
    %gt3A_429 = arith.cmpi sgt, %mul3A_2, %gt3A_428 : i32
    %select_n3A_430 = arith.select %gt3A_429, %get3A_427, %broadcast_in_dim3A_22 : vector<16xi32>
    %add3A_431 = arith.addi %add3A_424, %select_n3A_430 : vector<16xi32>
    %add3A_432 = arith.addi %add3A_425, %get3A_427 : vector<16xi32>
    %get3A_433 = arith.constant 944 : index
    %get3A_434 = tpu.vector_load %arg7[%get3A_433] {strides = array<i32>} : memref<4096xi32, #tpu.memory_space<vmem>>, vector<16xi32>,
    %gt3A_435 = arith.constant 59 : i32
    %gt3A_436 = arith.cmpi sgt, %mul3A_2, %gt3A_435 : i32
    %select_n3A_437 = arith.select %gt3A_436, %get3A_434, %broadcast_in_dim3A_22 : vector<16xi32>
    %add3A_438 = arith.addi %add3A_431, %select_n3A_437 : vector<16xi32>
    %add3A_439 = arith.addi %add3A_432, %get3A_434 : vector<16xi32>
    %get3A_440 = arith.constant 960 : index
    %get3A_441 = tpu.vector_load %arg7[%get3A_440] {strides = array<i32>} : memref<4096xi32, #tpu.memory_space<vmem>>, vector<16xi32>,
    %gt3A_442 = arith.constant 60 : i32
    %gt3A_443 = arith.cmpi sgt, %mul3A_2, %gt3A_442 : i32
    %select_n3A_444 = arith.select %gt3A_443, %get3A_441, %broadcast_in_dim3A_22 : vector<16xi32>
    %add3A_445 = arith.addi %add3A_438, %select_n3A_444 : vector<16xi32>
    %add3A_446 = arith.addi %add3A_439, %get3A_441 : vector<16xi32>
    %get3A_447 = arith.constant 976 : index
    %get3A_448 = tpu.vector_load %arg7[%get3A_447] {strides = array<i32>} : memref<4096xi32, #tpu.memory_space<vmem>>, vector<16xi32>,
    %gt3A_449 = arith.constant 61 : i32
    %gt3A_450 = arith.cmpi sgt, %mul3A_2, %gt3A_449 : i32
    %select_n3A_451 = arith.select %gt3A_450, %get3A_448, %broadcast_in_dim3A_22 : vector<16xi32>
    %add3A_452 = arith.addi %add3A_445, %select_n3A_451 : vector<16xi32>
    %add3A_453 = arith.addi %add3A_446, %get3A_448 : vector<16xi32>
    %get3A_454 = arith.constant 992 : index
    %get3A_455 = tpu.vector_load %arg7[%get3A_454] {strides = array<i32>} : memref<4096xi32, #tpu.memory_space<vmem>>, vector<16xi32>,
    %gt3A_456 = arith.constant 62 : i32
    %gt3A_457 = arith.cmpi sgt, %mul3A_2, %gt3A_456 : i32
    %select_n3A_458 = arith.select %gt3A_457, %get3A_455, %broadcast_in_dim3A_22 : vector<16xi32>
    %add3A_459 = arith.addi %add3A_452, %select_n3A_458 : vector<16xi32>
    %add3A_460 = arith.addi %add3A_453, %get3A_455 : vector<16xi32>
    %get3A_461 = arith.constant 1008 : index
    %get3A_462 = tpu.vector_load %arg7[%get3A_461] {strides = array<i32>} : memref<4096xi32, #tpu.memory_space<vmem>>, vector<16xi32>,
    %gt3A_463 = arith.constant 63 : i32
    %gt3A_464 = arith.cmpi sgt, %mul3A_2, %gt3A_463 : i32
    %select_n3A_465 = arith.select %gt3A_464, %get3A_462, %broadcast_in_dim3A_22 : vector<16xi32>
    %add3A_466 = arith.addi %add3A_459, %select_n3A_465 : vector<16xi32>
    %add3A_467 = arith.addi %add3A_460, %get3A_462 : vector<16xi32>
    %get3A_468 = arith.constant 1024 : index
    %get3A_469 = tpu.vector_load %arg7[%get3A_468] {strides = array<i32>} : memref<4096xi32, #tpu.memory_space<vmem>>, vector<16xi32>,
    %gt3A_470 = arith.constant 64 : i32
    %gt3A_471 = arith.cmpi sgt, %mul3A_2, %gt3A_470 : i32
    %select_n3A_472 = arith.select %gt3A_471, %get3A_469, %broadcast_in_dim3A_22 : vector<16xi32>
    %add3A_473 = arith.addi %add3A_466, %select_n3A_472 : vector<16xi32>
    %add3A_474 = arith.addi %add3A_467, %get3A_469 : vector<16xi32>
    %get3A_475 = arith.constant 1040 : index
    %get3A_476 = tpu.vector_load %arg7[%get3A_475] {strides = array<i32>} : memref<4096xi32, #tpu.memory_space<vmem>>, vector<16xi32>,
    %gt3A_477 = arith.constant 65 : i32
    %gt3A_478 = arith.cmpi sgt, %mul3A_2, %gt3A_477 : i32
    %select_n3A_479 = arith.select %gt3A_478, %get3A_476, %broadcast_in_dim3A_22 : vector<16xi32>
    %add3A_480 = arith.addi %add3A_473, %select_n3A_479 : vector<16xi32>
    %add3A_481 = arith.addi %add3A_474, %get3A_476 : vector<16xi32>
    %get3A_482 = arith.constant 1056 : index
    %get3A_483 = tpu.vector_load %arg7[%get3A_482] {strides = array<i32>} : memref<4096xi32, #tpu.memory_space<vmem>>, vector<16xi32>,
    %gt3A_484 = arith.constant 66 : i32
    %gt3A_485 = arith.cmpi sgt, %mul3A_2, %gt3A_484 : i32
    %select_n3A_486 = arith.select %gt3A_485, %get3A_483, %broadcast_in_dim3A_22 : vector<16xi32>
    %add3A_487 = arith.addi %add3A_480, %select_n3A_486 : vector<16xi32>
    %add3A_488 = arith.addi %add3A_481, %get3A_483 : vector<16xi32>
    %get3A_489 = arith.constant 1072 : index
    %get3A_490 = tpu.vector_load %arg7[%get3A_489] {strides = array<i32>} : memref<4096xi32, #tpu.memory_space<vmem>>, vector<16xi32>,
    %gt3A_491 = arith.constant 67 : i32
    %gt3A_492 = arith.cmpi sgt, %mul3A_2, %gt3A_491 : i32
    %select_n3A_493 = arith.select %gt3A_492, %get3A_490, %broadcast_in_dim3A_22 : vector<16xi32>
    %add3A_494 = arith.addi %add3A_487, %select_n3A_493 : vector<16xi32>
    %add3A_495 = arith.addi %add3A_488, %get3A_490 : vector<16xi32>
    %get3A_496 = arith.constant 1088 : index
    %get3A_497 = tpu.vector_load %arg7[%get3A_496] {strides = array<i32>} : memref<4096xi32, #tpu.memory_space<vmem>>, vector<16xi32>,
    %gt3A_498 = arith.constant 68 : i32
    %gt3A_499 = arith.cmpi sgt, %mul3A_2, %gt3A_498 : i32
    %select_n3A_500 = arith.select %gt3A_499, %get3A_497, %broadcast_in_dim3A_22 : vector<16xi32>
    %add3A_501 = arith.addi %add3A_494, %select_n3A_500 : vector<16xi32>
    %add3A_502 = arith.addi %add3A_495, %get3A_497 : vector<16xi32>
    %get3A_503 = arith.constant 1104 : index
    %get3A_504 = tpu.vector_load %arg7[%get3A_503] {strides = array<i32>} : memref<4096xi32, #tpu.memory_space<vmem>>, vector<16xi32>,
    %gt3A_505 = arith.constant 69 : i32
    %gt3A_506 = arith.cmpi sgt, %mul3A_2, %gt3A_505 : i32
    %select_n3A_507 = arith.select %gt3A_506, %get3A_504, %broadcast_in_dim3A_22 : vector<16xi32>
    %add3A_508 = arith.addi %add3A_501, %select_n3A_507 : vector<16xi32>
    %add3A_509 = arith.addi %add3A_502, %get3A_504 : vector<16xi32>
    %get3A_510 = arith.constant 1120 : index
    %get3A_511 = tpu.vector_load %arg7[%get3A_510] {strides = array<i32>} : memref<4096xi32, #tpu.memory_space<vmem>>, vector<16xi32>,
    %gt3A_512 = arith.constant 70 : i32
    %gt3A_513 = arith.cmpi sgt, %mul3A_2, %gt3A_512 : i32
    %select_n3A_514 = arith.select %gt3A_513, %get3A_511, %broadcast_in_dim3A_22 : vector<16xi32>
    %add3A_515 = arith.addi %add3A_508, %select_n3A_514 : vector<16xi32>
    %add3A_516 = arith.addi %add3A_509, %get3A_511 : vector<16xi32>
    %get3A_517 = arith.constant 1136 : index
    %get3A_518 = tpu.vector_load %arg7[%get3A_517] {strides = array<i32>} : memref<4096xi32, #tpu.memory_space<vmem>>, vector<16xi32>,
    %gt3A_519 = arith.constant 71 : i32
    %gt3A_520 = arith.cmpi sgt, %mul3A_2, %gt3A_519 : i32
    %select_n3A_521 = arith.select %gt3A_520, %get3A_518, %broadcast_in_dim3A_22 : vector<16xi32>
    %add3A_522 = arith.addi %add3A_515, %select_n3A_521 : vector<16xi32>
    %add3A_523 = arith.addi %add3A_516, %get3A_518 : vector<16xi32>
    %get3A_524 = arith.constant 1152 : index
    %get3A_525 = tpu.vector_load %arg7[%get3A_524] {strides = array<i32>} : memref<4096xi32, #tpu.memory_space<vmem>>, vector<16xi32>,
    %gt3A_526 = arith.constant 72 : i32
    %gt3A_527 = arith.cmpi sgt, %mul3A_2, %gt3A_526 : i32
    %select_n3A_528 = arith.select %gt3A_527, %get3A_525, %broadcast_in_dim3A_22 : vector<16xi32>
    %add3A_529 = arith.addi %add3A_522, %select_n3A_528 : vector<16xi32>
    %add3A_530 = arith.addi %add3A_523, %get3A_525 : vector<16xi32>
    %get3A_531 = arith.constant 1168 : index
    %get3A_532 = tpu.vector_load %arg7[%get3A_531] {strides = array<i32>} : memref<4096xi32, #tpu.memory_space<vmem>>, vector<16xi32>,
    %gt3A_533 = arith.constant 73 : i32
    %gt3A_534 = arith.cmpi sgt, %mul3A_2, %gt3A_533 : i32
    %select_n3A_535 = arith.select %gt3A_534, %get3A_532, %broadcast_in_dim3A_22 : vector<16xi32>
    %add3A_536 = arith.addi %add3A_529, %select_n3A_535 : vector<16xi32>
    %add3A_537 = arith.addi %add3A_530, %get3A_532 : vector<16xi32>
    %get3A_538 = arith.constant 1184 : index
    %get3A_539 = tpu.vector_load %arg7[%get3A_538] {strides = array<i32>} : memref<4096xi32, #tpu.memory_space<vmem>>, vector<16xi32>,
    %gt3A_540 = arith.constant 74 : i32
    %gt3A_541 = arith.cmpi sgt, %mul3A_2, %gt3A_540 : i32
    %select_n3A_542 = arith.select %gt3A_541, %get3A_539, %broadcast_in_dim3A_22 : vector<16xi32>
    %add3A_543 = arith.addi %add3A_536, %select_n3A_542 : vector<16xi32>
    %add3A_544 = arith.addi %add3A_537, %get3A_539 : vector<16xi32>
    %get3A_545 = arith.constant 1200 : index
    %get3A_546 = tpu.vector_load %arg7[%get3A_545] {strides = array<i32>} : memref<4096xi32, #tpu.memory_space<vmem>>, vector<16xi32>,
    %gt3A_547 = arith.constant 75 : i32
    %gt3A_548 = arith.cmpi sgt, %mul3A_2, %gt3A_547 : i32
    %select_n3A_549 = arith.select %gt3A_548, %get3A_546, %broadcast_in_dim3A_22 : vector<16xi32>
    %add3A_550 = arith.addi %add3A_543, %select_n3A_549 : vector<16xi32>
    %add3A_551 = arith.addi %add3A_544, %get3A_546 : vector<16xi32>
    %get3A_552 = arith.constant 1216 : index
    %get3A_553 = tpu.vector_load %arg7[%get3A_552] {strides = array<i32>} : memref<4096xi32, #tpu.memory_space<vmem>>, vector<16xi32>,
    %gt3A_554 = arith.constant 76 : i32
    %gt3A_555 = arith.cmpi sgt, %mul3A_2, %gt3A_554 : i32
    %select_n3A_556 = arith.select %gt3A_555, %get3A_553, %broadcast_in_dim3A_22 : vector<16xi32>
    %add3A_557 = arith.addi %add3A_550, %select_n3A_556 : vector<16xi32>
    %add3A_558 = arith.addi %add3A_551, %get3A_553 : vector<16xi32>
    %get3A_559 = arith.constant 1232 : index
    %get3A_560 = tpu.vector_load %arg7[%get3A_559] {strides = array<i32>} : memref<4096xi32, #tpu.memory_space<vmem>>, vector<16xi32>,
    %gt3A_561 = arith.constant 77 : i32
    %gt3A_562 = arith.cmpi sgt, %mul3A_2, %gt3A_561 : i32
    %select_n3A_563 = arith.select %gt3A_562, %get3A_560, %broadcast_in_dim3A_22 : vector<16xi32>
    %add3A_564 = arith.addi %add3A_557, %select_n3A_563 : vector<16xi32>
    %add3A_565 = arith.addi %add3A_558, %get3A_560 : vector<16xi32>
    %get3A_566 = arith.constant 1248 : index
    %get3A_567 = tpu.vector_load %arg7[%get3A_566] {strides = array<i32>} : memref<4096xi32, #tpu.memory_space<vmem>>, vector<16xi32>,
    %gt3A_568 = arith.constant 78 : i32
    %gt3A_569 = arith.cmpi sgt, %mul3A_2, %gt3A_568 : i32
    %select_n3A_570 = arith.select %gt3A_569, %get3A_567, %broadcast_in_dim3A_22 : vector<16xi32>
    %add3A_571 = arith.addi %add3A_564, %select_n3A_570 : vector<16xi32>
    %add3A_572 = arith.addi %add3A_565, %get3A_567 : vector<16xi32>
    %get3A_573 = arith.constant 1264 : index
    %get3A_574 = tpu.vector_load %arg7[%get3A_573] {strides = array<i32>} : memref<4096xi32, #tpu.memory_space<vmem>>, vector<16xi32>,
    %gt3A_575 = arith.constant 79 : i32
    %gt3A_576 = arith.cmpi sgt, %mul3A_2, %gt3A_575 : i32
    %select_n3A_577 = arith.select %gt3A_576, %get3A_574, %broadcast_in_dim3A_22 : vector<16xi32>
    %add3A_578 = arith.addi %add3A_571, %select_n3A_577 : vector<16xi32>
    %add3A_579 = arith.addi %add3A_572, %get3A_574 : vector<16xi32>
    %get3A_580 = arith.constant 1280 : index
    %get3A_581 = tpu.vector_load %arg7[%get3A_580] {strides = array<i32>} : memref<4096xi32, #tpu.memory_space<vmem>>, vector<16xi32>,
    %gt3A_582 = arith.constant 80 : i32
    %gt3A_583 = arith.cmpi sgt, %mul3A_2, %gt3A_582 : i32
    %select_n3A_584 = arith.select %gt3A_583, %get3A_581, %broadcast_in_dim3A_22 : vector<16xi32>
    %add3A_585 = arith.addi %add3A_578, %select_n3A_584 : vector<16xi32>
    %add3A_586 = arith.addi %add3A_579, %get3A_581 : vector<16xi32>
    %get3A_587 = arith.constant 1296 : index
    %get3A_588 = tpu.vector_load %arg7[%get3A_587] {strides = array<i32>} : memref<4096xi32, #tpu.memory_space<vmem>>, vector<16xi32>,
    %gt3A_589 = arith.constant 81 : i32
    %gt3A_590 = arith.cmpi sgt, %mul3A_2, %gt3A_589 : i32
    %select_n3A_591 = arith.select %gt3A_590, %get3A_588, %broadcast_in_dim3A_22 : vector<16xi32>
    %add3A_592 = arith.addi %add3A_585, %select_n3A_591 : vector<16xi32>
    %add3A_593 = arith.addi %add3A_586, %get3A_588 : vector<16xi32>
    %get3A_594 = arith.constant 1312 : index
    %get3A_595 = tpu.vector_load %arg7[%get3A_594] {strides = array<i32>} : memref<4096xi32, #tpu.memory_space<vmem>>, vector<16xi32>,
    %gt3A_596 = arith.constant 82 : i32
    %gt3A_597 = arith.cmpi sgt, %mul3A_2, %gt3A_596 : i32
    %select_n3A_598 = arith.select %gt3A_597, %get3A_595, %broadcast_in_dim3A_22 : vector<16xi32>
    %add3A_599 = arith.addi %add3A_592, %select_n3A_598 : vector<16xi32>
    %add3A_600 = arith.addi %add3A_593, %get3A_595 : vector<16xi32>
    %get3A_601 = arith.constant 1328 : index
    %get3A_602 = tpu.vector_load %arg7[%get3A_601] {strides = array<i32>} : memref<4096xi32, #tpu.memory_space<vmem>>, vector<16xi32>,
    %gt3A_603 = arith.constant 83 : i32
    %gt3A_604 = arith.cmpi sgt, %mul3A_2, %gt3A_603 : i32
    %select_n3A_605 = arith.select %gt3A_604, %get3A_602, %broadcast_in_dim3A_22 : vector<16xi32>
    %add3A_606 = arith.addi %add3A_599, %select_n3A_605 : vector<16xi32>
    %add3A_607 = arith.addi %add3A_600, %get3A_602 : vector<16xi32>
    %get3A_608 = arith.constant 1344 : index
    %get3A_609 = tpu.vector_load %arg7[%get3A_608] {strides = array<i32>} : memref<4096xi32, #tpu.memory_space<vmem>>, vector<16xi32>,
    %gt3A_610 = arith.constant 84 : i32
    %gt3A_611 = arith.cmpi sgt, %mul3A_2, %gt3A_610 : i32
    %select_n3A_612 = arith.select %gt3A_611, %get3A_609, %broadcast_in_dim3A_22 : vector<16xi32>
    %add3A_613 = arith.addi %add3A_606, %select_n3A_612 : vector<16xi32>
    %add3A_614 = arith.addi %add3A_607, %get3A_609 : vector<16xi32>
    %get3A_615 = arith.constant 1360 : index
    %get3A_616 = tpu.vector_load %arg7[%get3A_615] {strides = array<i32>} : memref<4096xi32, #tpu.memory_space<vmem>>, vector<16xi32>,
    %gt3A_617 = arith.constant 85 : i32
    %gt3A_618 = arith.cmpi sgt, %mul3A_2, %gt3A_617 : i32
    %select_n3A_619 = arith.select %gt3A_618, %get3A_616, %broadcast_in_dim3A_22 : vector<16xi32>
    %add3A_620 = arith.addi %add3A_613, %select_n3A_619 : vector<16xi32>
    %add3A_621 = arith.addi %add3A_614, %get3A_616 : vector<16xi32>
    %get3A_622 = arith.constant 1376 : index
    %get3A_623 = tpu.vector_load %arg7[%get3A_622] {strides = array<i32>} : memref<4096xi32, #tpu.memory_space<vmem>>, vector<16xi32>,
    %gt3A_624 = arith.constant 86 : i32
    %gt3A_625 = arith.cmpi sgt, %mul3A_2, %gt3A_624 : i32
    %select_n3A_626 = arith.select %gt3A_625, %get3A_623, %broadcast_in_dim3A_22 : vector<16xi32>
    %add3A_627 = arith.addi %add3A_620, %select_n3A_626 : vector<16xi32>
    %add3A_628 = arith.addi %add3A_621, %get3A_623 : vector<16xi32>
    %get3A_629 = arith.constant 1392 : index
    %get3A_630 = tpu.vector_load %arg7[%get3A_629] {strides = array<i32>} : memref<4096xi32, #tpu.memory_space<vmem>>, vector<16xi32>,
    %gt3A_631 = arith.constant 87 : i32
    %gt3A_632 = arith.cmpi sgt, %mul3A_2, %gt3A_631 : i32
    %select_n3A_633 = arith.select %gt3A_632, %get3A_630, %broadcast_in_dim3A_22 : vector<16xi32>
    %add3A_634 = arith.addi %add3A_627, %select_n3A_633 : vector<16xi32>
    %add3A_635 = arith.addi %add3A_628, %get3A_630 : vector<16xi32>
    %get3A_636 = arith.constant 1408 : index
    %get3A_637 = tpu.vector_load %arg7[%get3A_636] {strides = array<i32>} : memref<4096xi32, #tpu.memory_space<vmem>>, vector<16xi32>,
    %gt3A_638 = arith.constant 88 : i32
    %gt3A_639 = arith.cmpi sgt, %mul3A_2, %gt3A_638 : i32
    %select_n3A_640 = arith.select %gt3A_639, %get3A_637, %broadcast_in_dim3A_22 : vector<16xi32>
    %add3A_641 = arith.addi %add3A_634, %select_n3A_640 : vector<16xi32>
    %add3A_642 = arith.addi %add3A_635, %get3A_637 : vector<16xi32>
    %get3A_643 = arith.constant 1424 : index
    %get3A_644 = tpu.vector_load %arg7[%get3A_643] {strides = array<i32>} : memref<4096xi32, #tpu.memory_space<vmem>>, vector<16xi32>,
    %gt3A_645 = arith.constant 89 : i32
    %gt3A_646 = arith.cmpi sgt, %mul3A_2, %gt3A_645 : i32
    %select_n3A_647 = arith.select %gt3A_646, %get3A_644, %broadcast_in_dim3A_22 : vector<16xi32>
    %add3A_648 = arith.addi %add3A_641, %select_n3A_647 : vector<16xi32>
    %add3A_649 = arith.addi %add3A_642, %get3A_644 : vector<16xi32>
    %get3A_650 = arith.constant 1440 : index
    %get3A_651 = tpu.vector_load %arg7[%get3A_650] {strides = array<i32>} : memref<4096xi32, #tpu.memory_space<vmem>>, vector<16xi32>,
    %gt3A_652 = arith.constant 90 : i32
    %gt3A_653 = arith.cmpi sgt, %mul3A_2, %gt3A_652 : i32
    %select_n3A_654 = arith.select %gt3A_653, %get3A_651, %broadcast_in_dim3A_22 : vector<16xi32>
    %add3A_655 = arith.addi %add3A_648, %select_n3A_654 : vector<16xi32>
    %add3A_656 = arith.addi %add3A_649, %get3A_651 : vector<16xi32>
    %get3A_657 = arith.constant 1456 : index
    %get3A_658 = tpu.vector_load %arg7[%get3A_657] {strides = array<i32>} : memref<4096xi32, #tpu.memory_space<vmem>>, vector<16xi32>,
    %gt3A_659 = arith.constant 91 : i32
    %gt3A_660 = arith.cmpi sgt, %mul3A_2, %gt3A_659 : i32
    %select_n3A_661 = arith.select %gt3A_660, %get3A_658, %broadcast_in_dim3A_22 : vector<16xi32>
    %add3A_662 = arith.addi %add3A_655, %select_n3A_661 : vector<16xi32>
    %add3A_663 = arith.addi %add3A_656, %get3A_658 : vector<16xi32>
    %get3A_664 = arith.constant 1472 : index
    %get3A_665 = tpu.vector_load %arg7[%get3A_664] {strides = array<i32>} : memref<4096xi32, #tpu.memory_space<vmem>>, vector<16xi32>,
    %gt3A_666 = arith.constant 92 : i32
    %gt3A_667 = arith.cmpi sgt, %mul3A_2, %gt3A_666 : i32
    %select_n3A_668 = arith.select %gt3A_667, %get3A_665, %broadcast_in_dim3A_22 : vector<16xi32>
    %add3A_669 = arith.addi %add3A_662, %select_n3A_668 : vector<16xi32>
    %add3A_670 = arith.addi %add3A_663, %get3A_665 : vector<16xi32>
    %get3A_671 = arith.constant 1488 : index
    %get3A_672 = tpu.vector_load %arg7[%get3A_671] {strides = array<i32>} : memref<4096xi32, #tpu.memory_space<vmem>>, vector<16xi32>,
    %gt3A_673 = arith.constant 93 : i32
    %gt3A_674 = arith.cmpi sgt, %mul3A_2, %gt3A_673 : i32
    %select_n3A_675 = arith.select %gt3A_674, %get3A_672, %broadcast_in_dim3A_22 : vector<16xi32>
    %add3A_676 = arith.addi %add3A_669, %select_n3A_675 : vector<16xi32>
    %add3A_677 = arith.addi %add3A_670, %get3A_672 : vector<16xi32>
    %get3A_678 = arith.constant 1504 : index
    %get3A_679 = tpu.vector_load %arg7[%get3A_678] {strides = array<i32>} : memref<4096xi32, #tpu.memory_space<vmem>>, vector<16xi32>,
    %gt3A_680 = arith.constant 94 : i32
    %gt3A_681 = arith.cmpi sgt, %mul3A_2, %gt3A_680 : i32
    %select_n3A_682 = arith.select %gt3A_681, %get3A_679, %broadcast_in_dim3A_22 : vector<16xi32>
    %add3A_683 = arith.addi %add3A_676, %select_n3A_682 : vector<16xi32>
    %add3A_684 = arith.addi %add3A_677, %get3A_679 : vector<16xi32>
    %get3A_685 = arith.constant 1520 : index
    %get3A_686 = tpu.vector_load %arg7[%get3A_685] {strides = array<i32>} : memref<4096xi32, #tpu.memory_space<vmem>>, vector<16xi32>,
    %gt3A_687 = arith.constant 95 : i32
    %gt3A_688 = arith.cmpi sgt, %mul3A_2, %gt3A_687 : i32
    %select_n3A_689 = arith.select %gt3A_688, %get3A_686, %broadcast_in_dim3A_22 : vector<16xi32>
    %add3A_690 = arith.addi %add3A_683, %select_n3A_689 : vector<16xi32>
    %add3A_691 = arith.addi %add3A_684, %get3A_686 : vector<16xi32>
    %get3A_692 = arith.constant 1536 : index
    %get3A_693 = tpu.vector_load %arg7[%get3A_692] {strides = array<i32>} : memref<4096xi32, #tpu.memory_space<vmem>>, vector<16xi32>,
    %gt3A_694 = arith.constant 96 : i32
    %gt3A_695 = arith.cmpi sgt, %mul3A_2, %gt3A_694 : i32
    %select_n3A_696 = arith.select %gt3A_695, %get3A_693, %broadcast_in_dim3A_22 : vector<16xi32>
    %add3A_697 = arith.addi %add3A_690, %select_n3A_696 : vector<16xi32>
    %add3A_698 = arith.addi %add3A_691, %get3A_693 : vector<16xi32>
    %get3A_699 = arith.constant 1552 : index
    %get3A_700 = tpu.vector_load %arg7[%get3A_699] {strides = array<i32>} : memref<4096xi32, #tpu.memory_space<vmem>>, vector<16xi32>,
    %gt3A_701 = arith.constant 97 : i32
    %gt3A_702 = arith.cmpi sgt, %mul3A_2, %gt3A_701 : i32
    %select_n3A_703 = arith.select %gt3A_702, %get3A_700, %broadcast_in_dim3A_22 : vector<16xi32>
    %add3A_704 = arith.addi %add3A_697, %select_n3A_703 : vector<16xi32>
    %add3A_705 = arith.addi %add3A_698, %get3A_700 : vector<16xi32>
    %get3A_706 = arith.constant 1568 : index
    %get3A_707 = tpu.vector_load %arg7[%get3A_706] {strides = array<i32>} : memref<4096xi32, #tpu.memory_space<vmem>>, vector<16xi32>,
    %gt3A_708 = arith.constant 98 : i32
    %gt3A_709 = arith.cmpi sgt, %mul3A_2, %gt3A_708 : i32
    %select_n3A_710 = arith.select %gt3A_709, %get3A_707, %broadcast_in_dim3A_22 : vector<16xi32>
    %add3A_711 = arith.addi %add3A_704, %select_n3A_710 : vector<16xi32>
    %add3A_712 = arith.addi %add3A_705, %get3A_707 : vector<16xi32>
    %get3A_713 = arith.constant 1584 : index
    %get3A_714 = tpu.vector_load %arg7[%get3A_713] {strides = array<i32>} : memref<4096xi32, #tpu.memory_space<vmem>>, vector<16xi32>,
    %gt3A_715 = arith.constant 99 : i32
    %gt3A_716 = arith.cmpi sgt, %mul3A_2, %gt3A_715 : i32
    %select_n3A_717 = arith.select %gt3A_716, %get3A_714, %broadcast_in_dim3A_22 : vector<16xi32>
    %add3A_718 = arith.addi %add3A_711, %select_n3A_717 : vector<16xi32>
    %add3A_719 = arith.addi %add3A_712, %get3A_714 : vector<16xi32>
    %get3A_720 = arith.constant 1600 : index
    %get3A_721 = tpu.vector_load %arg7[%get3A_720] {strides = array<i32>} : memref<4096xi32, #tpu.memory_space<vmem>>, vector<16xi32>,
    %gt3A_722 = arith.constant 100 : i32
    %gt3A_723 = arith.cmpi sgt, %mul3A_2, %gt3A_722 : i32
    %select_n3A_724 = arith.select %gt3A_723, %get3A_721, %broadcast_in_dim3A_22 : vector<16xi32>
    %add3A_725 = arith.addi %add3A_718, %select_n3A_724 : vector<16xi32>
    %add3A_726 = arith.addi %add3A_719, %get3A_721 : vector<16xi32>
    %get3A_727 = arith.constant 1616 : index
    %get3A_728 = tpu.vector_load %arg7[%get3A_727] {strides = array<i32>} : memref<4096xi32, #tpu.memory_space<vmem>>, vector<16xi32>,
    %gt3A_729 = arith.constant 101 : i32
    %gt3A_730 = arith.cmpi sgt, %mul3A_2, %gt3A_729 : i32
    %select_n3A_731 = arith.select %gt3A_730, %get3A_728, %broadcast_in_dim3A_22 : vector<16xi32>
    %add3A_732 = arith.addi %add3A_725, %select_n3A_731 : vector<16xi32>
    %add3A_733 = arith.addi %add3A_726, %get3A_728 : vector<16xi32>
    %get3A_734 = arith.constant 1632 : index
    %get3A_735 = tpu.vector_load %arg7[%get3A_734] {strides = array<i32>} : memref<4096xi32, #tpu.memory_space<vmem>>, vector<16xi32>,
    %gt3A_736 = arith.constant 102 : i32
    %gt3A_737 = arith.cmpi sgt, %mul3A_2, %gt3A_736 : i32
    %select_n3A_738 = arith.select %gt3A_737, %get3A_735, %broadcast_in_dim3A_22 : vector<16xi32>
    %add3A_739 = arith.addi %add3A_732, %select_n3A_738 : vector<16xi32>
    %add3A_740 = arith.addi %add3A_733, %get3A_735 : vector<16xi32>
    %get3A_741 = arith.constant 1648 : index
    %get3A_742 = tpu.vector_load %arg7[%get3A_741] {strides = array<i32>} : memref<4096xi32, #tpu.memory_space<vmem>>, vector<16xi32>,
    %gt3A_743 = arith.constant 103 : i32
    %gt3A_744 = arith.cmpi sgt, %mul3A_2, %gt3A_743 : i32
    %select_n3A_745 = arith.select %gt3A_744, %get3A_742, %broadcast_in_dim3A_22 : vector<16xi32>
    %add3A_746 = arith.addi %add3A_739, %select_n3A_745 : vector<16xi32>
    %add3A_747 = arith.addi %add3A_740, %get3A_742 : vector<16xi32>
    %get3A_748 = arith.constant 1664 : index
    %get3A_749 = tpu.vector_load %arg7[%get3A_748] {strides = array<i32>} : memref<4096xi32, #tpu.memory_space<vmem>>, vector<16xi32>,
    %gt3A_750 = arith.constant 104 : i32
    %gt3A_751 = arith.cmpi sgt, %mul3A_2, %gt3A_750 : i32
    %select_n3A_752 = arith.select %gt3A_751, %get3A_749, %broadcast_in_dim3A_22 : vector<16xi32>
    %add3A_753 = arith.addi %add3A_746, %select_n3A_752 : vector<16xi32>
    %add3A_754 = arith.addi %add3A_747, %get3A_749 : vector<16xi32>
    %get3A_755 = arith.constant 1680 : index
    %get3A_756 = tpu.vector_load %arg7[%get3A_755] {strides = array<i32>} : memref<4096xi32, #tpu.memory_space<vmem>>, vector<16xi32>,
    %gt3A_757 = arith.constant 105 : i32
    %gt3A_758 = arith.cmpi sgt, %mul3A_2, %gt3A_757 : i32
    %select_n3A_759 = arith.select %gt3A_758, %get3A_756, %broadcast_in_dim3A_22 : vector<16xi32>
    %add3A_760 = arith.addi %add3A_753, %select_n3A_759 : vector<16xi32>
    %add3A_761 = arith.addi %add3A_754, %get3A_756 : vector<16xi32>
    %get3A_762 = arith.constant 1696 : index
    %get3A_763 = tpu.vector_load %arg7[%get3A_762] {strides = array<i32>} : memref<4096xi32, #tpu.memory_space<vmem>>, vector<16xi32>,
    %gt3A_764 = arith.constant 106 : i32
    %gt3A_765 = arith.cmpi sgt, %mul3A_2, %gt3A_764 : i32
    %select_n3A_766 = arith.select %gt3A_765, %get3A_763, %broadcast_in_dim3A_22 : vector<16xi32>
    %add3A_767 = arith.addi %add3A_760, %select_n3A_766 : vector<16xi32>
    %add3A_768 = arith.addi %add3A_761, %get3A_763 : vector<16xi32>
    %get3A_769 = arith.constant 1712 : index
    %get3A_770 = tpu.vector_load %arg7[%get3A_769] {strides = array<i32>} : memref<4096xi32, #tpu.memory_space<vmem>>, vector<16xi32>,
    %gt3A_771 = arith.constant 107 : i32
    %gt3A_772 = arith.cmpi sgt, %mul3A_2, %gt3A_771 : i32
    %select_n3A_773 = arith.select %gt3A_772, %get3A_770, %broadcast_in_dim3A_22 : vector<16xi32>
    %add3A_774 = arith.addi %add3A_767, %select_n3A_773 : vector<16xi32>
    %add3A_775 = arith.addi %add3A_768, %get3A_770 : vector<16xi32>
    %get3A_776 = arith.constant 1728 : index
    %get3A_777 = tpu.vector_load %arg7[%get3A_776] {strides = array<i32>} : memref<4096xi32, #tpu.memory_space<vmem>>, vector<16xi32>,
    %gt3A_778 = arith.constant 108 : i32
    %gt3A_779 = arith.cmpi sgt, %mul3A_2, %gt3A_778 : i32
    %select_n3A_780 = arith.select %gt3A_779, %get3A_777, %broadcast_in_dim3A_22 : vector<16xi32>
    %add3A_781 = arith.addi %add3A_774, %select_n3A_780 : vector<16xi32>
    %add3A_782 = arith.addi %add3A_775, %get3A_777 : vector<16xi32>
    %get3A_783 = arith.constant 1744 : index
    %get3A_784 = tpu.vector_load %arg7[%get3A_783] {strides = array<i32>} : memref<4096xi32, #tpu.memory_space<vmem>>, vector<16xi32>,
    %gt3A_785 = arith.constant 109 : i32
    %gt3A_786 = arith.cmpi sgt, %mul3A_2, %gt3A_785 : i32
    %select_n3A_787 = arith.select %gt3A_786, %get3A_784, %broadcast_in_dim3A_22 : vector<16xi32>
    %add3A_788 = arith.addi %add3A_781, %select_n3A_787 : vector<16xi32>
    %add3A_789 = arith.addi %add3A_782, %get3A_784 : vector<16xi32>
    %get3A_790 = arith.constant 1760 : index
    %get3A_791 = tpu.vector_load %arg7[%get3A_790] {strides = array<i32>} : memref<4096xi32, #tpu.memory_space<vmem>>, vector<16xi32>,
    %gt3A_792 = arith.constant 110 : i32
    %gt3A_793 = arith.cmpi sgt, %mul3A_2, %gt3A_792 : i32
    %select_n3A_794 = arith.select %gt3A_793, %get3A_791, %broadcast_in_dim3A_22 : vector<16xi32>
    %add3A_795 = arith.addi %add3A_788, %select_n3A_794 : vector<16xi32>
    %add3A_796 = arith.addi %add3A_789, %get3A_791 : vector<16xi32>
    %get3A_797 = arith.constant 1776 : index
    %get3A_798 = tpu.vector_load %arg7[%get3A_797] {strides = array<i32>} : memref<4096xi32, #tpu.memory_space<vmem>>, vector<16xi32>,
    %gt3A_799 = arith.constant 111 : i32
    %gt3A_800 = arith.cmpi sgt, %mul3A_2, %gt3A_799 : i32
    %select_n3A_801 = arith.select %gt3A_800, %get3A_798, %broadcast_in_dim3A_22 : vector<16xi32>
    %add3A_802 = arith.addi %add3A_795, %select_n3A_801 : vector<16xi32>
    %add3A_803 = arith.addi %add3A_796, %get3A_798 : vector<16xi32>
    %get3A_804 = arith.constant 1792 : index
    %get3A_805 = tpu.vector_load %arg7[%get3A_804] {strides = array<i32>} : memref<4096xi32, #tpu.memory_space<vmem>>, vector<16xi32>,
    %gt3A_806 = arith.constant 112 : i32
    %gt3A_807 = arith.cmpi sgt, %mul3A_2, %gt3A_806 : i32
    %select_n3A_808 = arith.select %gt3A_807, %get3A_805, %broadcast_in_dim3A_22 : vector<16xi32>
    %add3A_809 = arith.addi %add3A_802, %select_n3A_808 : vector<16xi32>
    %add3A_810 = arith.addi %add3A_803, %get3A_805 : vector<16xi32>
    %get3A_811 = arith.constant 1808 : index
    %get3A_812 = tpu.vector_load %arg7[%get3A_811] {strides = array<i32>} : memref<4096xi32, #tpu.memory_space<vmem>>, vector<16xi32>,
    %gt3A_813 = arith.constant 113 : i32
    %gt3A_814 = arith.cmpi sgt, %mul3A_2, %gt3A_813 : i32
    %select_n3A_815 = arith.select %gt3A_814, %get3A_812, %broadcast_in_dim3A_22 : vector<16xi32>
    %add3A_816 = arith.addi %add3A_809, %select_n3A_815 : vector<16xi32>
    %add3A_817 = arith.addi %add3A_810, %get3A_812 : vector<16xi32>
    %get3A_818 = arith.constant 1824 : index
    %get3A_819 = tpu.vector_load %arg7[%get3A_818] {strides = array<i32>} : memref<4096xi32, #tpu.memory_space<vmem>>, vector<16xi32>,
    %gt3A_820 = arith.constant 114 : i32
    %gt3A_821 = arith.cmpi sgt, %mul3A_2, %gt3A_820 : i32
    %select_n3A_822 = arith.select %gt3A_821, %get3A_819, %broadcast_in_dim3A_22 : vector<16xi32>
    %add3A_823 = arith.addi %add3A_816, %select_n3A_822 : vector<16xi32>
    %add3A_824 = arith.addi %add3A_817, %get3A_819 : vector<16xi32>
    %get3A_825 = arith.constant 1840 : index
    %get3A_826 = tpu.vector_load %arg7[%get3A_825] {strides = array<i32>} : memref<4096xi32, #tpu.memory_space<vmem>>, vector<16xi32>,
    %gt3A_827 = arith.constant 115 : i32
    %gt3A_828 = arith.cmpi sgt, %mul3A_2, %gt3A_827 : i32
    %select_n3A_829 = arith.select %gt3A_828, %get3A_826, %broadcast_in_dim3A_22 : vector<16xi32>
    %add3A_830 = arith.addi %add3A_823, %select_n3A_829 : vector<16xi32>
    %add3A_831 = arith.addi %add3A_824, %get3A_826 : vector<16xi32>
    %get3A_832 = arith.constant 1856 : index
    %get3A_833 = tpu.vector_load %arg7[%get3A_832] {strides = array<i32>} : memref<4096xi32, #tpu.memory_space<vmem>>, vector<16xi32>,
    %gt3A_834 = arith.constant 116 : i32
    %gt3A_835 = arith.cmpi sgt, %mul3A_2, %gt3A_834 : i32
    %select_n3A_836 = arith.select %gt3A_835, %get3A_833, %broadcast_in_dim3A_22 : vector<16xi32>
    %add3A_837 = arith.addi %add3A_830, %select_n3A_836 : vector<16xi32>
    %add3A_838 = arith.addi %add3A_831, %get3A_833 : vector<16xi32>
    %get3A_839 = arith.constant 1872 : index
    %get3A_840 = tpu.vector_load %arg7[%get3A_839] {strides = array<i32>} : memref<4096xi32, #tpu.memory_space<vmem>>, vector<16xi32>,
    %gt3A_841 = arith.constant 117 : i32
    %gt3A_842 = arith.cmpi sgt, %mul3A_2, %gt3A_841 : i32
    %select_n3A_843 = arith.select %gt3A_842, %get3A_840, %broadcast_in_dim3A_22 : vector<16xi32>
    %add3A_844 = arith.addi %add3A_837, %select_n3A_843 : vector<16xi32>
    %add3A_845 = arith.addi %add3A_838, %get3A_840 : vector<16xi32>
    %get3A_846 = arith.constant 1888 : index
    %get3A_847 = tpu.vector_load %arg7[%get3A_846] {strides = array<i32>} : memref<4096xi32, #tpu.memory_space<vmem>>, vector<16xi32>,
    %gt3A_848 = arith.constant 118 : i32
    %gt3A_849 = arith.cmpi sgt, %mul3A_2, %gt3A_848 : i32
    %select_n3A_850 = arith.select %gt3A_849, %get3A_847, %broadcast_in_dim3A_22 : vector<16xi32>
    %add3A_851 = arith.addi %add3A_844, %select_n3A_850 : vector<16xi32>
    %add3A_852 = arith.addi %add3A_845, %get3A_847 : vector<16xi32>
    %get3A_853 = arith.constant 1904 : index
    %get3A_854 = tpu.vector_load %arg7[%get3A_853] {strides = array<i32>} : memref<4096xi32, #tpu.memory_space<vmem>>, vector<16xi32>,
    %gt3A_855 = arith.constant 119 : i32
    %gt3A_856 = arith.cmpi sgt, %mul3A_2, %gt3A_855 : i32
    %select_n3A_857 = arith.select %gt3A_856, %get3A_854, %broadcast_in_dim3A_22 : vector<16xi32>
    %add3A_858 = arith.addi %add3A_851, %select_n3A_857 : vector<16xi32>
    %add3A_859 = arith.addi %add3A_852, %get3A_854 : vector<16xi32>
    %get3A_860 = arith.constant 1920 : index
    %get3A_861 = tpu.vector_load %arg7[%get3A_860] {strides = array<i32>} : memref<4096xi32, #tpu.memory_space<vmem>>, vector<16xi32>,
    %gt3A_862 = arith.constant 120 : i32
    %gt3A_863 = arith.cmpi sgt, %mul3A_2, %gt3A_862 : i32
    %select_n3A_864 = arith.select %gt3A_863, %get3A_861, %broadcast_in_dim3A_22 : vector<16xi32>
    %add3A_865 = arith.addi %add3A_858, %select_n3A_864 : vector<16xi32>
    %add3A_866 = arith.addi %add3A_859, %get3A_861 : vector<16xi32>
    %get3A_867 = arith.constant 1936 : index
    %get3A_868 = tpu.vector_load %arg7[%get3A_867] {strides = array<i32>} : memref<4096xi32, #tpu.memory_space<vmem>>, vector<16xi32>,
    %gt3A_869 = arith.constant 121 : i32
    %gt3A_870 = arith.cmpi sgt, %mul3A_2, %gt3A_869 : i32
    %select_n3A_871 = arith.select %gt3A_870, %get3A_868, %broadcast_in_dim3A_22 : vector<16xi32>
    %add3A_872 = arith.addi %add3A_865, %select_n3A_871 : vector<16xi32>
    %add3A_873 = arith.addi %add3A_866, %get3A_868 : vector<16xi32>
    %get3A_874 = arith.constant 1952 : index
    %get3A_875 = tpu.vector_load %arg7[%get3A_874] {strides = array<i32>} : memref<4096xi32, #tpu.memory_space<vmem>>, vector<16xi32>,
    %gt3A_876 = arith.constant 122 : i32
    %gt3A_877 = arith.cmpi sgt, %mul3A_2, %gt3A_876 : i32
    %select_n3A_878 = arith.select %gt3A_877, %get3A_875, %broadcast_in_dim3A_22 : vector<16xi32>
    %add3A_879 = arith.addi %add3A_872, %select_n3A_878 : vector<16xi32>
    %add3A_880 = arith.addi %add3A_873, %get3A_875 : vector<16xi32>
    %get3A_881 = arith.constant 1968 : index
    %get3A_882 = tpu.vector_load %arg7[%get3A_881] {strides = array<i32>} : memref<4096xi32, #tpu.memory_space<vmem>>, vector<16xi32>,
    %gt3A_883 = arith.constant 123 : i32
    %gt3A_884 = arith.cmpi sgt, %mul3A_2, %gt3A_883 : i32
    %select_n3A_885 = arith.select %gt3A_884, %get3A_882, %broadcast_in_dim3A_22 : vector<16xi32>
    %add3A_886 = arith.addi %add3A_879, %select_n3A_885 : vector<16xi32>
    %add3A_887 = arith.addi %add3A_880, %get3A_882 : vector<16xi32>
    %get3A_888 = arith.constant 1984 : index
    %get3A_889 = tpu.vector_load %arg7[%get3A_888] {strides = array<i32>} : memref<4096xi32, #tpu.memory_space<vmem>>, vector<16xi32>,
    %gt3A_890 = arith.constant 124 : i32
    %gt3A_891 = arith.cmpi sgt, %mul3A_2, %gt3A_890 : i32
    %select_n3A_892 = arith.select %gt3A_891, %get3A_889, %broadcast_in_dim3A_22 : vector<16xi32>
    %add3A_893 = arith.addi %add3A_886, %select_n3A_892 : vector<16xi32>
    %add3A_894 = arith.addi %add3A_887, %get3A_889 : vector<16xi32>
    %get3A_895 = arith.constant 2000 : index
    %get3A_896 = tpu.vector_load %arg7[%get3A_895] {strides = array<i32>} : memref<4096xi32, #tpu.memory_space<vmem>>, vector<16xi32>,
    %gt3A_897 = arith.constant 125 : i32
    %gt3A_898 = arith.cmpi sgt, %mul3A_2, %gt3A_897 : i32
    %select_n3A_899 = arith.select %gt3A_898, %get3A_896, %broadcast_in_dim3A_22 : vector<16xi32>
    %add3A_900 = arith.addi %add3A_893, %select_n3A_899 : vector<16xi32>
    %add3A_901 = arith.addi %add3A_894, %get3A_896 : vector<16xi32>
    %get3A_902 = arith.constant 2016 : index
    %get3A_903 = tpu.vector_load %arg7[%get3A_902] {strides = array<i32>} : memref<4096xi32, #tpu.memory_space<vmem>>, vector<16xi32>,
    %gt3A_904 = arith.constant 126 : i32
    %gt3A_905 = arith.cmpi sgt, %mul3A_2, %gt3A_904 : i32
    %select_n3A_906 = arith.select %gt3A_905, %get3A_903, %broadcast_in_dim3A_22 : vector<16xi32>
    %add3A_907 = arith.addi %add3A_900, %select_n3A_906 : vector<16xi32>
    %add3A_908 = arith.addi %add3A_901, %get3A_903 : vector<16xi32>
    %get3A_909 = arith.constant 2032 : index
    %get3A_910 = tpu.vector_load %arg7[%get3A_909] {strides = array<i32>} : memref<4096xi32, #tpu.memory_space<vmem>>, vector<16xi32>,
    %gt3A_911 = arith.constant 127 : i32
    %gt3A_912 = arith.cmpi sgt, %mul3A_2, %gt3A_911 : i32
    %select_n3A_913 = arith.select %gt3A_912, %get3A_910, %broadcast_in_dim3A_22 : vector<16xi32>
    %add3A_914 = arith.addi %add3A_907, %select_n3A_913 : vector<16xi32>
    %add3A_915 = arith.addi %add3A_908, %get3A_910 : vector<16xi32>
    %get3A_916 = arith.constant 2048 : index
    %get3A_917 = tpu.vector_load %arg7[%get3A_916] {strides = array<i32>} : memref<4096xi32, #tpu.memory_space<vmem>>, vector<16xi32>,
    %gt3A_918 = arith.constant 128 : i32
    %gt3A_919 = arith.cmpi sgt, %mul3A_2, %gt3A_918 : i32
    %select_n3A_920 = arith.select %gt3A_919, %get3A_917, %broadcast_in_dim3A_22 : vector<16xi32>
    %add3A_921 = arith.addi %add3A_914, %select_n3A_920 : vector<16xi32>
    %add3A_922 = arith.addi %add3A_915, %get3A_917 : vector<16xi32>
    %get3A_923 = arith.constant 2064 : index
    %get3A_924 = tpu.vector_load %arg7[%get3A_923] {strides = array<i32>} : memref<4096xi32, #tpu.memory_space<vmem>>, vector<16xi32>,
    %gt3A_925 = arith.constant 129 : i32
    %gt3A_926 = arith.cmpi sgt, %mul3A_2, %gt3A_925 : i32
    %select_n3A_927 = arith.select %gt3A_926, %get3A_924, %broadcast_in_dim3A_22 : vector<16xi32>
    %add3A_928 = arith.addi %add3A_921, %select_n3A_927 : vector<16xi32>
    %add3A_929 = arith.addi %add3A_922, %get3A_924 : vector<16xi32>
    %get3A_930 = arith.constant 2080 : index
    %get3A_931 = tpu.vector_load %arg7[%get3A_930] {strides = array<i32>} : memref<4096xi32, #tpu.memory_space<vmem>>, vector<16xi32>,
    %gt3A_932 = arith.constant 130 : i32
    %gt3A_933 = arith.cmpi sgt, %mul3A_2, %gt3A_932 : i32
    %select_n3A_934 = arith.select %gt3A_933, %get3A_931, %broadcast_in_dim3A_22 : vector<16xi32>
    %add3A_935 = arith.addi %add3A_928, %select_n3A_934 : vector<16xi32>
    %add3A_936 = arith.addi %add3A_929, %get3A_931 : vector<16xi32>
    %get3A_937 = arith.constant 2096 : index
    %get3A_938 = tpu.vector_load %arg7[%get3A_937] {strides = array<i32>} : memref<4096xi32, #tpu.memory_space<vmem>>, vector<16xi32>,
    %gt3A_939 = arith.constant 131 : i32
    %gt3A_940 = arith.cmpi sgt, %mul3A_2, %gt3A_939 : i32
    %select_n3A_941 = arith.select %gt3A_940, %get3A_938, %broadcast_in_dim3A_22 : vector<16xi32>
    %add3A_942 = arith.addi %add3A_935, %select_n3A_941 : vector<16xi32>
    %add3A_943 = arith.addi %add3A_936, %get3A_938 : vector<16xi32>
    %get3A_944 = arith.constant 2112 : index
    %get3A_945 = tpu.vector_load %arg7[%get3A_944] {strides = array<i32>} : memref<4096xi32, #tpu.memory_space<vmem>>, vector<16xi32>,
    %gt3A_946 = arith.constant 132 : i32
    %gt3A_947 = arith.cmpi sgt, %mul3A_2, %gt3A_946 : i32
    %select_n3A_948 = arith.select %gt3A_947, %get3A_945, %broadcast_in_dim3A_22 : vector<16xi32>
    %add3A_949 = arith.addi %add3A_942, %select_n3A_948 : vector<16xi32>
    %add3A_950 = arith.addi %add3A_943, %get3A_945 : vector<16xi32>
    %get3A_951 = arith.constant 2128 : index
    %get3A_952 = tpu.vector_load %arg7[%get3A_951] {strides = array<i32>} : memref<4096xi32, #tpu.memory_space<vmem>>, vector<16xi32>,
    %gt3A_953 = arith.constant 133 : i32
    %gt3A_954 = arith.cmpi sgt, %mul3A_2, %gt3A_953 : i32
    %select_n3A_955 = arith.select %gt3A_954, %get3A_952, %broadcast_in_dim3A_22 : vector<16xi32>
    %add3A_956 = arith.addi %add3A_949, %select_n3A_955 : vector<16xi32>
    %add3A_957 = arith.addi %add3A_950, %get3A_952 : vector<16xi32>
    %get3A_958 = arith.constant 2144 : index
    %get3A_959 = tpu.vector_load %arg7[%get3A_958] {strides = array<i32>} : memref<4096xi32, #tpu.memory_space<vmem>>, vector<16xi32>,
    %gt3A_960 = arith.constant 134 : i32
    %gt3A_961 = arith.cmpi sgt, %mul3A_2, %gt3A_960 : i32
    %select_n3A_962 = arith.select %gt3A_961, %get3A_959, %broadcast_in_dim3A_22 : vector<16xi32>
    %add3A_963 = arith.addi %add3A_956, %select_n3A_962 : vector<16xi32>
    %add3A_964 = arith.addi %add3A_957, %get3A_959 : vector<16xi32>
    %get3A_965 = arith.constant 2160 : index
    %get3A_966 = tpu.vector_load %arg7[%get3A_965] {strides = array<i32>} : memref<4096xi32, #tpu.memory_space<vmem>>, vector<16xi32>,
    %gt3A_967 = arith.constant 135 : i32
    %gt3A_968 = arith.cmpi sgt, %mul3A_2, %gt3A_967 : i32
    %select_n3A_969 = arith.select %gt3A_968, %get3A_966, %broadcast_in_dim3A_22 : vector<16xi32>
    %add3A_970 = arith.addi %add3A_963, %select_n3A_969 : vector<16xi32>
    %add3A_971 = arith.addi %add3A_964, %get3A_966 : vector<16xi32>
    %get3A_972 = arith.constant 2176 : index
    %get3A_973 = tpu.vector_load %arg7[%get3A_972] {strides = array<i32>} : memref<4096xi32, #tpu.memory_space<vmem>>, vector<16xi32>,
    %gt3A_974 = arith.constant 136 : i32
    %gt3A_975 = arith.cmpi sgt, %mul3A_2, %gt3A_974 : i32
    %select_n3A_976 = arith.select %gt3A_975, %get3A_973, %broadcast_in_dim3A_22 : vector<16xi32>
    %add3A_977 = arith.addi %add3A_970, %select_n3A_976 : vector<16xi32>
    %add3A_978 = arith.addi %add3A_971, %get3A_973 : vector<16xi32>
    %get3A_979 = arith.constant 2192 : index
    %get3A_980 = tpu.vector_load %arg7[%get3A_979] {strides = array<i32>} : memref<4096xi32, #tpu.memory_space<vmem>>, vector<16xi32>,
    %gt3A_981 = arith.constant 137 : i32
    %gt3A_982 = arith.cmpi sgt, %mul3A_2, %gt3A_981 : i32
    %select_n3A_983 = arith.select %gt3A_982, %get3A_980, %broadcast_in_dim3A_22 : vector<16xi32>
    %add3A_984 = arith.addi %add3A_977, %select_n3A_983 : vector<16xi32>
    %add3A_985 = arith.addi %add3A_978, %get3A_980 : vector<16xi32>
    %get3A_986 = arith.constant 2208 : index
    %get3A_987 = tpu.vector_load %arg7[%get3A_986] {strides = array<i32>} : memref<4096xi32, #tpu.memory_space<vmem>>, vector<16xi32>,
    %gt3A_988 = arith.constant 138 : i32
    %gt3A_989 = arith.cmpi sgt, %mul3A_2, %gt3A_988 : i32
    %select_n3A_990 = arith.select %gt3A_989, %get3A_987, %broadcast_in_dim3A_22 : vector<16xi32>
    %add3A_991 = arith.addi %add3A_984, %select_n3A_990 : vector<16xi32>
    %add3A_992 = arith.addi %add3A_985, %get3A_987 : vector<16xi32>
    %get3A_993 = arith.constant 2224 : index
    %get3A_994 = tpu.vector_load %arg7[%get3A_993] {strides = array<i32>} : memref<4096xi32, #tpu.memory_space<vmem>>, vector<16xi32>,
    %gt3A_995 = arith.constant 139 : i32
    %gt3A_996 = arith.cmpi sgt, %mul3A_2, %gt3A_995 : i32
    %select_n3A_997 = arith.select %gt3A_996, %get3A_994, %broadcast_in_dim3A_22 : vector<16xi32>
    %add3A_998 = arith.addi %add3A_991, %select_n3A_997 : vector<16xi32>
    %add3A_999 = arith.addi %add3A_992, %get3A_994 : vector<16xi32>
    %get3A_1000 = arith.constant 2240 : index
    %get3A_1001 = tpu.vector_load %arg7[%get3A_1000] {strides = array<i32>} : memref<4096xi32, #tpu.memory_space<vmem>>, vector<16xi32>,
    %gt3A_1002 = arith.constant 140 : i32
    %gt3A_1003 = arith.cmpi sgt, %mul3A_2, %gt3A_1002 : i32
    %select_n3A_1004 = arith.select %gt3A_1003, %get3A_1001, %broadcast_in_dim3A_22 : vector<16xi32>
    %add3A_1005 = arith.addi %add3A_998, %select_n3A_1004 : vector<16xi32>
    %add3A_1006 = arith.addi %add3A_999, %get3A_1001 : vector<16xi32>
    %get3A_1007 = arith.constant 2256 : index
    %get3A_1008 = tpu.vector_load %arg7[%get3A_1007] {strides = array<i32>} : memref<4096xi32, #tpu.memory_space<vmem>>, vector<16xi32>,
    %gt3A_1009 = arith.constant 141 : i32
    %gt3A_1010 = arith.cmpi sgt, %mul3A_2, %gt3A_1009 : i32
    %select_n3A_1011 = arith.select %gt3A_1010, %get3A_1008, %broadcast_in_dim3A_22 : vector<16xi32>
    %add3A_1012 = arith.addi %add3A_1005, %select_n3A_1011 : vector<16xi32>
    %add3A_1013 = arith.addi %add3A_1006, %get3A_1008 : vector<16xi32>
    %get3A_1014 = arith.constant 2272 : index
    %get3A_1015 = tpu.vector_load %arg7[%get3A_1014] {strides = array<i32>} : memref<4096xi32, #tpu.memory_space<vmem>>, vector<16xi32>,
    %gt3A_1016 = arith.constant 142 : i32
    %gt3A_1017 = arith.cmpi sgt, %mul3A_2, %gt3A_1016 : i32
    %select_n3A_1018 = arith.select %gt3A_1017, %get3A_1015, %broadcast_in_dim3A_22 : vector<16xi32>
    %add3A_1019 = arith.addi %add3A_1012, %select_n3A_1018 : vector<16xi32>
    %add3A_1020 = arith.addi %add3A_1013, %get3A_1015 : vector<16xi32>
    %get3A_1021 = arith.constant 2288 : index
    %get3A_1022 = tpu.vector_load %arg7[%get3A_1021] {strides = array<i32>} : memref<4096xi32, #tpu.memory_space<vmem>>, vector<16xi32>,
    %gt3A_1023 = arith.constant 143 : i32
    %gt3A_1024 = arith.cmpi sgt, %mul3A_2, %gt3A_1023 : i32
    %select_n3A_1025 = arith.select %gt3A_1024, %get3A_1022, %broadcast_in_dim3A_22 : vector<16xi32>
    %add3A_1026 = arith.addi %add3A_1019, %select_n3A_1025 : vector<16xi32>
    %add3A_1027 = arith.addi %add3A_1020, %get3A_1022 : vector<16xi32>
    %get3A_1028 = arith.constant 2304 : index
    %get3A_1029 = tpu.vector_load %arg7[%get3A_1028] {strides = array<i32>} : memref<4096xi32, #tpu.memory_space<vmem>>, vector<16xi32>,
    %gt3A_1030 = arith.constant 144 : i32
    %gt3A_1031 = arith.cmpi sgt, %mul3A_2, %gt3A_1030 : i32
    %select_n3A_1032 = arith.select %gt3A_1031, %get3A_1029, %broadcast_in_dim3A_22 : vector<16xi32>
    %add3A_1033 = arith.addi %add3A_1026, %select_n3A_1032 : vector<16xi32>
    %add3A_1034 = arith.addi %add3A_1027, %get3A_1029 : vector<16xi32>
    %get3A_1035 = arith.constant 2320 : index
    %get3A_1036 = tpu.vector_load %arg7[%get3A_1035] {strides = array<i32>} : memref<4096xi32, #tpu.memory_space<vmem>>, vector<16xi32>,
    %gt3A_1037 = arith.constant 145 : i32
    %gt3A_1038 = arith.cmpi sgt, %mul3A_2, %gt3A_1037 : i32
    %select_n3A_1039 = arith.select %gt3A_1038, %get3A_1036, %broadcast_in_dim3A_22 : vector<16xi32>
    %add3A_1040 = arith.addi %add3A_1033, %select_n3A_1039 : vector<16xi32>
    %add3A_1041 = arith.addi %add3A_1034, %get3A_1036 : vector<16xi32>
    %get3A_1042 = arith.constant 2336 : index
    %get3A_1043 = tpu.vector_load %arg7[%get3A_1042] {strides = array<i32>} : memref<4096xi32, #tpu.memory_space<vmem>>, vector<16xi32>,
    %gt3A_1044 = arith.constant 146 : i32
    %gt3A_1045 = arith.cmpi sgt, %mul3A_2, %gt3A_1044 : i32
    %select_n3A_1046 = arith.select %gt3A_1045, %get3A_1043, %broadcast_in_dim3A_22 : vector<16xi32>
    %add3A_1047 = arith.addi %add3A_1040, %select_n3A_1046 : vector<16xi32>
    %add3A_1048 = arith.addi %add3A_1041, %get3A_1043 : vector<16xi32>
    %get3A_1049 = arith.constant 2352 : index
    %get3A_1050 = tpu.vector_load %arg7[%get3A_1049] {strides = array<i32>} : memref<4096xi32, #tpu.memory_space<vmem>>, vector<16xi32>,
    %gt3A_1051 = arith.constant 147 : i32
    %gt3A_1052 = arith.cmpi sgt, %mul3A_2, %gt3A_1051 : i32
    %select_n3A_1053 = arith.select %gt3A_1052, %get3A_1050, %broadcast_in_dim3A_22 : vector<16xi32>
    %add3A_1054 = arith.addi %add3A_1047, %select_n3A_1053 : vector<16xi32>
    %add3A_1055 = arith.addi %add3A_1048, %get3A_1050 : vector<16xi32>
    %get3A_1056 = arith.constant 2368 : index
    %get3A_1057 = tpu.vector_load %arg7[%get3A_1056] {strides = array<i32>} : memref<4096xi32, #tpu.memory_space<vmem>>, vector<16xi32>,
    %gt3A_1058 = arith.constant 148 : i32
    %gt3A_1059 = arith.cmpi sgt, %mul3A_2, %gt3A_1058 : i32
    %select_n3A_1060 = arith.select %gt3A_1059, %get3A_1057, %broadcast_in_dim3A_22 : vector<16xi32>
    %add3A_1061 = arith.addi %add3A_1054, %select_n3A_1060 : vector<16xi32>
    %add3A_1062 = arith.addi %add3A_1055, %get3A_1057 : vector<16xi32>
    %get3A_1063 = arith.constant 2384 : index
    %get3A_1064 = tpu.vector_load %arg7[%get3A_1063] {strides = array<i32>} : memref<4096xi32, #tpu.memory_space<vmem>>, vector<16xi32>,
    %gt3A_1065 = arith.constant 149 : i32
    %gt3A_1066 = arith.cmpi sgt, %mul3A_2, %gt3A_1065 : i32
    %select_n3A_1067 = arith.select %gt3A_1066, %get3A_1064, %broadcast_in_dim3A_22 : vector<16xi32>
    %add3A_1068 = arith.addi %add3A_1061, %select_n3A_1067 : vector<16xi32>
    %add3A_1069 = arith.addi %add3A_1062, %get3A_1064 : vector<16xi32>
    %get3A_1070 = arith.constant 2400 : index
    %get3A_1071 = tpu.vector_load %arg7[%get3A_1070] {strides = array<i32>} : memref<4096xi32, #tpu.memory_space<vmem>>, vector<16xi32>,
    %gt3A_1072 = arith.constant 150 : i32
    %gt3A_1073 = arith.cmpi sgt, %mul3A_2, %gt3A_1072 : i32
    %select_n3A_1074 = arith.select %gt3A_1073, %get3A_1071, %broadcast_in_dim3A_22 : vector<16xi32>
    %add3A_1075 = arith.addi %add3A_1068, %select_n3A_1074 : vector<16xi32>
    %add3A_1076 = arith.addi %add3A_1069, %get3A_1071 : vector<16xi32>
    %get3A_1077 = arith.constant 2416 : index
    %get3A_1078 = tpu.vector_load %arg7[%get3A_1077] {strides = array<i32>} : memref<4096xi32, #tpu.memory_space<vmem>>, vector<16xi32>,
    %gt3A_1079 = arith.constant 151 : i32
    %gt3A_1080 = arith.cmpi sgt, %mul3A_2, %gt3A_1079 : i32
    %select_n3A_1081 = arith.select %gt3A_1080, %get3A_1078, %broadcast_in_dim3A_22 : vector<16xi32>
    %add3A_1082 = arith.addi %add3A_1075, %select_n3A_1081 : vector<16xi32>
    %add3A_1083 = arith.addi %add3A_1076, %get3A_1078 : vector<16xi32>
    %get3A_1084 = arith.constant 2432 : index
    %get3A_1085 = tpu.vector_load %arg7[%get3A_1084] {strides = array<i32>} : memref<4096xi32, #tpu.memory_space<vmem>>, vector<16xi32>,
    %gt3A_1086 = arith.constant 152 : i32
    %gt3A_1087 = arith.cmpi sgt, %mul3A_2, %gt3A_1086 : i32
    %select_n3A_1088 = arith.select %gt3A_1087, %get3A_1085, %broadcast_in_dim3A_22 : vector<16xi32>
    %add3A_1089 = arith.addi %add3A_1082, %select_n3A_1088 : vector<16xi32>
    %add3A_1090 = arith.addi %add3A_1083, %get3A_1085 : vector<16xi32>
    %get3A_1091 = arith.constant 2448 : index
    %get3A_1092 = tpu.vector_load %arg7[%get3A_1091] {strides = array<i32>} : memref<4096xi32, #tpu.memory_space<vmem>>, vector<16xi32>,
    %gt3A_1093 = arith.constant 153 : i32
    %gt3A_1094 = arith.cmpi sgt, %mul3A_2, %gt3A_1093 : i32
    %select_n3A_1095 = arith.select %gt3A_1094, %get3A_1092, %broadcast_in_dim3A_22 : vector<16xi32>
    %add3A_1096 = arith.addi %add3A_1089, %select_n3A_1095 : vector<16xi32>
    %add3A_1097 = arith.addi %add3A_1090, %get3A_1092 : vector<16xi32>
    %get3A_1098 = arith.constant 2464 : index
    %get3A_1099 = tpu.vector_load %arg7[%get3A_1098] {strides = array<i32>} : memref<4096xi32, #tpu.memory_space<vmem>>, vector<16xi32>,
    %gt3A_1100 = arith.constant 154 : i32
    %gt3A_1101 = arith.cmpi sgt, %mul3A_2, %gt3A_1100 : i32
    %select_n3A_1102 = arith.select %gt3A_1101, %get3A_1099, %broadcast_in_dim3A_22 : vector<16xi32>
    %add3A_1103 = arith.addi %add3A_1096, %select_n3A_1102 : vector<16xi32>
    %add3A_1104 = arith.addi %add3A_1097, %get3A_1099 : vector<16xi32>
    %get3A_1105 = arith.constant 2480 : index
    %get3A_1106 = tpu.vector_load %arg7[%get3A_1105] {strides = array<i32>} : memref<4096xi32, #tpu.memory_space<vmem>>, vector<16xi32>,
    %gt3A_1107 = arith.constant 155 : i32
    %gt3A_1108 = arith.cmpi sgt, %mul3A_2, %gt3A_1107 : i32
    %select_n3A_1109 = arith.select %gt3A_1108, %get3A_1106, %broadcast_in_dim3A_22 : vector<16xi32>
    %add3A_1110 = arith.addi %add3A_1103, %select_n3A_1109 : vector<16xi32>
    %add3A_1111 = arith.addi %add3A_1104, %get3A_1106 : vector<16xi32>
    %get3A_1112 = arith.constant 2496 : index
    %get3A_1113 = tpu.vector_load %arg7[%get3A_1112] {strides = array<i32>} : memref<4096xi32, #tpu.memory_space<vmem>>, vector<16xi32>,
    %gt3A_1114 = arith.constant 156 : i32
    %gt3A_1115 = arith.cmpi sgt, %mul3A_2, %gt3A_1114 : i32
    %select_n3A_1116 = arith.select %gt3A_1115, %get3A_1113, %broadcast_in_dim3A_22 : vector<16xi32>
    %add3A_1117 = arith.addi %add3A_1110, %select_n3A_1116 : vector<16xi32>
    %add3A_1118 = arith.addi %add3A_1111, %get3A_1113 : vector<16xi32>
    %get3A_1119 = arith.constant 2512 : index
    %get3A_1120 = tpu.vector_load %arg7[%get3A_1119] {strides = array<i32>} : memref<4096xi32, #tpu.memory_space<vmem>>, vector<16xi32>,
    %gt3A_1121 = arith.constant 157 : i32
    %gt3A_1122 = arith.cmpi sgt, %mul3A_2, %gt3A_1121 : i32
    %select_n3A_1123 = arith.select %gt3A_1122, %get3A_1120, %broadcast_in_dim3A_22 : vector<16xi32>
    %add3A_1124 = arith.addi %add3A_1117, %select_n3A_1123 : vector<16xi32>
    %add3A_1125 = arith.addi %add3A_1118, %get3A_1120 : vector<16xi32>
    %get3A_1126 = arith.constant 2528 : index
    %get3A_1127 = tpu.vector_load %arg7[%get3A_1126] {strides = array<i32>} : memref<4096xi32, #tpu.memory_space<vmem>>, vector<16xi32>,
    %gt3A_1128 = arith.constant 158 : i32
    %gt3A_1129 = arith.cmpi sgt, %mul3A_2, %gt3A_1128 : i32
    %select_n3A_1130 = arith.select %gt3A_1129, %get3A_1127, %broadcast_in_dim3A_22 : vector<16xi32>
    %add3A_1131 = arith.addi %add3A_1124, %select_n3A_1130 : vector<16xi32>
    %add3A_1132 = arith.addi %add3A_1125, %get3A_1127 : vector<16xi32>
    %get3A_1133 = arith.constant 2544 : index
    %get3A_1134 = tpu.vector_load %arg7[%get3A_1133] {strides = array<i32>} : memref<4096xi32, #tpu.memory_space<vmem>>, vector<16xi32>,
    %gt3A_1135 = arith.constant 159 : i32
    %gt3A_1136 = arith.cmpi sgt, %mul3A_2, %gt3A_1135 : i32
    %select_n3A_1137 = arith.select %gt3A_1136, %get3A_1134, %broadcast_in_dim3A_22 : vector<16xi32>
    %add3A_1138 = arith.addi %add3A_1131, %select_n3A_1137 : vector<16xi32>
    %add3A_1139 = arith.addi %add3A_1132, %get3A_1134 : vector<16xi32>
    %get3A_1140 = arith.constant 2560 : index
    %get3A_1141 = tpu.vector_load %arg7[%get3A_1140] {strides = array<i32>} : memref<4096xi32, #tpu.memory_space<vmem>>, vector<16xi32>,
    %gt3A_1142 = arith.constant 160 : i32
    %gt3A_1143 = arith.cmpi sgt, %mul3A_2, %gt3A_1142 : i32
    %select_n3A_1144 = arith.select %gt3A_1143, %get3A_1141, %broadcast_in_dim3A_22 : vector<16xi32>
    %add3A_1145 = arith.addi %add3A_1138, %select_n3A_1144 : vector<16xi32>
    %add3A_1146 = arith.addi %add3A_1139, %get3A_1141 : vector<16xi32>
    %get3A_1147 = arith.constant 2576 : index
    %get3A_1148 = tpu.vector_load %arg7[%get3A_1147] {strides = array<i32>} : memref<4096xi32, #tpu.memory_space<vmem>>, vector<16xi32>,
    %gt3A_1149 = arith.constant 161 : i32
    %gt3A_1150 = arith.cmpi sgt, %mul3A_2, %gt3A_1149 : i32
    %select_n3A_1151 = arith.select %gt3A_1150, %get3A_1148, %broadcast_in_dim3A_22 : vector<16xi32>
    %add3A_1152 = arith.addi %add3A_1145, %select_n3A_1151 : vector<16xi32>
    %add3A_1153 = arith.addi %add3A_1146, %get3A_1148 : vector<16xi32>
    %get3A_1154 = arith.constant 2592 : index
    %get3A_1155 = tpu.vector_load %arg7[%get3A_1154] {strides = array<i32>} : memref<4096xi32, #tpu.memory_space<vmem>>, vector<16xi32>,
    %gt3A_1156 = arith.constant 162 : i32
    %gt3A_1157 = arith.cmpi sgt, %mul3A_2, %gt3A_1156 : i32
    %select_n3A_1158 = arith.select %gt3A_1157, %get3A_1155, %broadcast_in_dim3A_22 : vector<16xi32>
    %add3A_1159 = arith.addi %add3A_1152, %select_n3A_1158 : vector<16xi32>
    %add3A_1160 = arith.addi %add3A_1153, %get3A_1155 : vector<16xi32>
    %get3A_1161 = arith.constant 2608 : index
    %get3A_1162 = tpu.vector_load %arg7[%get3A_1161] {strides = array<i32>} : memref<4096xi32, #tpu.memory_space<vmem>>, vector<16xi32>,
    %gt3A_1163 = arith.constant 163 : i32
    %gt3A_1164 = arith.cmpi sgt, %mul3A_2, %gt3A_1163 : i32
    %select_n3A_1165 = arith.select %gt3A_1164, %get3A_1162, %broadcast_in_dim3A_22 : vector<16xi32>
    %add3A_1166 = arith.addi %add3A_1159, %select_n3A_1165 : vector<16xi32>
    %add3A_1167 = arith.addi %add3A_1160, %get3A_1162 : vector<16xi32>
    %get3A_1168 = arith.constant 2624 : index
    %get3A_1169 = tpu.vector_load %arg7[%get3A_1168] {strides = array<i32>} : memref<4096xi32, #tpu.memory_space<vmem>>, vector<16xi32>,
    %gt3A_1170 = arith.constant 164 : i32
    %gt3A_1171 = arith.cmpi sgt, %mul3A_2, %gt3A_1170 : i32
    %select_n3A_1172 = arith.select %gt3A_1171, %get3A_1169, %broadcast_in_dim3A_22 : vector<16xi32>
    %add3A_1173 = arith.addi %add3A_1166, %select_n3A_1172 : vector<16xi32>
    %add3A_1174 = arith.addi %add3A_1167, %get3A_1169 : vector<16xi32>
    %get3A_1175 = arith.constant 2640 : index
    %get3A_1176 = tpu.vector_load %arg7[%get3A_1175] {strides = array<i32>} : memref<4096xi32, #tpu.memory_space<vmem>>, vector<16xi32>,
    %gt3A_1177 = arith.constant 165 : i32
    %gt3A_1178 = arith.cmpi sgt, %mul3A_2, %gt3A_1177 : i32
    %select_n3A_1179 = arith.select %gt3A_1178, %get3A_1176, %broadcast_in_dim3A_22 : vector<16xi32>
    %add3A_1180 = arith.addi %add3A_1173, %select_n3A_1179 : vector<16xi32>
    %add3A_1181 = arith.addi %add3A_1174, %get3A_1176 : vector<16xi32>
    %get3A_1182 = arith.constant 2656 : index
    %get3A_1183 = tpu.vector_load %arg7[%get3A_1182] {strides = array<i32>} : memref<4096xi32, #tpu.memory_space<vmem>>, vector<16xi32>,
    %gt3A_1184 = arith.constant 166 : i32
    %gt3A_1185 = arith.cmpi sgt, %mul3A_2, %gt3A_1184 : i32
    %select_n3A_1186 = arith.select %gt3A_1185, %get3A_1183, %broadcast_in_dim3A_22 : vector<16xi32>
    %add3A_1187 = arith.addi %add3A_1180, %select_n3A_1186 : vector<16xi32>
    %add3A_1188 = arith.addi %add3A_1181, %get3A_1183 : vector<16xi32>
    %get3A_1189 = arith.constant 2672 : index
    %get3A_1190 = tpu.vector_load %arg7[%get3A_1189] {strides = array<i32>} : memref<4096xi32, #tpu.memory_space<vmem>>, vector<16xi32>,
    %gt3A_1191 = arith.constant 167 : i32
    %gt3A_1192 = arith.cmpi sgt, %mul3A_2, %gt3A_1191 : i32
    %select_n3A_1193 = arith.select %gt3A_1192, %get3A_1190, %broadcast_in_dim3A_22 : vector<16xi32>
    %add3A_1194 = arith.addi %add3A_1187, %select_n3A_1193 : vector<16xi32>
    %add3A_1195 = arith.addi %add3A_1188, %get3A_1190 : vector<16xi32>
    %get3A_1196 = arith.constant 2688 : index
    %get3A_1197 = tpu.vector_load %arg7[%get3A_1196] {strides = array<i32>} : memref<4096xi32, #tpu.memory_space<vmem>>, vector<16xi32>,
    %gt3A_1198 = arith.constant 168 : i32
    %gt3A_1199 = arith.cmpi sgt, %mul3A_2, %gt3A_1198 : i32
    %select_n3A_1200 = arith.select %gt3A_1199, %get3A_1197, %broadcast_in_dim3A_22 : vector<16xi32>
    %add3A_1201 = arith.addi %add3A_1194, %select_n3A_1200 : vector<16xi32>
    %add3A_1202 = arith.addi %add3A_1195, %get3A_1197 : vector<16xi32>
    %get3A_1203 = arith.constant 2704 : index
    %get3A_1204 = tpu.vector_load %arg7[%get3A_1203] {strides = array<i32>} : memref<4096xi32, #tpu.memory_space<vmem>>, vector<16xi32>,
    %gt3A_1205 = arith.constant 169 : i32
    %gt3A_1206 = arith.cmpi sgt, %mul3A_2, %gt3A_1205 : i32
    %select_n3A_1207 = arith.select %gt3A_1206, %get3A_1204, %broadcast_in_dim3A_22 : vector<16xi32>
    %add3A_1208 = arith.addi %add3A_1201, %select_n3A_1207 : vector<16xi32>
    %add3A_1209 = arith.addi %add3A_1202, %get3A_1204 : vector<16xi32>
    %get3A_1210 = arith.constant 2720 : index
    %get3A_1211 = tpu.vector_load %arg7[%get3A_1210] {strides = array<i32>} : memref<4096xi32, #tpu.memory_space<vmem>>, vector<16xi32>,
    %gt3A_1212 = arith.constant 170 : i32
    %gt3A_1213 = arith.cmpi sgt, %mul3A_2, %gt3A_1212 : i32
    %select_n3A_1214 = arith.select %gt3A_1213, %get3A_1211, %broadcast_in_dim3A_22 : vector<16xi32>
    %add3A_1215 = arith.addi %add3A_1208, %select_n3A_1214 : vector<16xi32>
    %add3A_1216 = arith.addi %add3A_1209, %get3A_1211 : vector<16xi32>
    %get3A_1217 = arith.constant 2736 : index
    %get3A_1218 = tpu.vector_load %arg7[%get3A_1217] {strides = array<i32>} : memref<4096xi32, #tpu.memory_space<vmem>>, vector<16xi32>,
    %gt3A_1219 = arith.constant 171 : i32
    %gt3A_1220 = arith.cmpi sgt, %mul3A_2, %gt3A_1219 : i32
    %select_n3A_1221 = arith.select %gt3A_1220, %get3A_1218, %broadcast_in_dim3A_22 : vector<16xi32>
    %add3A_1222 = arith.addi %add3A_1215, %select_n3A_1221 : vector<16xi32>
    %add3A_1223 = arith.addi %add3A_1216, %get3A_1218 : vector<16xi32>
    %get3A_1224 = arith.constant 2752 : index
    %get3A_1225 = tpu.vector_load %arg7[%get3A_1224] {strides = array<i32>} : memref<4096xi32, #tpu.memory_space<vmem>>, vector<16xi32>,
    %gt3A_1226 = arith.constant 172 : i32
    %gt3A_1227 = arith.cmpi sgt, %mul3A_2, %gt3A_1226 : i32
    %select_n3A_1228 = arith.select %gt3A_1227, %get3A_1225, %broadcast_in_dim3A_22 : vector<16xi32>
    %add3A_1229 = arith.addi %add3A_1222, %select_n3A_1228 : vector<16xi32>
    %add3A_1230 = arith.addi %add3A_1223, %get3A_1225 : vector<16xi32>
    %get3A_1231 = arith.constant 2768 : index
    %get3A_1232 = tpu.vector_load %arg7[%get3A_1231] {strides = array<i32>} : memref<4096xi32, #tpu.memory_space<vmem>>, vector<16xi32>,
    %gt3A_1233 = arith.constant 173 : i32
    %gt3A_1234 = arith.cmpi sgt, %mul3A_2, %gt3A_1233 : i32
    %select_n3A_1235 = arith.select %gt3A_1234, %get3A_1232, %broadcast_in_dim3A_22 : vector<16xi32>
    %add3A_1236 = arith.addi %add3A_1229, %select_n3A_1235 : vector<16xi32>
    %add3A_1237 = arith.addi %add3A_1230, %get3A_1232 : vector<16xi32>
    %get3A_1238 = arith.constant 2784 : index
    %get3A_1239 = tpu.vector_load %arg7[%get3A_1238] {strides = array<i32>} : memref<4096xi32, #tpu.memory_space<vmem>>, vector<16xi32>,
    %gt3A_1240 = arith.constant 174 : i32
    %gt3A_1241 = arith.cmpi sgt, %mul3A_2, %gt3A_1240 : i32
    %select_n3A_1242 = arith.select %gt3A_1241, %get3A_1239, %broadcast_in_dim3A_22 : vector<16xi32>
    %add3A_1243 = arith.addi %add3A_1236, %select_n3A_1242 : vector<16xi32>
    %add3A_1244 = arith.addi %add3A_1237, %get3A_1239 : vector<16xi32>
    %get3A_1245 = arith.constant 2800 : index
    %get3A_1246 = tpu.vector_load %arg7[%get3A_1245] {strides = array<i32>} : memref<4096xi32, #tpu.memory_space<vmem>>, vector<16xi32>,
    %gt3A_1247 = arith.constant 175 : i32
    %gt3A_1248 = arith.cmpi sgt, %mul3A_2, %gt3A_1247 : i32
    %select_n3A_1249 = arith.select %gt3A_1248, %get3A_1246, %broadcast_in_dim3A_22 : vector<16xi32>
    %add3A_1250 = arith.addi %add3A_1243, %select_n3A_1249 : vector<16xi32>
    %add3A_1251 = arith.addi %add3A_1244, %get3A_1246 : vector<16xi32>
    %get3A_1252 = arith.constant 2816 : index
    %get3A_1253 = tpu.vector_load %arg7[%get3A_1252] {strides = array<i32>} : memref<4096xi32, #tpu.memory_space<vmem>>, vector<16xi32>,
    %gt3A_1254 = arith.constant 176 : i32
    %gt3A_1255 = arith.cmpi sgt, %mul3A_2, %gt3A_1254 : i32
    %select_n3A_1256 = arith.select %gt3A_1255, %get3A_1253, %broadcast_in_dim3A_22 : vector<16xi32>
    %add3A_1257 = arith.addi %add3A_1250, %select_n3A_1256 : vector<16xi32>
    %add3A_1258 = arith.addi %add3A_1251, %get3A_1253 : vector<16xi32>
    %get3A_1259 = arith.constant 2832 : index
    %get3A_1260 = tpu.vector_load %arg7[%get3A_1259] {strides = array<i32>} : memref<4096xi32, #tpu.memory_space<vmem>>, vector<16xi32>,
    %gt3A_1261 = arith.constant 177 : i32
    %gt3A_1262 = arith.cmpi sgt, %mul3A_2, %gt3A_1261 : i32
    %select_n3A_1263 = arith.select %gt3A_1262, %get3A_1260, %broadcast_in_dim3A_22 : vector<16xi32>
    %add3A_1264 = arith.addi %add3A_1257, %select_n3A_1263 : vector<16xi32>
    %add3A_1265 = arith.addi %add3A_1258, %get3A_1260 : vector<16xi32>
    %get3A_1266 = arith.constant 2848 : index
    %get3A_1267 = tpu.vector_load %arg7[%get3A_1266] {strides = array<i32>} : memref<4096xi32, #tpu.memory_space<vmem>>, vector<16xi32>,
    %gt3A_1268 = arith.constant 178 : i32
    %gt3A_1269 = arith.cmpi sgt, %mul3A_2, %gt3A_1268 : i32
    %select_n3A_1270 = arith.select %gt3A_1269, %get3A_1267, %broadcast_in_dim3A_22 : vector<16xi32>
    %add3A_1271 = arith.addi %add3A_1264, %select_n3A_1270 : vector<16xi32>
    %add3A_1272 = arith.addi %add3A_1265, %get3A_1267 : vector<16xi32>
    %get3A_1273 = arith.constant 2864 : index
    %get3A_1274 = tpu.vector_load %arg7[%get3A_1273] {strides = array<i32>} : memref<4096xi32, #tpu.memory_space<vmem>>, vector<16xi32>,
    %gt3A_1275 = arith.constant 179 : i32
    %gt3A_1276 = arith.cmpi sgt, %mul3A_2, %gt3A_1275 : i32
    %select_n3A_1277 = arith.select %gt3A_1276, %get3A_1274, %broadcast_in_dim3A_22 : vector<16xi32>
    %add3A_1278 = arith.addi %add3A_1271, %select_n3A_1277 : vector<16xi32>
    %add3A_1279 = arith.addi %add3A_1272, %get3A_1274 : vector<16xi32>
    %get3A_1280 = arith.constant 2880 : index
    %get3A_1281 = tpu.vector_load %arg7[%get3A_1280] {strides = array<i32>} : memref<4096xi32, #tpu.memory_space<vmem>>, vector<16xi32>,
    %gt3A_1282 = arith.constant 180 : i32
    %gt3A_1283 = arith.cmpi sgt, %mul3A_2, %gt3A_1282 : i32
    %select_n3A_1284 = arith.select %gt3A_1283, %get3A_1281, %broadcast_in_dim3A_22 : vector<16xi32>
    %add3A_1285 = arith.addi %add3A_1278, %select_n3A_1284 : vector<16xi32>
    %add3A_1286 = arith.addi %add3A_1279, %get3A_1281 : vector<16xi32>
    %get3A_1287 = arith.constant 2896 : index
    %get3A_1288 = tpu.vector_load %arg7[%get3A_1287] {strides = array<i32>} : memref<4096xi32, #tpu.memory_space<vmem>>, vector<16xi32>,
    %gt3A_1289 = arith.constant 181 : i32
    %gt3A_1290 = arith.cmpi sgt, %mul3A_2, %gt3A_1289 : i32
    %select_n3A_1291 = arith.select %gt3A_1290, %get3A_1288, %broadcast_in_dim3A_22 : vector<16xi32>
    %add3A_1292 = arith.addi %add3A_1285, %select_n3A_1291 : vector<16xi32>
    %add3A_1293 = arith.addi %add3A_1286, %get3A_1288 : vector<16xi32>
    %get3A_1294 = arith.constant 2912 : index
    %get3A_1295 = tpu.vector_load %arg7[%get3A_1294] {strides = array<i32>} : memref<4096xi32, #tpu.memory_space<vmem>>, vector<16xi32>,
    %gt3A_1296 = arith.constant 182 : i32
    %gt3A_1297 = arith.cmpi sgt, %mul3A_2, %gt3A_1296 : i32
    %select_n3A_1298 = arith.select %gt3A_1297, %get3A_1295, %broadcast_in_dim3A_22 : vector<16xi32>
    %add3A_1299 = arith.addi %add3A_1292, %select_n3A_1298 : vector<16xi32>
    %add3A_1300 = arith.addi %add3A_1293, %get3A_1295 : vector<16xi32>
    %get3A_1301 = arith.constant 2928 : index
    %get3A_1302 = tpu.vector_load %arg7[%get3A_1301] {strides = array<i32>} : memref<4096xi32, #tpu.memory_space<vmem>>, vector<16xi32>,
    %gt3A_1303 = arith.constant 183 : i32
    %gt3A_1304 = arith.cmpi sgt, %mul3A_2, %gt3A_1303 : i32
    %select_n3A_1305 = arith.select %gt3A_1304, %get3A_1302, %broadcast_in_dim3A_22 : vector<16xi32>
    %add3A_1306 = arith.addi %add3A_1299, %select_n3A_1305 : vector<16xi32>
    %add3A_1307 = arith.addi %add3A_1300, %get3A_1302 : vector<16xi32>
    %get3A_1308 = arith.constant 2944 : index
    %get3A_1309 = tpu.vector_load %arg7[%get3A_1308] {strides = array<i32>} : memref<4096xi32, #tpu.memory_space<vmem>>, vector<16xi32>,
    %gt3A_1310 = arith.constant 184 : i32
    %gt3A_1311 = arith.cmpi sgt, %mul3A_2, %gt3A_1310 : i32
    %select_n3A_1312 = arith.select %gt3A_1311, %get3A_1309, %broadcast_in_dim3A_22 : vector<16xi32>
    %add3A_1313 = arith.addi %add3A_1306, %select_n3A_1312 : vector<16xi32>
    %add3A_1314 = arith.addi %add3A_1307, %get3A_1309 : vector<16xi32>
    %get3A_1315 = arith.constant 2960 : index
    %get3A_1316 = tpu.vector_load %arg7[%get3A_1315] {strides = array<i32>} : memref<4096xi32, #tpu.memory_space<vmem>>, vector<16xi32>,
    %gt3A_1317 = arith.constant 185 : i32
    %gt3A_1318 = arith.cmpi sgt, %mul3A_2, %gt3A_1317 : i32
    %select_n3A_1319 = arith.select %gt3A_1318, %get3A_1316, %broadcast_in_dim3A_22 : vector<16xi32>
    %add3A_1320 = arith.addi %add3A_1313, %select_n3A_1319 : vector<16xi32>
    %add3A_1321 = arith.addi %add3A_1314, %get3A_1316 : vector<16xi32>
    %get3A_1322 = arith.constant 2976 : index
    %get3A_1323 = tpu.vector_load %arg7[%get3A_1322] {strides = array<i32>} : memref<4096xi32, #tpu.memory_space<vmem>>, vector<16xi32>,
    %gt3A_1324 = arith.constant 186 : i32
    %gt3A_1325 = arith.cmpi sgt, %mul3A_2, %gt3A_1324 : i32
    %select_n3A_1326 = arith.select %gt3A_1325, %get3A_1323, %broadcast_in_dim3A_22 : vector<16xi32>
    %add3A_1327 = arith.addi %add3A_1320, %select_n3A_1326 : vector<16xi32>
    %add3A_1328 = arith.addi %add3A_1321, %get3A_1323 : vector<16xi32>
    %get3A_1329 = arith.constant 2992 : index
    %get3A_1330 = tpu.vector_load %arg7[%get3A_1329] {strides = array<i32>} : memref<4096xi32, #tpu.memory_space<vmem>>, vector<16xi32>,
    %gt3A_1331 = arith.constant 187 : i32
    %gt3A_1332 = arith.cmpi sgt, %mul3A_2, %gt3A_1331 : i32
    %select_n3A_1333 = arith.select %gt3A_1332, %get3A_1330, %broadcast_in_dim3A_22 : vector<16xi32>
    %add3A_1334 = arith.addi %add3A_1327, %select_n3A_1333 : vector<16xi32>
    %add3A_1335 = arith.addi %add3A_1328, %get3A_1330 : vector<16xi32>
    %get3A_1336 = arith.constant 3008 : index
    %get3A_1337 = tpu.vector_load %arg7[%get3A_1336] {strides = array<i32>} : memref<4096xi32, #tpu.memory_space<vmem>>, vector<16xi32>,
    %gt3A_1338 = arith.constant 188 : i32
    %gt3A_1339 = arith.cmpi sgt, %mul3A_2, %gt3A_1338 : i32
    %select_n3A_1340 = arith.select %gt3A_1339, %get3A_1337, %broadcast_in_dim3A_22 : vector<16xi32>
    %add3A_1341 = arith.addi %add3A_1334, %select_n3A_1340 : vector<16xi32>
    %add3A_1342 = arith.addi %add3A_1335, %get3A_1337 : vector<16xi32>
    %get3A_1343 = arith.constant 3024 : index
    %get3A_1344 = tpu.vector_load %arg7[%get3A_1343] {strides = array<i32>} : memref<4096xi32, #tpu.memory_space<vmem>>, vector<16xi32>,
    %gt3A_1345 = arith.constant 189 : i32
    %gt3A_1346 = arith.cmpi sgt, %mul3A_2, %gt3A_1345 : i32
    %select_n3A_1347 = arith.select %gt3A_1346, %get3A_1344, %broadcast_in_dim3A_22 : vector<16xi32>
    %add3A_1348 = arith.addi %add3A_1341, %select_n3A_1347 : vector<16xi32>
    %add3A_1349 = arith.addi %add3A_1342, %get3A_1344 : vector<16xi32>
    %get3A_1350 = arith.constant 3040 : index
    %get3A_1351 = tpu.vector_load %arg7[%get3A_1350] {strides = array<i32>} : memref<4096xi32, #tpu.memory_space<vmem>>, vector<16xi32>,
    %gt3A_1352 = arith.constant 190 : i32
    %gt3A_1353 = arith.cmpi sgt, %mul3A_2, %gt3A_1352 : i32
    %select_n3A_1354 = arith.select %gt3A_1353, %get3A_1351, %broadcast_in_dim3A_22 : vector<16xi32>
    %add3A_1355 = arith.addi %add3A_1348, %select_n3A_1354 : vector<16xi32>
    %add3A_1356 = arith.addi %add3A_1349, %get3A_1351 : vector<16xi32>
    %get3A_1357 = arith.constant 3056 : index
    %get3A_1358 = tpu.vector_load %arg7[%get3A_1357] {strides = array<i32>} : memref<4096xi32, #tpu.memory_space<vmem>>, vector<16xi32>,
    %gt3A_1359 = arith.constant 191 : i32
    %gt3A_1360 = arith.cmpi sgt, %mul3A_2, %gt3A_1359 : i32
    %select_n3A_1361 = arith.select %gt3A_1360, %get3A_1358, %broadcast_in_dim3A_22 : vector<16xi32>
    %add3A_1362 = arith.addi %add3A_1355, %select_n3A_1361 : vector<16xi32>
    %add3A_1363 = arith.addi %add3A_1356, %get3A_1358 : vector<16xi32>
    %get3A_1364 = arith.constant 3072 : index
    %get3A_1365 = tpu.vector_load %arg7[%get3A_1364] {strides = array<i32>} : memref<4096xi32, #tpu.memory_space<vmem>>, vector<16xi32>,
    %gt3A_1366 = arith.constant 192 : i32
    %gt3A_1367 = arith.cmpi sgt, %mul3A_2, %gt3A_1366 : i32
    %select_n3A_1368 = arith.select %gt3A_1367, %get3A_1365, %broadcast_in_dim3A_22 : vector<16xi32>
    %add3A_1369 = arith.addi %add3A_1362, %select_n3A_1368 : vector<16xi32>
    %add3A_1370 = arith.addi %add3A_1363, %get3A_1365 : vector<16xi32>
    %get3A_1371 = arith.constant 3088 : index
    %get3A_1372 = tpu.vector_load %arg7[%get3A_1371] {strides = array<i32>} : memref<4096xi32, #tpu.memory_space<vmem>>, vector<16xi32>,
    %gt3A_1373 = arith.constant 193 : i32
    %gt3A_1374 = arith.cmpi sgt, %mul3A_2, %gt3A_1373 : i32
    %select_n3A_1375 = arith.select %gt3A_1374, %get3A_1372, %broadcast_in_dim3A_22 : vector<16xi32>
    %add3A_1376 = arith.addi %add3A_1369, %select_n3A_1375 : vector<16xi32>
    %add3A_1377 = arith.addi %add3A_1370, %get3A_1372 : vector<16xi32>
    %get3A_1378 = arith.constant 3104 : index
    %get3A_1379 = tpu.vector_load %arg7[%get3A_1378] {strides = array<i32>} : memref<4096xi32, #tpu.memory_space<vmem>>, vector<16xi32>,
    %gt3A_1380 = arith.constant 194 : i32
    %gt3A_1381 = arith.cmpi sgt, %mul3A_2, %gt3A_1380 : i32
    %select_n3A_1382 = arith.select %gt3A_1381, %get3A_1379, %broadcast_in_dim3A_22 : vector<16xi32>
    %add3A_1383 = arith.addi %add3A_1376, %select_n3A_1382 : vector<16xi32>
    %add3A_1384 = arith.addi %add3A_1377, %get3A_1379 : vector<16xi32>
    %get3A_1385 = arith.constant 3120 : index
    %get3A_1386 = tpu.vector_load %arg7[%get3A_1385] {strides = array<i32>} : memref<4096xi32, #tpu.memory_space<vmem>>, vector<16xi32>,
    %gt3A_1387 = arith.constant 195 : i32
    %gt3A_1388 = arith.cmpi sgt, %mul3A_2, %gt3A_1387 : i32
    %select_n3A_1389 = arith.select %gt3A_1388, %get3A_1386, %broadcast_in_dim3A_22 : vector<16xi32>
    %add3A_1390 = arith.addi %add3A_1383, %select_n3A_1389 : vector<16xi32>
    %add3A_1391 = arith.addi %add3A_1384, %get3A_1386 : vector<16xi32>
    %get3A_1392 = arith.constant 3136 : index
    %get3A_1393 = tpu.vector_load %arg7[%get3A_1392] {strides = array<i32>} : memref<4096xi32, #tpu.memory_space<vmem>>, vector<16xi32>,
    %gt3A_1394 = arith.constant 196 : i32
    %gt3A_1395 = arith.cmpi sgt, %mul3A_2, %gt3A_1394 : i32
    %select_n3A_1396 = arith.select %gt3A_1395, %get3A_1393, %broadcast_in_dim3A_22 : vector<16xi32>
    %add3A_1397 = arith.addi %add3A_1390, %select_n3A_1396 : vector<16xi32>
    %add3A_1398 = arith.addi %add3A_1391, %get3A_1393 : vector<16xi32>
    %get3A_1399 = arith.constant 3152 : index
    %get3A_1400 = tpu.vector_load %arg7[%get3A_1399] {strides = array<i32>} : memref<4096xi32, #tpu.memory_space<vmem>>, vector<16xi32>,
    %gt3A_1401 = arith.constant 197 : i32
    %gt3A_1402 = arith.cmpi sgt, %mul3A_2, %gt3A_1401 : i32
    %select_n3A_1403 = arith.select %gt3A_1402, %get3A_1400, %broadcast_in_dim3A_22 : vector<16xi32>
    %add3A_1404 = arith.addi %add3A_1397, %select_n3A_1403 : vector<16xi32>
    %add3A_1405 = arith.addi %add3A_1398, %get3A_1400 : vector<16xi32>
    %get3A_1406 = arith.constant 3168 : index
    %get3A_1407 = tpu.vector_load %arg7[%get3A_1406] {strides = array<i32>} : memref<4096xi32, #tpu.memory_space<vmem>>, vector<16xi32>,
    %gt3A_1408 = arith.constant 198 : i32
    %gt3A_1409 = arith.cmpi sgt, %mul3A_2, %gt3A_1408 : i32
    %select_n3A_1410 = arith.select %gt3A_1409, %get3A_1407, %broadcast_in_dim3A_22 : vector<16xi32>
    %add3A_1411 = arith.addi %add3A_1404, %select_n3A_1410 : vector<16xi32>
    %add3A_1412 = arith.addi %add3A_1405, %get3A_1407 : vector<16xi32>
    %get3A_1413 = arith.constant 3184 : index
    %get3A_1414 = tpu.vector_load %arg7[%get3A_1413] {strides = array<i32>} : memref<4096xi32, #tpu.memory_space<vmem>>, vector<16xi32>,
    %gt3A_1415 = arith.constant 199 : i32
    %gt3A_1416 = arith.cmpi sgt, %mul3A_2, %gt3A_1415 : i32
    %select_n3A_1417 = arith.select %gt3A_1416, %get3A_1414, %broadcast_in_dim3A_22 : vector<16xi32>
    %add3A_1418 = arith.addi %add3A_1411, %select_n3A_1417 : vector<16xi32>
    %add3A_1419 = arith.addi %add3A_1412, %get3A_1414 : vector<16xi32>
    %get3A_1420 = arith.constant 3200 : index
    %get3A_1421 = tpu.vector_load %arg7[%get3A_1420] {strides = array<i32>} : memref<4096xi32, #tpu.memory_space<vmem>>, vector<16xi32>,
    %gt3A_1422 = arith.constant 200 : i32
    %gt3A_1423 = arith.cmpi sgt, %mul3A_2, %gt3A_1422 : i32
    %select_n3A_1424 = arith.select %gt3A_1423, %get3A_1421, %broadcast_in_dim3A_22 : vector<16xi32>
    %add3A_1425 = arith.addi %add3A_1418, %select_n3A_1424 : vector<16xi32>
    %add3A_1426 = arith.addi %add3A_1419, %get3A_1421 : vector<16xi32>
    %get3A_1427 = arith.constant 3216 : index
    %get3A_1428 = tpu.vector_load %arg7[%get3A_1427] {strides = array<i32>} : memref<4096xi32, #tpu.memory_space<vmem>>, vector<16xi32>,
    %gt3A_1429 = arith.constant 201 : i32
    %gt3A_1430 = arith.cmpi sgt, %mul3A_2, %gt3A_1429 : i32
    %select_n3A_1431 = arith.select %gt3A_1430, %get3A_1428, %broadcast_in_dim3A_22 : vector<16xi32>
    %add3A_1432 = arith.addi %add3A_1425, %select_n3A_1431 : vector<16xi32>
    %add3A_1433 = arith.addi %add3A_1426, %get3A_1428 : vector<16xi32>
    %get3A_1434 = arith.constant 3232 : index
    %get3A_1435 = tpu.vector_load %arg7[%get3A_1434] {strides = array<i32>} : memref<4096xi32, #tpu.memory_space<vmem>>, vector<16xi32>,
    %gt3A_1436 = arith.constant 202 : i32
    %gt3A_1437 = arith.cmpi sgt, %mul3A_2, %gt3A_1436 : i32
    %select_n3A_1438 = arith.select %gt3A_1437, %get3A_1435, %broadcast_in_dim3A_22 : vector<16xi32>
    %add3A_1439 = arith.addi %add3A_1432, %select_n3A_1438 : vector<16xi32>
    %add3A_1440 = arith.addi %add3A_1433, %get3A_1435 : vector<16xi32>
    %get3A_1441 = arith.constant 3248 : index
    %get3A_1442 = tpu.vector_load %arg7[%get3A_1441] {strides = array<i32>} : memref<4096xi32, #tpu.memory_space<vmem>>, vector<16xi32>,
    %gt3A_1443 = arith.constant 203 : i32
    %gt3A_1444 = arith.cmpi sgt, %mul3A_2, %gt3A_1443 : i32
    %select_n3A_1445 = arith.select %gt3A_1444, %get3A_1442, %broadcast_in_dim3A_22 : vector<16xi32>
    %add3A_1446 = arith.addi %add3A_1439, %select_n3A_1445 : vector<16xi32>
    %add3A_1447 = arith.addi %add3A_1440, %get3A_1442 : vector<16xi32>
    %get3A_1448 = arith.constant 3264 : index
    %get3A_1449 = tpu.vector_load %arg7[%get3A_1448] {strides = array<i32>} : memref<4096xi32, #tpu.memory_space<vmem>>, vector<16xi32>,
    %gt3A_1450 = arith.constant 204 : i32
    %gt3A_1451 = arith.cmpi sgt, %mul3A_2, %gt3A_1450 : i32
    %select_n3A_1452 = arith.select %gt3A_1451, %get3A_1449, %broadcast_in_dim3A_22 : vector<16xi32>
    %add3A_1453 = arith.addi %add3A_1446, %select_n3A_1452 : vector<16xi32>
    %add3A_1454 = arith.addi %add3A_1447, %get3A_1449 : vector<16xi32>
    %get3A_1455 = arith.constant 3280 : index
    %get3A_1456 = tpu.vector_load %arg7[%get3A_1455] {strides = array<i32>} : memref<4096xi32, #tpu.memory_space<vmem>>, vector<16xi32>,
    %gt3A_1457 = arith.constant 205 : i32
    %gt3A_1458 = arith.cmpi sgt, %mul3A_2, %gt3A_1457 : i32
    %select_n3A_1459 = arith.select %gt3A_1458, %get3A_1456, %broadcast_in_dim3A_22 : vector<16xi32>
    %add3A_1460 = arith.addi %add3A_1453, %select_n3A_1459 : vector<16xi32>
    %add3A_1461 = arith.addi %add3A_1454, %get3A_1456 : vector<16xi32>
    %get3A_1462 = arith.constant 3296 : index
    %get3A_1463 = tpu.vector_load %arg7[%get3A_1462] {strides = array<i32>} : memref<4096xi32, #tpu.memory_space<vmem>>, vector<16xi32>,
    %gt3A_1464 = arith.constant 206 : i32
    %gt3A_1465 = arith.cmpi sgt, %mul3A_2, %gt3A_1464 : i32
    %select_n3A_1466 = arith.select %gt3A_1465, %get3A_1463, %broadcast_in_dim3A_22 : vector<16xi32>
    %add3A_1467 = arith.addi %add3A_1460, %select_n3A_1466 : vector<16xi32>
    %add3A_1468 = arith.addi %add3A_1461, %get3A_1463 : vector<16xi32>
    %get3A_1469 = arith.constant 3312 : index
    %get3A_1470 = tpu.vector_load %arg7[%get3A_1469] {strides = array<i32>} : memref<4096xi32, #tpu.memory_space<vmem>>, vector<16xi32>,
    %gt3A_1471 = arith.constant 207 : i32
    %gt3A_1472 = arith.cmpi sgt, %mul3A_2, %gt3A_1471 : i32
    %select_n3A_1473 = arith.select %gt3A_1472, %get3A_1470, %broadcast_in_dim3A_22 : vector<16xi32>
    %add3A_1474 = arith.addi %add3A_1467, %select_n3A_1473 : vector<16xi32>
    %add3A_1475 = arith.addi %add3A_1468, %get3A_1470 : vector<16xi32>
    %get3A_1476 = arith.constant 3328 : index
    %get3A_1477 = tpu.vector_load %arg7[%get3A_1476] {strides = array<i32>} : memref<4096xi32, #tpu.memory_space<vmem>>, vector<16xi32>,
    %gt3A_1478 = arith.constant 208 : i32
    %gt3A_1479 = arith.cmpi sgt, %mul3A_2, %gt3A_1478 : i32
    %select_n3A_1480 = arith.select %gt3A_1479, %get3A_1477, %broadcast_in_dim3A_22 : vector<16xi32>
    %add3A_1481 = arith.addi %add3A_1474, %select_n3A_1480 : vector<16xi32>
    %add3A_1482 = arith.addi %add3A_1475, %get3A_1477 : vector<16xi32>
    %get3A_1483 = arith.constant 3344 : index
    %get3A_1484 = tpu.vector_load %arg7[%get3A_1483] {strides = array<i32>} : memref<4096xi32, #tpu.memory_space<vmem>>, vector<16xi32>,
    %gt3A_1485 = arith.constant 209 : i32
    %gt3A_1486 = arith.cmpi sgt, %mul3A_2, %gt3A_1485 : i32
    %select_n3A_1487 = arith.select %gt3A_1486, %get3A_1484, %broadcast_in_dim3A_22 : vector<16xi32>
    %add3A_1488 = arith.addi %add3A_1481, %select_n3A_1487 : vector<16xi32>
    %add3A_1489 = arith.addi %add3A_1482, %get3A_1484 : vector<16xi32>
    %get3A_1490 = arith.constant 3360 : index
    %get3A_1491 = tpu.vector_load %arg7[%get3A_1490] {strides = array<i32>} : memref<4096xi32, #tpu.memory_space<vmem>>, vector<16xi32>,
    %gt3A_1492 = arith.constant 210 : i32
    %gt3A_1493 = arith.cmpi sgt, %mul3A_2, %gt3A_1492 : i32
    %select_n3A_1494 = arith.select %gt3A_1493, %get3A_1491, %broadcast_in_dim3A_22 : vector<16xi32>
    %add3A_1495 = arith.addi %add3A_1488, %select_n3A_1494 : vector<16xi32>
    %add3A_1496 = arith.addi %add3A_1489, %get3A_1491 : vector<16xi32>
    %get3A_1497 = arith.constant 3376 : index
    %get3A_1498 = tpu.vector_load %arg7[%get3A_1497] {strides = array<i32>} : memref<4096xi32, #tpu.memory_space<vmem>>, vector<16xi32>,
    %gt3A_1499 = arith.constant 211 : i32
    %gt3A_1500 = arith.cmpi sgt, %mul3A_2, %gt3A_1499 : i32
    %select_n3A_1501 = arith.select %gt3A_1500, %get3A_1498, %broadcast_in_dim3A_22 : vector<16xi32>
    %add3A_1502 = arith.addi %add3A_1495, %select_n3A_1501 : vector<16xi32>
    %add3A_1503 = arith.addi %add3A_1496, %get3A_1498 : vector<16xi32>
    %get3A_1504 = arith.constant 3392 : index
    %get3A_1505 = tpu.vector_load %arg7[%get3A_1504] {strides = array<i32>} : memref<4096xi32, #tpu.memory_space<vmem>>, vector<16xi32>,
    %gt3A_1506 = arith.constant 212 : i32
    %gt3A_1507 = arith.cmpi sgt, %mul3A_2, %gt3A_1506 : i32
    %select_n3A_1508 = arith.select %gt3A_1507, %get3A_1505, %broadcast_in_dim3A_22 : vector<16xi32>
    %add3A_1509 = arith.addi %add3A_1502, %select_n3A_1508 : vector<16xi32>
    %add3A_1510 = arith.addi %add3A_1503, %get3A_1505 : vector<16xi32>
    %get3A_1511 = arith.constant 3408 : index
    %get3A_1512 = tpu.vector_load %arg7[%get3A_1511] {strides = array<i32>} : memref<4096xi32, #tpu.memory_space<vmem>>, vector<16xi32>,
    %gt3A_1513 = arith.constant 213 : i32
    %gt3A_1514 = arith.cmpi sgt, %mul3A_2, %gt3A_1513 : i32
    %select_n3A_1515 = arith.select %gt3A_1514, %get3A_1512, %broadcast_in_dim3A_22 : vector<16xi32>
    %add3A_1516 = arith.addi %add3A_1509, %select_n3A_1515 : vector<16xi32>
    %add3A_1517 = arith.addi %add3A_1510, %get3A_1512 : vector<16xi32>
    %get3A_1518 = arith.constant 3424 : index
    %get3A_1519 = tpu.vector_load %arg7[%get3A_1518] {strides = array<i32>} : memref<4096xi32, #tpu.memory_space<vmem>>, vector<16xi32>,
    %gt3A_1520 = arith.constant 214 : i32
    %gt3A_1521 = arith.cmpi sgt, %mul3A_2, %gt3A_1520 : i32
    %select_n3A_1522 = arith.select %gt3A_1521, %get3A_1519, %broadcast_in_dim3A_22 : vector<16xi32>
    %add3A_1523 = arith.addi %add3A_1516, %select_n3A_1522 : vector<16xi32>
    %add3A_1524 = arith.addi %add3A_1517, %get3A_1519 : vector<16xi32>
    %get3A_1525 = arith.constant 3440 : index
    %get3A_1526 = tpu.vector_load %arg7[%get3A_1525] {strides = array<i32>} : memref<4096xi32, #tpu.memory_space<vmem>>, vector<16xi32>,
    %gt3A_1527 = arith.constant 215 : i32
    %gt3A_1528 = arith.cmpi sgt, %mul3A_2, %gt3A_1527 : i32
    %select_n3A_1529 = arith.select %gt3A_1528, %get3A_1526, %broadcast_in_dim3A_22 : vector<16xi32>
    %add3A_1530 = arith.addi %add3A_1523, %select_n3A_1529 : vector<16xi32>
    %add3A_1531 = arith.addi %add3A_1524, %get3A_1526 : vector<16xi32>
    %get3A_1532 = arith.constant 3456 : index
    %get3A_1533 = tpu.vector_load %arg7[%get3A_1532] {strides = array<i32>} : memref<4096xi32, #tpu.memory_space<vmem>>, vector<16xi32>,
    %gt3A_1534 = arith.constant 216 : i32
    %gt3A_1535 = arith.cmpi sgt, %mul3A_2, %gt3A_1534 : i32
    %select_n3A_1536 = arith.select %gt3A_1535, %get3A_1533, %broadcast_in_dim3A_22 : vector<16xi32>
    %add3A_1537 = arith.addi %add3A_1530, %select_n3A_1536 : vector<16xi32>
    %add3A_1538 = arith.addi %add3A_1531, %get3A_1533 : vector<16xi32>
    %get3A_1539 = arith.constant 3472 : index
    %get3A_1540 = tpu.vector_load %arg7[%get3A_1539] {strides = array<i32>} : memref<4096xi32, #tpu.memory_space<vmem>>, vector<16xi32>,
    %gt3A_1541 = arith.constant 217 : i32
    %gt3A_1542 = arith.cmpi sgt, %mul3A_2, %gt3A_1541 : i32
    %select_n3A_1543 = arith.select %gt3A_1542, %get3A_1540, %broadcast_in_dim3A_22 : vector<16xi32>
    %add3A_1544 = arith.addi %add3A_1537, %select_n3A_1543 : vector<16xi32>
    %add3A_1545 = arith.addi %add3A_1538, %get3A_1540 : vector<16xi32>
    %get3A_1546 = arith.constant 3488 : index
    %get3A_1547 = tpu.vector_load %arg7[%get3A_1546] {strides = array<i32>} : memref<4096xi32, #tpu.memory_space<vmem>>, vector<16xi32>,
    %gt3A_1548 = arith.constant 218 : i32
    %gt3A_1549 = arith.cmpi sgt, %mul3A_2, %gt3A_1548 : i32
    %select_n3A_1550 = arith.select %gt3A_1549, %get3A_1547, %broadcast_in_dim3A_22 : vector<16xi32>
    %add3A_1551 = arith.addi %add3A_1544, %select_n3A_1550 : vector<16xi32>
    %add3A_1552 = arith.addi %add3A_1545, %get3A_1547 : vector<16xi32>
    %get3A_1553 = arith.constant 3504 : index
    %get3A_1554 = tpu.vector_load %arg7[%get3A_1553] {strides = array<i32>} : memref<4096xi32, #tpu.memory_space<vmem>>, vector<16xi32>,
    %gt3A_1555 = arith.constant 219 : i32
    %gt3A_1556 = arith.cmpi sgt, %mul3A_2, %gt3A_1555 : i32
    %select_n3A_1557 = arith.select %gt3A_1556, %get3A_1554, %broadcast_in_dim3A_22 : vector<16xi32>
    %add3A_1558 = arith.addi %add3A_1551, %select_n3A_1557 : vector<16xi32>
    %add3A_1559 = arith.addi %add3A_1552, %get3A_1554 : vector<16xi32>
    %get3A_1560 = arith.constant 3520 : index
    %get3A_1561 = tpu.vector_load %arg7[%get3A_1560] {strides = array<i32>} : memref<4096xi32, #tpu.memory_space<vmem>>, vector<16xi32>,
    %gt3A_1562 = arith.constant 220 : i32
    %gt3A_1563 = arith.cmpi sgt, %mul3A_2, %gt3A_1562 : i32
    %select_n3A_1564 = arith.select %gt3A_1563, %get3A_1561, %broadcast_in_dim3A_22 : vector<16xi32>
    %add3A_1565 = arith.addi %add3A_1558, %select_n3A_1564 : vector<16xi32>
    %add3A_1566 = arith.addi %add3A_1559, %get3A_1561 : vector<16xi32>
    %get3A_1567 = arith.constant 3536 : index
    %get3A_1568 = tpu.vector_load %arg7[%get3A_1567] {strides = array<i32>} : memref<4096xi32, #tpu.memory_space<vmem>>, vector<16xi32>,
    %gt3A_1569 = arith.constant 221 : i32
    %gt3A_1570 = arith.cmpi sgt, %mul3A_2, %gt3A_1569 : i32
    %select_n3A_1571 = arith.select %gt3A_1570, %get3A_1568, %broadcast_in_dim3A_22 : vector<16xi32>
    %add3A_1572 = arith.addi %add3A_1565, %select_n3A_1571 : vector<16xi32>
    %add3A_1573 = arith.addi %add3A_1566, %get3A_1568 : vector<16xi32>
    %get3A_1574 = arith.constant 3552 : index
    %get3A_1575 = tpu.vector_load %arg7[%get3A_1574] {strides = array<i32>} : memref<4096xi32, #tpu.memory_space<vmem>>, vector<16xi32>,
    %gt3A_1576 = arith.constant 222 : i32
    %gt3A_1577 = arith.cmpi sgt, %mul3A_2, %gt3A_1576 : i32
    %select_n3A_1578 = arith.select %gt3A_1577, %get3A_1575, %broadcast_in_dim3A_22 : vector<16xi32>
    %add3A_1579 = arith.addi %add3A_1572, %select_n3A_1578 : vector<16xi32>
    %add3A_1580 = arith.addi %add3A_1573, %get3A_1575 : vector<16xi32>
    %get3A_1581 = arith.constant 3568 : index
    %get3A_1582 = tpu.vector_load %arg7[%get3A_1581] {strides = array<i32>} : memref<4096xi32, #tpu.memory_space<vmem>>, vector<16xi32>,
    %gt3A_1583 = arith.constant 223 : i32
    %gt3A_1584 = arith.cmpi sgt, %mul3A_2, %gt3A_1583 : i32
    %select_n3A_1585 = arith.select %gt3A_1584, %get3A_1582, %broadcast_in_dim3A_22 : vector<16xi32>
    %add3A_1586 = arith.addi %add3A_1579, %select_n3A_1585 : vector<16xi32>
    %add3A_1587 = arith.addi %add3A_1580, %get3A_1582 : vector<16xi32>
    %get3A_1588 = arith.constant 3584 : index
    %get3A_1589 = tpu.vector_load %arg7[%get3A_1588] {strides = array<i32>} : memref<4096xi32, #tpu.memory_space<vmem>>, vector<16xi32>,
    %gt3A_1590 = arith.constant 224 : i32
    %gt3A_1591 = arith.cmpi sgt, %mul3A_2, %gt3A_1590 : i32
    %select_n3A_1592 = arith.select %gt3A_1591, %get3A_1589, %broadcast_in_dim3A_22 : vector<16xi32>
    %add3A_1593 = arith.addi %add3A_1586, %select_n3A_1592 : vector<16xi32>
    %add3A_1594 = arith.addi %add3A_1587, %get3A_1589 : vector<16xi32>
    %get3A_1595 = arith.constant 3600 : index
    %get3A_1596 = tpu.vector_load %arg7[%get3A_1595] {strides = array<i32>} : memref<4096xi32, #tpu.memory_space<vmem>>, vector<16xi32>,
    %gt3A_1597 = arith.constant 225 : i32
    %gt3A_1598 = arith.cmpi sgt, %mul3A_2, %gt3A_1597 : i32
    %select_n3A_1599 = arith.select %gt3A_1598, %get3A_1596, %broadcast_in_dim3A_22 : vector<16xi32>
    %add3A_1600 = arith.addi %add3A_1593, %select_n3A_1599 : vector<16xi32>
    %add3A_1601 = arith.addi %add3A_1594, %get3A_1596 : vector<16xi32>
    %get3A_1602 = arith.constant 3616 : index
    %get3A_1603 = tpu.vector_load %arg7[%get3A_1602] {strides = array<i32>} : memref<4096xi32, #tpu.memory_space<vmem>>, vector<16xi32>,
    %gt3A_1604 = arith.constant 226 : i32
    %gt3A_1605 = arith.cmpi sgt, %mul3A_2, %gt3A_1604 : i32
    %select_n3A_1606 = arith.select %gt3A_1605, %get3A_1603, %broadcast_in_dim3A_22 : vector<16xi32>
    %add3A_1607 = arith.addi %add3A_1600, %select_n3A_1606 : vector<16xi32>
    %add3A_1608 = arith.addi %add3A_1601, %get3A_1603 : vector<16xi32>
    %get3A_1609 = arith.constant 3632 : index
    %get3A_1610 = tpu.vector_load %arg7[%get3A_1609] {strides = array<i32>} : memref<4096xi32, #tpu.memory_space<vmem>>, vector<16xi32>,
    %gt3A_1611 = arith.constant 227 : i32
    %gt3A_1612 = arith.cmpi sgt, %mul3A_2, %gt3A_1611 : i32
    %select_n3A_1613 = arith.select %gt3A_1612, %get3A_1610, %broadcast_in_dim3A_22 : vector<16xi32>
    %add3A_1614 = arith.addi %add3A_1607, %select_n3A_1613 : vector<16xi32>
    %add3A_1615 = arith.addi %add3A_1608, %get3A_1610 : vector<16xi32>
    %get3A_1616 = arith.constant 3648 : index
    %get3A_1617 = tpu.vector_load %arg7[%get3A_1616] {strides = array<i32>} : memref<4096xi32, #tpu.memory_space<vmem>>, vector<16xi32>,
    %gt3A_1618 = arith.constant 228 : i32
    %gt3A_1619 = arith.cmpi sgt, %mul3A_2, %gt3A_1618 : i32
    %select_n3A_1620 = arith.select %gt3A_1619, %get3A_1617, %broadcast_in_dim3A_22 : vector<16xi32>
    %add3A_1621 = arith.addi %add3A_1614, %select_n3A_1620 : vector<16xi32>
    %add3A_1622 = arith.addi %add3A_1615, %get3A_1617 : vector<16xi32>
    %get3A_1623 = arith.constant 3664 : index
    %get3A_1624 = tpu.vector_load %arg7[%get3A_1623] {strides = array<i32>} : memref<4096xi32, #tpu.memory_space<vmem>>, vector<16xi32>,
    %gt3A_1625 = arith.constant 229 : i32
    %gt3A_1626 = arith.cmpi sgt, %mul3A_2, %gt3A_1625 : i32
    %select_n3A_1627 = arith.select %gt3A_1626, %get3A_1624, %broadcast_in_dim3A_22 : vector<16xi32>
    %add3A_1628 = arith.addi %add3A_1621, %select_n3A_1627 : vector<16xi32>
    %add3A_1629 = arith.addi %add3A_1622, %get3A_1624 : vector<16xi32>
    %get3A_1630 = arith.constant 3680 : index
    %get3A_1631 = tpu.vector_load %arg7[%get3A_1630] {strides = array<i32>} : memref<4096xi32, #tpu.memory_space<vmem>>, vector<16xi32>,
    %gt3A_1632 = arith.constant 230 : i32
    %gt3A_1633 = arith.cmpi sgt, %mul3A_2, %gt3A_1632 : i32
    %select_n3A_1634 = arith.select %gt3A_1633, %get3A_1631, %broadcast_in_dim3A_22 : vector<16xi32>
    %add3A_1635 = arith.addi %add3A_1628, %select_n3A_1634 : vector<16xi32>
    %add3A_1636 = arith.addi %add3A_1629, %get3A_1631 : vector<16xi32>
    %get3A_1637 = arith.constant 3696 : index
    %get3A_1638 = tpu.vector_load %arg7[%get3A_1637] {strides = array<i32>} : memref<4096xi32, #tpu.memory_space<vmem>>, vector<16xi32>,
    %gt3A_1639 = arith.constant 231 : i32
    %gt3A_1640 = arith.cmpi sgt, %mul3A_2, %gt3A_1639 : i32
    %select_n3A_1641 = arith.select %gt3A_1640, %get3A_1638, %broadcast_in_dim3A_22 : vector<16xi32>
    %add3A_1642 = arith.addi %add3A_1635, %select_n3A_1641 : vector<16xi32>
    %add3A_1643 = arith.addi %add3A_1636, %get3A_1638 : vector<16xi32>
    %get3A_1644 = arith.constant 3712 : index
    %get3A_1645 = tpu.vector_load %arg7[%get3A_1644] {strides = array<i32>} : memref<4096xi32, #tpu.memory_space<vmem>>, vector<16xi32>,
    %gt3A_1646 = arith.constant 232 : i32
    %gt3A_1647 = arith.cmpi sgt, %mul3A_2, %gt3A_1646 : i32
    %select_n3A_1648 = arith.select %gt3A_1647, %get3A_1645, %broadcast_in_dim3A_22 : vector<16xi32>
    %add3A_1649 = arith.addi %add3A_1642, %select_n3A_1648 : vector<16xi32>
    %add3A_1650 = arith.addi %add3A_1643, %get3A_1645 : vector<16xi32>
    %get3A_1651 = arith.constant 3728 : index
    %get3A_1652 = tpu.vector_load %arg7[%get3A_1651] {strides = array<i32>} : memref<4096xi32, #tpu.memory_space<vmem>>, vector<16xi32>,
    %gt3A_1653 = arith.constant 233 : i32
    %gt3A_1654 = arith.cmpi sgt, %mul3A_2, %gt3A_1653 : i32
    %select_n3A_1655 = arith.select %gt3A_1654, %get3A_1652, %broadcast_in_dim3A_22 : vector<16xi32>
    %add3A_1656 = arith.addi %add3A_1649, %select_n3A_1655 : vector<16xi32>
    %add3A_1657 = arith.addi %add3A_1650, %get3A_1652 : vector<16xi32>
    %get3A_1658 = arith.constant 3744 : index
    %get3A_1659 = tpu.vector_load %arg7[%get3A_1658] {strides = array<i32>} : memref<4096xi32, #tpu.memory_space<vmem>>, vector<16xi32>,
    %gt3A_1660 = arith.constant 234 : i32
    %gt3A_1661 = arith.cmpi sgt, %mul3A_2, %gt3A_1660 : i32
    %select_n3A_1662 = arith.select %gt3A_1661, %get3A_1659, %broadcast_in_dim3A_22 : vector<16xi32>
    %add3A_1663 = arith.addi %add3A_1656, %select_n3A_1662 : vector<16xi32>
    %add3A_1664 = arith.addi %add3A_1657, %get3A_1659 : vector<16xi32>
    %get3A_1665 = arith.constant 3760 : index
    %get3A_1666 = tpu.vector_load %arg7[%get3A_1665] {strides = array<i32>} : memref<4096xi32, #tpu.memory_space<vmem>>, vector<16xi32>,
    %gt3A_1667 = arith.constant 235 : i32
    %gt3A_1668 = arith.cmpi sgt, %mul3A_2, %gt3A_1667 : i32
    %select_n3A_1669 = arith.select %gt3A_1668, %get3A_1666, %broadcast_in_dim3A_22 : vector<16xi32>
    %add3A_1670 = arith.addi %add3A_1663, %select_n3A_1669 : vector<16xi32>
    %add3A_1671 = arith.addi %add3A_1664, %get3A_1666 : vector<16xi32>
    %get3A_1672 = arith.constant 3776 : index
    %get3A_1673 = tpu.vector_load %arg7[%get3A_1672] {strides = array<i32>} : memref<4096xi32, #tpu.memory_space<vmem>>, vector<16xi32>,
    %gt3A_1674 = arith.constant 236 : i32
    %gt3A_1675 = arith.cmpi sgt, %mul3A_2, %gt3A_1674 : i32
    %select_n3A_1676 = arith.select %gt3A_1675, %get3A_1673, %broadcast_in_dim3A_22 : vector<16xi32>
    %add3A_1677 = arith.addi %add3A_1670, %select_n3A_1676 : vector<16xi32>
    %add3A_1678 = arith.addi %add3A_1671, %get3A_1673 : vector<16xi32>
    %get3A_1679 = arith.constant 3792 : index
    %get3A_1680 = tpu.vector_load %arg7[%get3A_1679] {strides = array<i32>} : memref<4096xi32, #tpu.memory_space<vmem>>, vector<16xi32>,
    %gt3A_1681 = arith.constant 237 : i32
    %gt3A_1682 = arith.cmpi sgt, %mul3A_2, %gt3A_1681 : i32
    %select_n3A_1683 = arith.select %gt3A_1682, %get3A_1680, %broadcast_in_dim3A_22 : vector<16xi32>
    %add3A_1684 = arith.addi %add3A_1677, %select_n3A_1683 : vector<16xi32>
    %add3A_1685 = arith.addi %add3A_1678, %get3A_1680 : vector<16xi32>
    %get3A_1686 = arith.constant 3808 : index
    %get3A_1687 = tpu.vector_load %arg7[%get3A_1686] {strides = array<i32>} : memref<4096xi32, #tpu.memory_space<vmem>>, vector<16xi32>,
    %gt3A_1688 = arith.constant 238 : i32
    %gt3A_1689 = arith.cmpi sgt, %mul3A_2, %gt3A_1688 : i32
    %select_n3A_1690 = arith.select %gt3A_1689, %get3A_1687, %broadcast_in_dim3A_22 : vector<16xi32>
    %add3A_1691 = arith.addi %add3A_1684, %select_n3A_1690 : vector<16xi32>
    %add3A_1692 = arith.addi %add3A_1685, %get3A_1687 : vector<16xi32>
    %get3A_1693 = arith.constant 3824 : index
    %get3A_1694 = tpu.vector_load %arg7[%get3A_1693] {strides = array<i32>} : memref<4096xi32, #tpu.memory_space<vmem>>, vector<16xi32>,
    %gt3A_1695 = arith.constant 239 : i32
    %gt3A_1696 = arith.cmpi sgt, %mul3A_2, %gt3A_1695 : i32
    %select_n3A_1697 = arith.select %gt3A_1696, %get3A_1694, %broadcast_in_dim3A_22 : vector<16xi32>
    %add3A_1698 = arith.addi %add3A_1691, %select_n3A_1697 : vector<16xi32>
    %add3A_1699 = arith.addi %add3A_1692, %get3A_1694 : vector<16xi32>
    %get3A_1700 = arith.constant 3840 : index
    %get3A_1701 = tpu.vector_load %arg7[%get3A_1700] {strides = array<i32>} : memref<4096xi32, #tpu.memory_space<vmem>>, vector<16xi32>,
    %gt3A_1702 = arith.constant 240 : i32
    %gt3A_1703 = arith.cmpi sgt, %mul3A_2, %gt3A_1702 : i32
    %select_n3A_1704 = arith.select %gt3A_1703, %get3A_1701, %broadcast_in_dim3A_22 : vector<16xi32>
    %add3A_1705 = arith.addi %add3A_1698, %select_n3A_1704 : vector<16xi32>
    %add3A_1706 = arith.addi %add3A_1699, %get3A_1701 : vector<16xi32>
    %get3A_1707 = arith.constant 3856 : index
    %get3A_1708 = tpu.vector_load %arg7[%get3A_1707] {strides = array<i32>} : memref<4096xi32, #tpu.memory_space<vmem>>, vector<16xi32>,
    %gt3A_1709 = arith.constant 241 : i32
    %gt3A_1710 = arith.cmpi sgt, %mul3A_2, %gt3A_1709 : i32
    %select_n3A_1711 = arith.select %gt3A_1710, %get3A_1708, %broadcast_in_dim3A_22 : vector<16xi32>
    %add3A_1712 = arith.addi %add3A_1705, %select_n3A_1711 : vector<16xi32>
    %add3A_1713 = arith.addi %add3A_1706, %get3A_1708 : vector<16xi32>
    %get3A_1714 = arith.constant 3872 : index
    %get3A_1715 = tpu.vector_load %arg7[%get3A_1714] {strides = array<i32>} : memref<4096xi32, #tpu.memory_space<vmem>>, vector<16xi32>,
    %gt3A_1716 = arith.constant 242 : i32
    %gt3A_1717 = arith.cmpi sgt, %mul3A_2, %gt3A_1716 : i32
    %select_n3A_1718 = arith.select %gt3A_1717, %get3A_1715, %broadcast_in_dim3A_22 : vector<16xi32>
    %add3A_1719 = arith.addi %add3A_1712, %select_n3A_1718 : vector<16xi32>
    %add3A_1720 = arith.addi %add3A_1713, %get3A_1715 : vector<16xi32>
    %get3A_1721 = arith.constant 3888 : index
    %get3A_1722 = tpu.vector_load %arg7[%get3A_1721] {strides = array<i32>} : memref<4096xi32, #tpu.memory_space<vmem>>, vector<16xi32>,
    %gt3A_1723 = arith.constant 243 : i32
    %gt3A_1724 = arith.cmpi sgt, %mul3A_2, %gt3A_1723 : i32
    %select_n3A_1725 = arith.select %gt3A_1724, %get3A_1722, %broadcast_in_dim3A_22 : vector<16xi32>
    %add3A_1726 = arith.addi %add3A_1719, %select_n3A_1725 : vector<16xi32>
    %add3A_1727 = arith.addi %add3A_1720, %get3A_1722 : vector<16xi32>
    %get3A_1728 = arith.constant 3904 : index
    %get3A_1729 = tpu.vector_load %arg7[%get3A_1728] {strides = array<i32>} : memref<4096xi32, #tpu.memory_space<vmem>>, vector<16xi32>,
    %gt3A_1730 = arith.constant 244 : i32
    %gt3A_1731 = arith.cmpi sgt, %mul3A_2, %gt3A_1730 : i32
    %select_n3A_1732 = arith.select %gt3A_1731, %get3A_1729, %broadcast_in_dim3A_22 : vector<16xi32>
    %add3A_1733 = arith.addi %add3A_1726, %select_n3A_1732 : vector<16xi32>
    %add3A_1734 = arith.addi %add3A_1727, %get3A_1729 : vector<16xi32>
    %get3A_1735 = arith.constant 3920 : index
    %get3A_1736 = tpu.vector_load %arg7[%get3A_1735] {strides = array<i32>} : memref<4096xi32, #tpu.memory_space<vmem>>, vector<16xi32>,
    %gt3A_1737 = arith.constant 245 : i32
    %gt3A_1738 = arith.cmpi sgt, %mul3A_2, %gt3A_1737 : i32
    %select_n3A_1739 = arith.select %gt3A_1738, %get3A_1736, %broadcast_in_dim3A_22 : vector<16xi32>
    %add3A_1740 = arith.addi %add3A_1733, %select_n3A_1739 : vector<16xi32>
    %add3A_1741 = arith.addi %add3A_1734, %get3A_1736 : vector<16xi32>
    %get3A_1742 = arith.constant 3936 : index
    %get3A_1743 = tpu.vector_load %arg7[%get3A_1742] {strides = array<i32>} : memref<4096xi32, #tpu.memory_space<vmem>>, vector<16xi32>,
    %gt3A_1744 = arith.constant 246 : i32
    %gt3A_1745 = arith.cmpi sgt, %mul3A_2, %gt3A_1744 : i32
    %select_n3A_1746 = arith.select %gt3A_1745, %get3A_1743, %broadcast_in_dim3A_22 : vector<16xi32>
    %add3A_1747 = arith.addi %add3A_1740, %select_n3A_1746 : vector<16xi32>
    %add3A_1748 = arith.addi %add3A_1741, %get3A_1743 : vector<16xi32>
    %get3A_1749 = arith.constant 3952 : index
    %get3A_1750 = tpu.vector_load %arg7[%get3A_1749] {strides = array<i32>} : memref<4096xi32, #tpu.memory_space<vmem>>, vector<16xi32>,
    %gt3A_1751 = arith.constant 247 : i32
    %gt3A_1752 = arith.cmpi sgt, %mul3A_2, %gt3A_1751 : i32
    %select_n3A_1753 = arith.select %gt3A_1752, %get3A_1750, %broadcast_in_dim3A_22 : vector<16xi32>
    %add3A_1754 = arith.addi %add3A_1747, %select_n3A_1753 : vector<16xi32>
    %add3A_1755 = arith.addi %add3A_1748, %get3A_1750 : vector<16xi32>
    %get3A_1756 = arith.constant 3968 : index
    %get3A_1757 = tpu.vector_load %arg7[%get3A_1756] {strides = array<i32>} : memref<4096xi32, #tpu.memory_space<vmem>>, vector<16xi32>,
    %gt3A_1758 = arith.constant 248 : i32
    %gt3A_1759 = arith.cmpi sgt, %mul3A_2, %gt3A_1758 : i32
    %select_n3A_1760 = arith.select %gt3A_1759, %get3A_1757, %broadcast_in_dim3A_22 : vector<16xi32>
    %add3A_1761 = arith.addi %add3A_1754, %select_n3A_1760 : vector<16xi32>
    %add3A_1762 = arith.addi %add3A_1755, %get3A_1757 : vector<16xi32>
    %get3A_1763 = arith.constant 3984 : index
    %get3A_1764 = tpu.vector_load %arg7[%get3A_1763] {strides = array<i32>} : memref<4096xi32, #tpu.memory_space<vmem>>, vector<16xi32>,
    %gt3A_1765 = arith.constant 249 : i32
    %gt3A_1766 = arith.cmpi sgt, %mul3A_2, %gt3A_1765 : i32
    %select_n3A_1767 = arith.select %gt3A_1766, %get3A_1764, %broadcast_in_dim3A_22 : vector<16xi32>
    %add3A_1768 = arith.addi %add3A_1761, %select_n3A_1767 : vector<16xi32>
    %add3A_1769 = arith.addi %add3A_1762, %get3A_1764 : vector<16xi32>
    %get3A_1770 = arith.constant 4000 : index
    %get3A_1771 = tpu.vector_load %arg7[%get3A_1770] {strides = array<i32>} : memref<4096xi32, #tpu.memory_space<vmem>>, vector<16xi32>,
    %gt3A_1772 = arith.constant 250 : i32
    %gt3A_1773 = arith.cmpi sgt, %mul3A_2, %gt3A_1772 : i32
    %select_n3A_1774 = arith.select %gt3A_1773, %get3A_1771, %broadcast_in_dim3A_22 : vector<16xi32>
    %add3A_1775 = arith.addi %add3A_1768, %select_n3A_1774 : vector<16xi32>
    %add3A_1776 = arith.addi %add3A_1769, %get3A_1771 : vector<16xi32>
    %get3A_1777 = arith.constant 4016 : index
    %get3A_1778 = tpu.vector_load %arg7[%get3A_1777] {strides = array<i32>} : memref<4096xi32, #tpu.memory_space<vmem>>, vector<16xi32>,
    %gt3A_1779 = arith.constant 251 : i32
    %gt3A_1780 = arith.cmpi sgt, %mul3A_2, %gt3A_1779 : i32
    %select_n3A_1781 = arith.select %gt3A_1780, %get3A_1778, %broadcast_in_dim3A_22 : vector<16xi32>
    %add3A_1782 = arith.addi %add3A_1775, %select_n3A_1781 : vector<16xi32>
    %add3A_1783 = arith.addi %add3A_1776, %get3A_1778 : vector<16xi32>
    %get3A_1784 = arith.constant 4032 : index
    %get3A_1785 = tpu.vector_load %arg7[%get3A_1784] {strides = array<i32>} : memref<4096xi32, #tpu.memory_space<vmem>>, vector<16xi32>,
    %gt3A_1786 = arith.constant 252 : i32
    %gt3A_1787 = arith.cmpi sgt, %mul3A_2, %gt3A_1786 : i32
    %select_n3A_1788 = arith.select %gt3A_1787, %get3A_1785, %broadcast_in_dim3A_22 : vector<16xi32>
    %add3A_1789 = arith.addi %add3A_1782, %select_n3A_1788 : vector<16xi32>
    %add3A_1790 = arith.addi %add3A_1783, %get3A_1785 : vector<16xi32>
    %get3A_1791 = arith.constant 4048 : index
    %get3A_1792 = tpu.vector_load %arg7[%get3A_1791] {strides = array<i32>} : memref<4096xi32, #tpu.memory_space<vmem>>, vector<16xi32>,
    %gt3A_1793 = arith.constant 253 : i32
    %gt3A_1794 = arith.cmpi sgt, %mul3A_2, %gt3A_1793 : i32
    %select_n3A_1795 = arith.select %gt3A_1794, %get3A_1792, %broadcast_in_dim3A_22 : vector<16xi32>
    %add3A_1796 = arith.addi %add3A_1789, %select_n3A_1795 : vector<16xi32>
    %add3A_1797 = arith.addi %add3A_1790, %get3A_1792 : vector<16xi32>
    %get3A_1798 = arith.constant 4064 : index
    %get3A_1799 = tpu.vector_load %arg7[%get3A_1798] {strides = array<i32>} : memref<4096xi32, #tpu.memory_space<vmem>>, vector<16xi32>,
    %gt3A_1800 = arith.constant 254 : i32
    %gt3A_1801 = arith.cmpi sgt, %mul3A_2, %gt3A_1800 : i32
    %select_n3A_1802 = arith.select %gt3A_1801, %get3A_1799, %broadcast_in_dim3A_22 : vector<16xi32>
    %add3A_1803 = arith.addi %add3A_1796, %select_n3A_1802 : vector<16xi32>
    %add3A_1804 = arith.addi %add3A_1797, %get3A_1799 : vector<16xi32>
    %get3A_1805 = arith.constant 4080 : index
    %get3A_1806 = tpu.vector_load %arg7[%get3A_1805] {strides = array<i32>} : memref<4096xi32, #tpu.memory_space<vmem>>, vector<16xi32>,
    %gt3A_1807 = arith.constant 255 : i32
    %gt3A_1808 = arith.cmpi sgt, %mul3A_2, %gt3A_1807 : i32
    %select_n3A_1809 = arith.select %gt3A_1808, %get3A_1806, %broadcast_in_dim3A_22 : vector<16xi32>
    %add3A_1810 = arith.addi %add3A_1803, %select_n3A_1809 : vector<16xi32>
    %add3A_1811 = arith.addi %add3A_1804, %get3A_1806 : vector<16xi32>
    %reduce_sum3A = arith.constant true
    %reduce_sum3A_1812 = vector.broadcast %reduce_sum3A : i1 to vector<16xi1>
    %reduce_sum3A_1813 = tpu.scan <sum>, %add3A_1810 masked %reduce_sum3A_1812 : vector<16xi32>, vector<16xi1> -> vector<16xi32>
    %reduce_sum3A_1814 = vector.extract %reduce_sum3A_1813[15] : i32 from vector<16xi32>
    %reduce_sum3A_1815 = arith.constant true
    %reduce_sum3A_1816 = vector.broadcast %reduce_sum3A_1815 : i1 to vector<16xi1>
    %reduce_sum3A_1817 = tpu.scan <sum>, %add3A_1811 masked %reduce_sum3A_1816 : vector<16xi32>, vector<16xi1> -> vector<16xi32>
    %reduce_sum3A_1818 = vector.extract %reduce_sum3A_1817[15] : i32 from vector<16xi32>
    %sub3A = arith.constant 4096 : i32
    %sub3A_1819 = arith.subi %sub3A, %reduce_sum3A_1818 : i32
    %add3A_1820 = arith.constant 512 : i32
    %add3A_1821 = arith.addi %sub3A_1819, %add3A_1820 : i32
    %sub3A_1822 = arith.constant 1 : i32
    %sub3A_1823 = arith.subi %add3A_1821, %sub3A_1822 : i32
    %jit3A = arith.constant 512 : i32
    %div3A = arith.divsi %sub3A_1823, %jit3A : i32
    %sign3A = arith.constant 0 : i32
    %sign3A_1824 = arith.cmpi sgt, %sub3A_1823, %sign3A : i32
    %sign3A_1825 = arith.extui %sign3A_1824 : i1 to i32
    %sign3A_1826 = arith.constant 0 : i32
    %sign3A_1827 = arith.cmpi slt, %sub3A_1823, %sign3A_1826 : i32
    %sign3A_1828 = arith.extui %sign3A_1827 : i1 to i32
    %sign3A_1829 = arith.subi %sign3A_1825, %sign3A_1828 : i32
    %sign3A_1830 = arith.constant 0 : i32
    %sign3A_1831 = arith.cmpi sgt, %jit3A, %sign3A_1830 : i32
    %sign3A_1832 = arith.extui %sign3A_1831 : i1 to i32
    %sign3A_1833 = arith.constant 0 : i32
    %sign3A_1834 = arith.cmpi slt, %jit3A, %sign3A_1833 : i32
    %sign3A_1835 = arith.extui %sign3A_1834 : i1 to i32
    %sign3A_1836 = arith.subi %sign3A_1832, %sign3A_1835 : i32
    %ne3A = arith.cmpi ne, %sign3A_1829, %sign3A_1836 : i32
    %rem3A = arith.remsi %sub3A_1823, %jit3A : i32
    %ne3A_1837 = arith.constant 0 : i32
    %ne3A_1838 = arith.cmpi ne, %rem3A, %ne3A_1837 : i32
    %and3A = arith.andi %ne3A, %ne3A_1838 : i1
    %sub3A_1839 = arith.constant 1 : i32
    %sub3A_1840 = arith.subi %div3A, %sub3A_1839 : i32
    %select_n3A_1841 = arith.select %and3A, %sub3A_1840, %div3A : i32
    %mul3A_1842 = arith.constant 512 : i32
    %mul3A_1843 = arith.muli %select_n3A_1841, %mul3A_1842 : i32
    %get3A_1844 = arith.constant 0 : index
    %get3A_1845 = tpu.vector_load %arg8[%get3A_1844] {strides = array<i32>} : memref<128xi32, #tpu.memory_space<vmem>>, vector<16xi32>,
    %cumsum3A = arith.constant true
    %cumsum3A_1846 = vector.broadcast %cumsum3A : i1 to vector<16xi1>
    %cumsum3A_1847 = tpu.scan <sum>, %get3A_1845 masked %cumsum3A_1846 : vector<16xi32>, vector<16xi1> -> vector<16xi32>
    %add3A_1848 = vector.broadcast %reduce_sum3A_1814 : i32 to vector<16xi32>
    %add3A_1849 = arith.addi %add3A_1848, %cumsum3A_1847 : vector<16xi32>
    %sub3A_1850 = arith.subi %add3A_1849, %get3A_1845 : vector<16xi32>
    %add3A_1851 = arith.constant 0 : i32
    %add3A_1852 = arith.addi %mul3A_4, %add3A_1851 : i32
    %iota3A = tpu.iota {dimensions = array<i32: 0>} : vector<16xi32>
    %add3A_1853 = vector.broadcast %add3A_1852 : i32 to vector<16xi32>
    %add3A_1854 = arith.addi %add3A_1853, %iota3A : vector<16xi32>
    %sub3A_1855 = arith.subi %add3A_1854, %sub3A_1850 : vector<16xi32>
    %gt3A_1856 = arith.constant 0 : i32
    %gt3A_1857 = vector.broadcast %gt3A_1856 : i32 to vector<16xi32>
    %gt3A_1858 = arith.cmpi sgt, %get3A_1845, %gt3A_1857 : vector<16xi32>
    %add3A_1859 = vector.broadcast %mul3A_1843 : i32 to vector<16xi32>
    %add3A_1860 = arith.addi %add3A_1859, %sub3A_1850 : vector<16xi32>
    %select_n3A_1861 = arith.select %gt3A_1858, %add3A_1860, %sub3A_1855 : vector<16xi1>, vector<16xi32>
    %swap3A = arith.constant 0 : index
    %swap3A_1862 = tpu.vector_load %arg9[%swap3A] {strides = array<i32>} : memref<128xi32, #tpu.memory_space<vmem>>, vector<16xi32>,
    tpu.vector_store %arg9[%swap3A], %select_n3A_1861 {strides = array<i32>} : memref<128xi32, #tpu.memory_space<vmem>>, vector<16xi32>,
    %reduce_sum3A_1863 = arith.constant true
    %reduce_sum3A_1864 = vector.broadcast %reduce_sum3A_1863 : i1 to vector<16xi1>
    %reduce_sum3A_1865 = tpu.scan <sum>, %get3A_1845 masked %reduce_sum3A_1864 : vector<16xi32>, vector<16xi1> -> vector<16xi32>
    %reduce_sum3A_1866 = vector.extract %reduce_sum3A_1865[15] : i32 from vector<16xi32>
    %add3A_1867 = arith.addi %reduce_sum3A_1814, %reduce_sum3A_1866 : i32
    %get3A_1868 = arith.constant 16 : index
    %get3A_1869 = tpu.vector_load %arg8[%get3A_1868] {strides = array<i32>} : memref<128xi32, #tpu.memory_space<vmem>>, vector<16xi32>,
    %cumsum3A_1870 = arith.constant true
    %cumsum3A_1871 = vector.broadcast %cumsum3A_1870 : i1 to vector<16xi1>
    %cumsum3A_1872 = tpu.scan <sum>, %get3A_1869 masked %cumsum3A_1871 : vector<16xi32>, vector<16xi1> -> vector<16xi32>
    %add3A_1873 = vector.broadcast %add3A_1867 : i32 to vector<16xi32>
    %add3A_1874 = arith.addi %add3A_1873, %cumsum3A_1872 : vector<16xi32>
    %sub3A_1875 = arith.subi %add3A_1874, %get3A_1869 : vector<16xi32>
    %add3A_1876 = arith.constant 16 : i32
    %add3A_1877 = arith.addi %mul3A_4, %add3A_1876 : i32
    %iota3A_1878 = tpu.iota {dimensions = array<i32: 0>} : vector<16xi32>
    %add3A_1879 = vector.broadcast %add3A_1877 : i32 to vector<16xi32>
    %add3A_1880 = arith.addi %add3A_1879, %iota3A_1878 : vector<16xi32>
    %sub3A_1881 = arith.subi %add3A_1880, %sub3A_1875 : vector<16xi32>
    %gt3A_1882 = arith.constant 0 : i32
    %gt3A_1883 = vector.broadcast %gt3A_1882 : i32 to vector<16xi32>
    %gt3A_1884 = arith.cmpi sgt, %get3A_1869, %gt3A_1883 : vector<16xi32>
    %add3A_1885 = vector.broadcast %mul3A_1843 : i32 to vector<16xi32>
    %add3A_1886 = arith.addi %add3A_1885, %sub3A_1875 : vector<16xi32>
    %select_n3A_1887 = arith.select %gt3A_1884, %add3A_1886, %sub3A_1881 : vector<16xi1>, vector<16xi32>
    %swap3A_1888 = arith.constant 16 : index
    %swap3A_1889 = tpu.vector_load %arg9[%swap3A_1888] {strides = array<i32>} : memref<128xi32, #tpu.memory_space<vmem>>, vector<16xi32>,
    tpu.vector_store %arg9[%swap3A_1888], %select_n3A_1887 {strides = array<i32>} : memref<128xi32, #tpu.memory_space<vmem>>, vector<16xi32>,
    %reduce_sum3A_1890 = arith.constant true
    %reduce_sum3A_1891 = vector.broadcast %reduce_sum3A_1890 : i1 to vector<16xi1>
    %reduce_sum3A_1892 = tpu.scan <sum>, %get3A_1869 masked %reduce_sum3A_1891 : vector<16xi32>, vector<16xi1> -> vector<16xi32>
    %reduce_sum3A_1893 = vector.extract %reduce_sum3A_1892[15] : i32 from vector<16xi32>
    %add3A_1894 = arith.addi %add3A_1867, %reduce_sum3A_1893 : i32
    %get3A_1895 = arith.constant 32 : index
    %get3A_1896 = tpu.vector_load %arg8[%get3A_1895] {strides = array<i32>} : memref<128xi32, #tpu.memory_space<vmem>>, vector<16xi32>,
    %cumsum3A_1897 = arith.constant true
    %cumsum3A_1898 = vector.broadcast %cumsum3A_1897 : i1 to vector<16xi1>
    %cumsum3A_1899 = tpu.scan <sum>, %get3A_1896 masked %cumsum3A_1898 : vector<16xi32>, vector<16xi1> -> vector<16xi32>
    %add3A_1900 = vector.broadcast %add3A_1894 : i32 to vector<16xi32>
    %add3A_1901 = arith.addi %add3A_1900, %cumsum3A_1899 : vector<16xi32>
    %sub3A_1902 = arith.subi %add3A_1901, %get3A_1896 : vector<16xi32>
    %add3A_1903 = arith.constant 32 : i32
    %add3A_1904 = arith.addi %mul3A_4, %add3A_1903 : i32
    %iota3A_1905 = tpu.iota {dimensions = array<i32: 0>} : vector<16xi32>
    %add3A_1906 = vector.broadcast %add3A_1904 : i32 to vector<16xi32>
    %add3A_1907 = arith.addi %add3A_1906, %iota3A_1905 : vector<16xi32>
    %sub3A_1908 = arith.subi %add3A_1907, %sub3A_1902 : vector<16xi32>
    %gt3A_1909 = arith.constant 0 : i32
    %gt3A_1910 = vector.broadcast %gt3A_1909 : i32 to vector<16xi32>
    %gt3A_1911 = arith.cmpi sgt, %get3A_1896, %gt3A_1910 : vector<16xi32>
    %add3A_1912 = vector.broadcast %mul3A_1843 : i32 to vector<16xi32>
    %add3A_1913 = arith.addi %add3A_1912, %sub3A_1902 : vector<16xi32>
    %select_n3A_1914 = arith.select %gt3A_1911, %add3A_1913, %sub3A_1908 : vector<16xi1>, vector<16xi32>
    %swap3A_1915 = arith.constant 32 : index
    %swap3A_1916 = tpu.vector_load %arg9[%swap3A_1915] {strides = array<i32>} : memref<128xi32, #tpu.memory_space<vmem>>, vector<16xi32>,
    tpu.vector_store %arg9[%swap3A_1915], %select_n3A_1914 {strides = array<i32>} : memref<128xi32, #tpu.memory_space<vmem>>, vector<16xi32>,
    %reduce_sum3A_1917 = arith.constant true
    %reduce_sum3A_1918 = vector.broadcast %reduce_sum3A_1917 : i1 to vector<16xi1>
    %reduce_sum3A_1919 = tpu.scan <sum>, %get3A_1896 masked %reduce_sum3A_1918 : vector<16xi32>, vector<16xi1> -> vector<16xi32>
    %reduce_sum3A_1920 = vector.extract %reduce_sum3A_1919[15] : i32 from vector<16xi32>
    %add3A_1921 = arith.addi %add3A_1894, %reduce_sum3A_1920 : i32
    %get3A_1922 = arith.constant 48 : index
    %get3A_1923 = tpu.vector_load %arg8[%get3A_1922] {strides = array<i32>} : memref<128xi32, #tpu.memory_space<vmem>>, vector<16xi32>,
    %cumsum3A_1924 = arith.constant true
    %cumsum3A_1925 = vector.broadcast %cumsum3A_1924 : i1 to vector<16xi1>
    %cumsum3A_1926 = tpu.scan <sum>, %get3A_1923 masked %cumsum3A_1925 : vector<16xi32>, vector<16xi1> -> vector<16xi32>
    %add3A_1927 = vector.broadcast %add3A_1921 : i32 to vector<16xi32>
    %add3A_1928 = arith.addi %add3A_1927, %cumsum3A_1926 : vector<16xi32>
    %sub3A_1929 = arith.subi %add3A_1928, %get3A_1923 : vector<16xi32>
    %add3A_1930 = arith.constant 48 : i32
    %add3A_1931 = arith.addi %mul3A_4, %add3A_1930 : i32
    %iota3A_1932 = tpu.iota {dimensions = array<i32: 0>} : vector<16xi32>
    %add3A_1933 = vector.broadcast %add3A_1931 : i32 to vector<16xi32>
    %add3A_1934 = arith.addi %add3A_1933, %iota3A_1932 : vector<16xi32>
    %sub3A_1935 = arith.subi %add3A_1934, %sub3A_1929 : vector<16xi32>
    %gt3A_1936 = arith.constant 0 : i32
    %gt3A_1937 = vector.broadcast %gt3A_1936 : i32 to vector<16xi32>
    %gt3A_1938 = arith.cmpi sgt, %get3A_1923, %gt3A_1937 : vector<16xi32>
    %add3A_1939 = vector.broadcast %mul3A_1843 : i32 to vector<16xi32>
    %add3A_1940 = arith.addi %add3A_1939, %sub3A_1929 : vector<16xi32>
    %select_n3A_1941 = arith.select %gt3A_1938, %add3A_1940, %sub3A_1935 : vector<16xi1>, vector<16xi32>
    %swap3A_1942 = arith.constant 48 : index
    %swap3A_1943 = tpu.vector_load %arg9[%swap3A_1942] {strides = array<i32>} : memref<128xi32, #tpu.memory_space<vmem>>, vector<16xi32>,
    tpu.vector_store %arg9[%swap3A_1942], %select_n3A_1941 {strides = array<i32>} : memref<128xi32, #tpu.memory_space<vmem>>, vector<16xi32>,
    %reduce_sum3A_1944 = arith.constant true
    %reduce_sum3A_1945 = vector.broadcast %reduce_sum3A_1944 : i1 to vector<16xi1>
    %reduce_sum3A_1946 = tpu.scan <sum>, %get3A_1923 masked %reduce_sum3A_1945 : vector<16xi32>, vector<16xi1> -> vector<16xi32>
    %reduce_sum3A_1947 = vector.extract %reduce_sum3A_1946[15] : i32 from vector<16xi32>
    %add3A_1948 = arith.addi %add3A_1921, %reduce_sum3A_1947 : i32
    %get3A_1949 = arith.constant 64 : index
    %get3A_1950 = tpu.vector_load %arg8[%get3A_1949] {strides = array<i32>} : memref<128xi32, #tpu.memory_space<vmem>>, vector<16xi32>,
    %cumsum3A_1951 = arith.constant true
    %cumsum3A_1952 = vector.broadcast %cumsum3A_1951 : i1 to vector<16xi1>
    %cumsum3A_1953 = tpu.scan <sum>, %get3A_1950 masked %cumsum3A_1952 : vector<16xi32>, vector<16xi1> -> vector<16xi32>
    %add3A_1954 = vector.broadcast %add3A_1948 : i32 to vector<16xi32>
    %add3A_1955 = arith.addi %add3A_1954, %cumsum3A_1953 : vector<16xi32>
    %sub3A_1956 = arith.subi %add3A_1955, %get3A_1950 : vector<16xi32>
    %add3A_1957 = arith.constant 64 : i32
    %add3A_1958 = arith.addi %mul3A_4, %add3A_1957 : i32
    %iota3A_1959 = tpu.iota {dimensions = array<i32: 0>} : vector<16xi32>
    %add3A_1960 = vector.broadcast %add3A_1958 : i32 to vector<16xi32>
    %add3A_1961 = arith.addi %add3A_1960, %iota3A_1959 : vector<16xi32>
    %sub3A_1962 = arith.subi %add3A_1961, %sub3A_1956 : vector<16xi32>
    %gt3A_1963 = arith.constant 0 : i32
    %gt3A_1964 = vector.broadcast %gt3A_1963 : i32 to vector<16xi32>
    %gt3A_1965 = arith.cmpi sgt, %get3A_1950, %gt3A_1964 : vector<16xi32>
    %add3A_1966 = vector.broadcast %mul3A_1843 : i32 to vector<16xi32>
    %add3A_1967 = arith.addi %add3A_1966, %sub3A_1956 : vector<16xi32>
    %select_n3A_1968 = arith.select %gt3A_1965, %add3A_1967, %sub3A_1962 : vector<16xi1>, vector<16xi32>
    %swap3A_1969 = arith.constant 64 : index
    %swap3A_1970 = tpu.vector_load %arg9[%swap3A_1969] {strides = array<i32>} : memref<128xi32, #tpu.memory_space<vmem>>, vector<16xi32>,
    tpu.vector_store %arg9[%swap3A_1969], %select_n3A_1968 {strides = array<i32>} : memref<128xi32, #tpu.memory_space<vmem>>, vector<16xi32>,
    %reduce_sum3A_1971 = arith.constant true
    %reduce_sum3A_1972 = vector.broadcast %reduce_sum3A_1971 : i1 to vector<16xi1>
    %reduce_sum3A_1973 = tpu.scan <sum>, %get3A_1950 masked %reduce_sum3A_1972 : vector<16xi32>, vector<16xi1> -> vector<16xi32>
    %reduce_sum3A_1974 = vector.extract %reduce_sum3A_1973[15] : i32 from vector<16xi32>
    %add3A_1975 = arith.addi %add3A_1948, %reduce_sum3A_1974 : i32
    %get3A_1976 = arith.constant 80 : index
    %get3A_1977 = tpu.vector_load %arg8[%get3A_1976] {strides = array<i32>} : memref<128xi32, #tpu.memory_space<vmem>>, vector<16xi32>,
    %cumsum3A_1978 = arith.constant true
    %cumsum3A_1979 = vector.broadcast %cumsum3A_1978 : i1 to vector<16xi1>
    %cumsum3A_1980 = tpu.scan <sum>, %get3A_1977 masked %cumsum3A_1979 : vector<16xi32>, vector<16xi1> -> vector<16xi32>
    %add3A_1981 = vector.broadcast %add3A_1975 : i32 to vector<16xi32>
    %add3A_1982 = arith.addi %add3A_1981, %cumsum3A_1980 : vector<16xi32>
    %sub3A_1983 = arith.subi %add3A_1982, %get3A_1977 : vector<16xi32>
    %add3A_1984 = arith.constant 80 : i32
    %add3A_1985 = arith.addi %mul3A_4, %add3A_1984 : i32
    %iota3A_1986 = tpu.iota {dimensions = array<i32: 0>} : vector<16xi32>
    %add3A_1987 = vector.broadcast %add3A_1985 : i32 to vector<16xi32>
    %add3A_1988 = arith.addi %add3A_1987, %iota3A_1986 : vector<16xi32>
    %sub3A_1989 = arith.subi %add3A_1988, %sub3A_1983 : vector<16xi32>
    %gt3A_1990 = arith.constant 0 : i32
    %gt3A_1991 = vector.broadcast %gt3A_1990 : i32 to vector<16xi32>
    %gt3A_1992 = arith.cmpi sgt, %get3A_1977, %gt3A_1991 : vector<16xi32>
    %add3A_1993 = vector.broadcast %mul3A_1843 : i32 to vector<16xi32>
    %add3A_1994 = arith.addi %add3A_1993, %sub3A_1983 : vector<16xi32>
    %select_n3A_1995 = arith.select %gt3A_1992, %add3A_1994, %sub3A_1989 : vector<16xi1>, vector<16xi32>
    %swap3A_1996 = arith.constant 80 : index
    %swap3A_1997 = tpu.vector_load %arg9[%swap3A_1996] {strides = array<i32>} : memref<128xi32, #tpu.memory_space<vmem>>, vector<16xi32>,
    tpu.vector_store %arg9[%swap3A_1996], %select_n3A_1995 {strides = array<i32>} : memref<128xi32, #tpu.memory_space<vmem>>, vector<16xi32>,
    %reduce_sum3A_1998 = arith.constant true
    %reduce_sum3A_1999 = vector.broadcast %reduce_sum3A_1998 : i1 to vector<16xi1>
    %reduce_sum3A_2000 = tpu.scan <sum>, %get3A_1977 masked %reduce_sum3A_1999 : vector<16xi32>, vector<16xi1> -> vector<16xi32>
    %reduce_sum3A_2001 = vector.extract %reduce_sum3A_2000[15] : i32 from vector<16xi32>
    %add3A_2002 = arith.addi %add3A_1975, %reduce_sum3A_2001 : i32
    %get3A_2003 = arith.constant 96 : index
    %get3A_2004 = tpu.vector_load %arg8[%get3A_2003] {strides = array<i32>} : memref<128xi32, #tpu.memory_space<vmem>>, vector<16xi32>,
    %cumsum3A_2005 = arith.constant true
    %cumsum3A_2006 = vector.broadcast %cumsum3A_2005 : i1 to vector<16xi1>
    %cumsum3A_2007 = tpu.scan <sum>, %get3A_2004 masked %cumsum3A_2006 : vector<16xi32>, vector<16xi1> -> vector<16xi32>
    %add3A_2008 = vector.broadcast %add3A_2002 : i32 to vector<16xi32>
    %add3A_2009 = arith.addi %add3A_2008, %cumsum3A_2007 : vector<16xi32>
    %sub3A_2010 = arith.subi %add3A_2009, %get3A_2004 : vector<16xi32>
    %add3A_2011 = arith.constant 96 : i32
    %add3A_2012 = arith.addi %mul3A_4, %add3A_2011 : i32
    %iota3A_2013 = tpu.iota {dimensions = array<i32: 0>} : vector<16xi32>
    %add3A_2014 = vector.broadcast %add3A_2012 : i32 to vector<16xi32>
    %add3A_2015 = arith.addi %add3A_2014, %iota3A_2013 : vector<16xi32>
    %sub3A_2016 = arith.subi %add3A_2015, %sub3A_2010 : vector<16xi32>
    %gt3A_2017 = arith.constant 0 : i32
    %gt3A_2018 = vector.broadcast %gt3A_2017 : i32 to vector<16xi32>
    %gt3A_2019 = arith.cmpi sgt, %get3A_2004, %gt3A_2018 : vector<16xi32>
    %add3A_2020 = vector.broadcast %mul3A_1843 : i32 to vector<16xi32>
    %add3A_2021 = arith.addi %add3A_2020, %sub3A_2010 : vector<16xi32>
    %select_n3A_2022 = arith.select %gt3A_2019, %add3A_2021, %sub3A_2016 : vector<16xi1>, vector<16xi32>
    %swap3A_2023 = arith.constant 96 : index
    %swap3A_2024 = tpu.vector_load %arg9[%swap3A_2023] {strides = array<i32>} : memref<128xi32, #tpu.memory_space<vmem>>, vector<16xi32>,
    tpu.vector_store %arg9[%swap3A_2023], %select_n3A_2022 {strides = array<i32>} : memref<128xi32, #tpu.memory_space<vmem>>, vector<16xi32>,
    %reduce_sum3A_2025 = arith.constant true
    %reduce_sum3A_2026 = vector.broadcast %reduce_sum3A_2025 : i1 to vector<16xi1>
    %reduce_sum3A_2027 = tpu.scan <sum>, %get3A_2004 masked %reduce_sum3A_2026 : vector<16xi32>, vector<16xi1> -> vector<16xi32>
    %reduce_sum3A_2028 = vector.extract %reduce_sum3A_2027[15] : i32 from vector<16xi32>
    %add3A_2029 = arith.addi %add3A_2002, %reduce_sum3A_2028 : i32
    %get3A_2030 = arith.constant 112 : index
    %get3A_2031 = tpu.vector_load %arg8[%get3A_2030] {strides = array<i32>} : memref<128xi32, #tpu.memory_space<vmem>>, vector<16xi32>,
    %cumsum3A_2032 = arith.constant true
    %cumsum3A_2033 = vector.broadcast %cumsum3A_2032 : i1 to vector<16xi1>
    %cumsum3A_2034 = tpu.scan <sum>, %get3A_2031 masked %cumsum3A_2033 : vector<16xi32>, vector<16xi1> -> vector<16xi32>
    %add3A_2035 = vector.broadcast %add3A_2029 : i32 to vector<16xi32>
    %add3A_2036 = arith.addi %add3A_2035, %cumsum3A_2034 : vector<16xi32>
    %sub3A_2037 = arith.subi %add3A_2036, %get3A_2031 : vector<16xi32>
    %add3A_2038 = arith.constant 112 : i32
    %add3A_2039 = arith.addi %mul3A_4, %add3A_2038 : i32
    %iota3A_2040 = tpu.iota {dimensions = array<i32: 0>} : vector<16xi32>
    %add3A_2041 = vector.broadcast %add3A_2039 : i32 to vector<16xi32>
    %add3A_2042 = arith.addi %add3A_2041, %iota3A_2040 : vector<16xi32>
    %sub3A_2043 = arith.subi %add3A_2042, %sub3A_2037 : vector<16xi32>
    %gt3A_2044 = arith.constant 0 : i32
    %gt3A_2045 = vector.broadcast %gt3A_2044 : i32 to vector<16xi32>
    %gt3A_2046 = arith.cmpi sgt, %get3A_2031, %gt3A_2045 : vector<16xi32>
    %add3A_2047 = vector.broadcast %mul3A_1843 : i32 to vector<16xi32>
    %add3A_2048 = arith.addi %add3A_2047, %sub3A_2037 : vector<16xi32>
    %select_n3A_2049 = arith.select %gt3A_2046, %add3A_2048, %sub3A_2043 : vector<16xi1>, vector<16xi32>
    %swap3A_2050 = arith.constant 112 : index
    %swap3A_2051 = tpu.vector_load %arg9[%swap3A_2050] {strides = array<i32>} : memref<128xi32, #tpu.memory_space<vmem>>, vector<16xi32>,
    tpu.vector_store %arg9[%swap3A_2050], %select_n3A_2049 {strides = array<i32>} : memref<128xi32, #tpu.memory_space<vmem>>, vector<16xi32>,
    %reduce_sum3A_2052 = arith.constant true
    %reduce_sum3A_2053 = vector.broadcast %reduce_sum3A_2052 : i1 to vector<16xi1>
    %reduce_sum3A_2054 = tpu.scan <sum>, %get3A_2031 masked %reduce_sum3A_2053 : vector<16xi32>, vector<16xi1> -> vector<16xi32>
    %reduce_sum3A_2055 = vector.extract %reduce_sum3A_2054[15] : i32 from vector<16xi32>
    %add3A_2056 = arith.addi %add3A_2029, %reduce_sum3A_2055 : i32
    "tpu.region"() ({
      %run_scoped3A = tpu.sem_alloc : memref<!tpu.dma_semaphore, #tpu.memory_space<semaphore_mem>>
      %dma_start3A_2136 = tpu.memref_slice %arg5[%mul3A_4] : memref<4096xi32, #tpu.memory_space<hbm>> -> memref<128xi32, #tpu.memory_space<hbm>>
      %dma_start3A_2137 = tpu.memref_slice %arg5[%mul3A_4] : memref<4096xi32, #tpu.memory_space<hbm>> -> memref<128xi32, #tpu.memory_space<hbm>>
      tpu.enqueue_dma source(%arg9 : memref<128xi32, #tpu.memory_space<vmem>>) target(%dma_start3A_2137 : memref<128xi32, #tpu.memory_space<hbm>>) target_semaphore(%run_scoped3A : memref<!tpu.dma_semaphore, #tpu.memory_space<semaphore_mem>>)
      %dma_wait3A_2138 = tpu.memref_slice %arg5[%mul3A_4] : memref<4096xi32, #tpu.memory_space<hbm>> -> memref<128xi32, #tpu.memory_space<hbm>>
      %dma_wait3A_2139 = tpu.memref_slice %arg5[%mul3A_4] : memref<4096xi32, #tpu.memory_space<hbm>> -> memref<128xi32, #tpu.memory_space<hbm>>
      tpu.wait_dma2 semaphore(%run_scoped3A : memref<!tpu.dma_semaphore, #tpu.memory_space<semaphore_mem>>) src(%arg9 : memref<128xi32, #tpu.memory_space<vmem>>) dst(%dma_wait3A_2139 : memref<128xi32, #tpu.memory_space<hbm>>)
      tpu.yield
    }) : () -> ()
    %get3A_2057 = arith.constant 0 : index
    %get3A_2058 = tpu.vector_load %arg9[%get3A_2057] {strides = array<i32>} : memref<128xi32, #tpu.memory_space<vmem>>, vector<16xi32>,
    %swap3A_2059 = arith.constant 0 : index
    %swap3A_2060 = tpu.vector_load %arg13[%swap3A_2059] {strides = array<i32>} : memref<32xi32, #tpu.memory_space<vmem>>, vector<16xi32>,
    tpu.vector_store %arg13[%swap3A_2059], %get3A_2058 {strides = array<i32>} : memref<32xi32, #tpu.memory_space<vmem>>, vector<16xi32>,
    %get3A_2061 = arith.constant 16 : index
    %get3A_2062 = tpu.vector_load %arg9[%get3A_2061] {strides = array<i32>} : memref<128xi32, #tpu.memory_space<vmem>>, vector<16xi32>,
    %swap3A_2063 = arith.constant 16 : index
    %swap3A_2064 = tpu.vector_load %arg13[%swap3A_2063] {strides = array<i32>} : memref<32xi32, #tpu.memory_space<vmem>>, vector<16xi32>,
    tpu.vector_store %arg13[%swap3A_2063], %get3A_2062 {strides = array<i32>} : memref<32xi32, #tpu.memory_space<vmem>>, vector<16xi32>,
    %get3A_2065 = arith.constant 32 : index
    %get3A_2066 = tpu.vector_load %arg9[%get3A_2065] {strides = array<i32>} : memref<128xi32, #tpu.memory_space<vmem>>, vector<16xi32>,
    %swap3A_2067 = arith.constant 0 : index
    %swap3A_2068 = tpu.vector_load %arg14[%swap3A_2067] {strides = array<i32>} : memref<32xi32, #tpu.memory_space<vmem>>, vector<16xi32>,
    tpu.vector_store %arg14[%swap3A_2067], %get3A_2066 {strides = array<i32>} : memref<32xi32, #tpu.memory_space<vmem>>, vector<16xi32>,
    %get3A_2069 = arith.constant 48 : index
    %get3A_2070 = tpu.vector_load %arg9[%get3A_2069] {strides = array<i32>} : memref<128xi32, #tpu.memory_space<vmem>>, vector<16xi32>,
    %swap3A_2071 = arith.constant 16 : index
    %swap3A_2072 = tpu.vector_load %arg14[%swap3A_2071] {strides = array<i32>} : memref<32xi32, #tpu.memory_space<vmem>>, vector<16xi32>,
    tpu.vector_store %arg14[%swap3A_2071], %get3A_2070 {strides = array<i32>} : memref<32xi32, #tpu.memory_space<vmem>>, vector<16xi32>,
    %get3A_2073 = arith.constant 64 : index
    %get3A_2074 = tpu.vector_load %arg9[%get3A_2073] {strides = array<i32>} : memref<128xi32, #tpu.memory_space<vmem>>, vector<16xi32>,
    %swap3A_2075 = arith.constant 0 : index
    %swap3A_2076 = tpu.vector_load %arg15[%swap3A_2075] {strides = array<i32>} : memref<32xi32, #tpu.memory_space<vmem>>, vector<16xi32>,
    tpu.vector_store %arg15[%swap3A_2075], %get3A_2074 {strides = array<i32>} : memref<32xi32, #tpu.memory_space<vmem>>, vector<16xi32>,
    %get3A_2077 = arith.constant 80 : index
    %get3A_2078 = tpu.vector_load %arg9[%get3A_2077] {strides = array<i32>} : memref<128xi32, #tpu.memory_space<vmem>>, vector<16xi32>,
    %swap3A_2079 = arith.constant 16 : index
    %swap3A_2080 = tpu.vector_load %arg15[%swap3A_2079] {strides = array<i32>} : memref<32xi32, #tpu.memory_space<vmem>>, vector<16xi32>,
    tpu.vector_store %arg15[%swap3A_2079], %get3A_2078 {strides = array<i32>} : memref<32xi32, #tpu.memory_space<vmem>>, vector<16xi32>,
    %dma_wait3A = arith.constant 0 : i32
    %dma_wait3A_2081 = tpu.memref_slice %arg2[%add3A_6, %dma_wait3A] : memref<4096x1024xf32, #tpu.memory_space<hbm>> -> memref<32x1024xf32, #tpu.memory_space<hbm>>
    %dma_wait3A_2082 = arith.constant 0 : i32
    %dma_wait3A_2083 = tpu.memref_slice %arg2[%add3A_6, %dma_wait3A_2082] : memref<4096x1024xf32, #tpu.memory_space<hbm>> -> memref<32x1024xf32, #tpu.memory_space<hbm>>
    tpu.wait_dma2 semaphore(%arg17 : memref<!tpu.dma_semaphore, #tpu.memory_space<semaphore_mem>>) src(%dma_wait3A_2083 : memref<32x1024xf32, #tpu.memory_space<hbm>>) dst(%arg10 : memref<32x1024xf32, #tpu.memory_space<vmem>>)
    %dma_start3A_2084 = arith.constant 0 : i32
    %dma_start3A_2085 = arith.constant 0 : i32
    %dma_start3A_2086 = tpu.memref_slice %arg4[%dma_start3A_2084, %dma_start3A_2085] : memref<4608x1024xf32, #tpu.memory_space<hbm>> -> memref<4608x1024xf32, #tpu.memory_space<hbm>>
    tpu.enqueue_indirect_dma source(%arg10 : memref<32x1024xf32, #tpu.memory_space<vmem>>) target(%dma_start3A_2086 : memref<4608x1024xf32, #tpu.memory_space<hbm>>) offsets(%arg13 : memref<32xi32, #tpu.memory_space<vmem>>) semaphore(%arg17 : memref<!tpu.dma_semaphore, #tpu.memory_space<semaphore_mem>>)
    %dma_wait3A_2087 = arith.constant 0 : i32
    %dma_wait3A_2088 = tpu.memref_slice %arg2[%add3A_11, %dma_wait3A_2087] : memref<4096x1024xf32, #tpu.memory_space<hbm>> -> memref<32x1024xf32, #tpu.memory_space<hbm>>
    %dma_wait3A_2089 = arith.constant 0 : i32
    %dma_wait3A_2090 = tpu.memref_slice %arg2[%add3A_11, %dma_wait3A_2089] : memref<4096x1024xf32, #tpu.memory_space<hbm>> -> memref<32x1024xf32, #tpu.memory_space<hbm>>
    tpu.wait_dma2 semaphore(%arg18 : memref<!tpu.dma_semaphore, #tpu.memory_space<semaphore_mem>>) src(%dma_wait3A_2090 : memref<32x1024xf32, #tpu.memory_space<hbm>>) dst(%arg11 : memref<32x1024xf32, #tpu.memory_space<vmem>>)
    %dma_start3A_2091 = arith.constant 0 : i32
    %dma_start3A_2092 = arith.constant 0 : i32
    %dma_start3A_2093 = tpu.memref_slice %arg4[%dma_start3A_2091, %dma_start3A_2092] : memref<4608x1024xf32, #tpu.memory_space<hbm>> -> memref<4608x1024xf32, #tpu.memory_space<hbm>>
    tpu.enqueue_indirect_dma source(%arg11 : memref<32x1024xf32, #tpu.memory_space<vmem>>) target(%dma_start3A_2093 : memref<4608x1024xf32, #tpu.memory_space<hbm>>) offsets(%arg14 : memref<32xi32, #tpu.memory_space<vmem>>) semaphore(%arg18 : memref<!tpu.dma_semaphore, #tpu.memory_space<semaphore_mem>>)
    %dma_wait3A_2094 = arith.constant 0 : i32
    %dma_wait3A_2095 = tpu.memref_slice %arg2[%add3A_17, %dma_wait3A_2094] : memref<4096x1024xf32, #tpu.memory_space<hbm>> -> memref<32x1024xf32, #tpu.memory_space<hbm>>
    %dma_wait3A_2096 = arith.constant 0 : i32
    %dma_wait3A_2097 = tpu.memref_slice %arg2[%add3A_17, %dma_wait3A_2096] : memref<4096x1024xf32, #tpu.memory_space<hbm>> -> memref<32x1024xf32, #tpu.memory_space<hbm>>
    tpu.wait_dma2 semaphore(%arg19 : memref<!tpu.dma_semaphore, #tpu.memory_space<semaphore_mem>>) src(%dma_wait3A_2097 : memref<32x1024xf32, #tpu.memory_space<hbm>>) dst(%arg12 : memref<32x1024xf32, #tpu.memory_space<vmem>>)
    %dma_start3A_2098 = arith.constant 0 : i32
    %dma_start3A_2099 = arith.constant 0 : i32
    %dma_start3A_2100 = tpu.memref_slice %arg4[%dma_start3A_2098, %dma_start3A_2099] : memref<4608x1024xf32, #tpu.memory_space<hbm>> -> memref<4608x1024xf32, #tpu.memory_space<hbm>>
    tpu.enqueue_indirect_dma source(%arg12 : memref<32x1024xf32, #tpu.memory_space<vmem>>) target(%dma_start3A_2100 : memref<4608x1024xf32, #tpu.memory_space<hbm>>) offsets(%arg15 : memref<32xi32, #tpu.memory_space<vmem>>) semaphore(%arg19 : memref<!tpu.dma_semaphore, #tpu.memory_space<semaphore_mem>>)
    %dma_wait3A_2101 = arith.constant 0 : i32
    %dma_wait3A_2102 = arith.constant 0 : i32
    %dma_wait3A_2103 = tpu.memref_slice %arg4[%dma_wait3A_2101, %dma_wait3A_2102] : memref<4608x1024xf32, #tpu.memory_space<hbm>> -> memref<4608x1024xf32, #tpu.memory_space<hbm>>
    tpu.wait_indirect_dma semaphore(%arg17 : memref<!tpu.dma_semaphore, #tpu.memory_space<semaphore_mem>>) src(%arg10 : memref<32x1024xf32, #tpu.memory_space<vmem>>) dst(%dma_wait3A_2103 : memref<4608x1024xf32, #tpu.memory_space<hbm>>)
    %add3A_2104 = arith.constant 96 : i32
    %add3A_2105 = arith.addi %mul3A_4, %add3A_2104 : i32
    %dma_start3A_2106 = arith.constant 0 : i32
    %dma_start3A_2107 = tpu.memref_slice %arg2[%add3A_2105, %dma_start3A_2106] : memref<4096x1024xf32, #tpu.memory_space<hbm>> -> memref<32x1024xf32, #tpu.memory_space<hbm>>
    %dma_start3A_2108 = arith.constant 0 : i32
    %dma_start3A_2109 = tpu.memref_slice %arg2[%add3A_2105, %dma_start3A_2108] : memref<4096x1024xf32, #tpu.memory_space<hbm>> -> memref<32x1024xf32, #tpu.memory_space<hbm>>
    tpu.enqueue_dma source(%dma_start3A_2109 : memref<32x1024xf32, #tpu.memory_space<hbm>>) target(%arg10 : memref<32x1024xf32, #tpu.memory_space<vmem>>) target_semaphore(%arg17 : memref<!tpu.dma_semaphore, #tpu.memory_space<semaphore_mem>>)
    %get3A_2110 = arith.constant 96 : index
    %get3A_2111 = tpu.vector_load %arg9[%get3A_2110] {strides = array<i32>} : memref<128xi32, #tpu.memory_space<vmem>>, vector<16xi32>,
    %swap3A_2112 = arith.constant 0 : index
    %swap3A_2113 = tpu.vector_load %arg13[%swap3A_2112] {strides = array<i32>} : memref<32xi32, #tpu.memory_space<vmem>>, vector<16xi32>,
    tpu.vector_store %arg13[%swap3A_2112], %get3A_2111 {strides = array<i32>} : memref<32xi32, #tpu.memory_space<vmem>>, vector<16xi32>,
    %get3A_2114 = arith.constant 112 : index
    %get3A_2115 = tpu.vector_load %arg9[%get3A_2114] {strides = array<i32>} : memref<128xi32, #tpu.memory_space<vmem>>, vector<16xi32>,
    %swap3A_2116 = arith.constant 16 : index
    %swap3A_2117 = tpu.vector_load %arg13[%swap3A_2116] {strides = array<i32>} : memref<32xi32, #tpu.memory_space<vmem>>, vector<16xi32>,
    tpu.vector_store %arg13[%swap3A_2116], %get3A_2115 {strides = array<i32>} : memref<32xi32, #tpu.memory_space<vmem>>, vector<16xi32>,
    %dma_wait3A_2118 = arith.constant 0 : i32
    %dma_wait3A_2119 = tpu.memref_slice %arg2[%add3A_2105, %dma_wait3A_2118] : memref<4096x1024xf32, #tpu.memory_space<hbm>> -> memref<32x1024xf32, #tpu.memory_space<hbm>>
    %dma_wait3A_2120 = arith.constant 0 : i32
    %dma_wait3A_2121 = tpu.memref_slice %arg2[%add3A_2105, %dma_wait3A_2120] : memref<4096x1024xf32, #tpu.memory_space<hbm>> -> memref<32x1024xf32, #tpu.memory_space<hbm>>
    tpu.wait_dma2 semaphore(%arg17 : memref<!tpu.dma_semaphore, #tpu.memory_space<semaphore_mem>>) src(%dma_wait3A_2121 : memref<32x1024xf32, #tpu.memory_space<hbm>>) dst(%arg10 : memref<32x1024xf32, #tpu.memory_space<vmem>>)
    %dma_start3A_2122 = arith.constant 0 : i32
    %dma_start3A_2123 = arith.constant 0 : i32
    %dma_start3A_2124 = tpu.memref_slice %arg4[%dma_start3A_2122, %dma_start3A_2123] : memref<4608x1024xf32, #tpu.memory_space<hbm>> -> memref<4608x1024xf32, #tpu.memory_space<hbm>>
    tpu.enqueue_indirect_dma source(%arg10 : memref<32x1024xf32, #tpu.memory_space<vmem>>) target(%dma_start3A_2124 : memref<4608x1024xf32, #tpu.memory_space<hbm>>) offsets(%arg13 : memref<32xi32, #tpu.memory_space<vmem>>) semaphore(%arg17 : memref<!tpu.dma_semaphore, #tpu.memory_space<semaphore_mem>>)
    %dma_wait3A_2125 = arith.constant 0 : i32
    %dma_wait3A_2126 = arith.constant 0 : i32
    %dma_wait3A_2127 = tpu.memref_slice %arg4[%dma_wait3A_2125, %dma_wait3A_2126] : memref<4608x1024xf32, #tpu.memory_space<hbm>> -> memref<4608x1024xf32, #tpu.memory_space<hbm>>
    tpu.wait_indirect_dma semaphore(%arg18 : memref<!tpu.dma_semaphore, #tpu.memory_space<semaphore_mem>>) src(%arg11 : memref<32x1024xf32, #tpu.memory_space<vmem>>) dst(%dma_wait3A_2127 : memref<4608x1024xf32, #tpu.memory_space<hbm>>)
    %dma_wait3A_2128 = arith.constant 0 : i32
    %dma_wait3A_2129 = arith.constant 0 : i32
    %dma_wait3A_2130 = tpu.memref_slice %arg4[%dma_wait3A_2128, %dma_wait3A_2129] : memref<4608x1024xf32, #tpu.memory_space<hbm>> -> memref<4608x1024xf32, #tpu.memory_space<hbm>>
    tpu.wait_indirect_dma semaphore(%arg19 : memref<!tpu.dma_semaphore, #tpu.memory_space<semaphore_mem>>) src(%arg12 : memref<32x1024xf32, #tpu.memory_space<vmem>>) dst(%dma_wait3A_2130 : memref<4608x1024xf32, #tpu.memory_space<hbm>>)
    %dma_wait3A_2131 = arith.constant 0 : i32
    %dma_wait3A_2132 = arith.constant 0 : i32
    %dma_wait3A_2133 = tpu.memref_slice %arg4[%dma_wait3A_2131, %dma_wait3A_2132] : memref<4608x1024xf32, #tpu.memory_space<hbm>> -> memref<4608x1024xf32, #tpu.memory_space<hbm>>
    tpu.wait_indirect_dma semaphore(%arg17 : memref<!tpu.dma_semaphore, #tpu.memory_space<semaphore_mem>>) src(%arg10 : memref<32x1024xf32, #tpu.memory_space<vmem>>) dst(%dma_wait3A_2133 : memref<4608x1024xf32, #tpu.memory_space<hbm>>)
    %eq3A = arith.constant 0 : i32
    %eq3A_2134 = arith.cmpi eq, %add3A, %eq3A : i32
    %convert_element_type3A = arith.extui %eq3A_2134 : i1 to i32
    %cond3A = arith.constant 0 : i32
    %cond3A_2135 = arith.cmpi ne, %convert_element_type3A, %cond3A : i32
    scf.if %cond3A_2135 {
      %iota3A_2136 = tpu.iota {dimensions = array<i32: 0>} : vector<16xi32>
      %ge3A = vector.broadcast %select_n3A_1841 : i32 to vector<16xi32>
      %ge3A_2137 = arith.cmpi sge, %iota3A_2136, %ge3A : vector<16xi32>
      %convert_element_type3A_2138 = arith.extui %ge3A_2137 : vector<16xi1> to vector<16xi32>
      %swap3A_2139 = arith.constant 0 : index
      %swap3A_2140 = tpu.vector_load %arg16[%swap3A_2139] {strides = array<i32>} : memref<32xi32, #tpu.memory_space<vmem>>, vector<16xi32>,
      tpu.vector_store %arg16[%swap3A_2139], %convert_element_type3A_2138 {strides = array<i32>} : memref<32xi32, #tpu.memory_space<vmem>>, vector<16xi32>,
      %add3A_2141 = arith.constant 16 : i32
      %add3A_2142 = vector.broadcast %add3A_2141 : i32 to vector<16xi32>
      %add3A_2143 = arith.addi %iota3A_2136, %add3A_2142 : vector<16xi32>
      %ge3A_2144 = vector.broadcast %select_n3A_1841 : i32 to vector<16xi32>
      %ge3A_2145 = arith.cmpi sge, %add3A_2143, %ge3A_2144 : vector<16xi32>
      %convert_element_type3A_2146 = arith.extui %ge3A_2145 : vector<16xi1> to vector<16xi32>
      %swap3A_2147 = arith.constant 16 : index
      %swap3A_2148 = tpu.vector_load %arg16[%swap3A_2147] {strides = array<i32>} : memref<32xi32, #tpu.memory_space<vmem>>, vector<16xi32>,
      tpu.vector_store %arg16[%swap3A_2147], %convert_element_type3A_2146 {strides = array<i32>} : memref<32xi32, #tpu.memory_space<vmem>>, vector<16xi32>,
      "tpu.region"() ({
        %run_scoped3A = tpu.sem_alloc : memref<!tpu.dma_semaphore, #tpu.memory_space<semaphore_mem>>
        tpu.enqueue_dma source(%arg16 : memref<32xi32, #tpu.memory_space<vmem>>) target(%arg6 : memref<32xi32, #tpu.memory_space<hbm>>) target_semaphore(%run_scoped3A : memref<!tpu.dma_semaphore, #tpu.memory_space<semaphore_mem>>)
        tpu.wait_dma2 semaphore(%run_scoped3A : memref<!tpu.dma_semaphore, #tpu.memory_space<semaphore_mem>>) src(%arg16 : memref<32xi32, #tpu.memory_space<vmem>>) dst(%arg6 : memref<32xi32, #tpu.memory_space<hbm>>)
        tpu.yield
      }) : () -> ()
    } else {
    }
    return
  }
}

module attributes {stable_mosaic.version = 14 : i64} {
  func.func @_route_body(%arg0: i32, %arg1: memref<512x1024xf32, #tpu.memory_space<vmem>>, %arg2: memref<2x1024xf32, #tpu.memory_space<vmem>>, %arg3: memref<512x1xi32, #tpu.memory_space<vmem>>) attributes {dimension_semantics = [#tpu.dimension_semantics<arbitrary>], iteration_bounds = array<i64: 8>, scalar_prefetch = 0 : i64, scratch_operands = 0 : i64, tpu.core_type = #tpu.core_type<tc>, window_params = [{transform_indices = @transform_0, window_bounds = array<i64: 512, 1024>}, {pipeline_mode = #tpu.pipeline_mode<synchronous>, transform_indices = @transform_1, window_bounds = array<i64: 2, 1024>}, {transform_indices = @transform_2, window_bounds = array<i64: 512, 1>}]} {
    %get3A = arith.constant 0 : index
    %get3A_0 = arith.constant 0 : index
    %get3A_1 = vector.load %arg1[%get3A, %get3A_0] : memref<512x1024xf32, #tpu.memory_space<vmem>>, vector<512x1024xf32>
    %get3A_2 = arith.constant 0 : index
    %get3A_3 = arith.constant 0 : index
    %get3A_4 = vector.load %arg2[%get3A_2, %get3A_3] : memref<2x1024xf32, #tpu.memory_space<vmem>>, vector<2x1024xf32>
    %slice3A = vector.extract_strided_slice %get3A_4 {offsets = [0, 0], sizes = [1, 1024], strides = [1, 1]} : vector<2x1024xf32> to vector<1x1024xf32>
    %sub3A = vector.broadcast %slice3A : vector<1x1024xf32> to vector<512x1024xf32>
    %sub3A_5 = arith.subf %get3A_1, %sub3A : vector<512x1024xf32>
    %slice3A_6 = vector.extract_strided_slice %get3A_4 {offsets = [1, 0], sizes = [1, 1024], strides = [1, 1]} : vector<2x1024xf32> to vector<1x1024xf32>
    %sub3A_7 = vector.broadcast %slice3A_6 : vector<1x1024xf32> to vector<512x1024xf32>
    %sub3A_8 = arith.subf %get3A_1, %sub3A_7 : vector<512x1024xf32>
    %mul3A = arith.mulf %sub3A_5, %sub3A_5 : vector<512x1024xf32>
    %reduce_sum3A = arith.constant dense<0.000000e+00> : vector<512xf32>
    %reduce_sum3A_9 = vector.multi_reduction <add>, %mul3A, %reduce_sum3A [1] : vector<512x1024xf32> to vector<512xf32>
    %broadcast_in_dim3A = vector.shape_cast %reduce_sum3A_9 : vector<512xf32> to vector<512x1xf32>
    %sqrt3A = math.sqrt %broadcast_in_dim3A : vector<512x1xf32>
    %mul3A_10 = arith.mulf %sub3A_8, %sub3A_8 : vector<512x1024xf32>
    %reduce_sum3A_11 = arith.constant dense<0.000000e+00> : vector<512xf32>
    %reduce_sum3A_12 = vector.multi_reduction <add>, %mul3A_10, %reduce_sum3A_11 [1] : vector<512x1024xf32> to vector<512xf32>
    %broadcast_in_dim3A_13 = vector.shape_cast %reduce_sum3A_12 : vector<512xf32> to vector<512x1xf32>
    %sqrt3A_14 = math.sqrt %broadcast_in_dim3A_13 : vector<512x1xf32>
    %lt3A = arith.cmpf olt, %sqrt3A_14, %sqrt3A : vector<512x1xf32>
    %convert_element_type3A = arith.extui %lt3A : vector<512x1xi1> to vector<512x1xi32>
    %swap3A = arith.constant 0 : index
    %swap3A_15 = arith.constant 0 : index
    %swap3A_16 = vector.load %arg3[%swap3A, %swap3A_15] : memref<512x1xi32, #tpu.memory_space<vmem>>, vector<512x1xi32>
    tpu.vector_store %arg3[%swap3A, %swap3A_15], %convert_element_type3A {strides = array<i32>} : memref<512x1xi32, #tpu.memory_space<vmem>>, vector<512x1xi32>,
    return
  }
  func.func @transform_0(%arg0: i32) -> (i32, i32) {
    %c0_i32 = arith.constant 0 : i32
    %c0_i32_0 = arith.constant 0 : i32
    return %arg0, %c0_i32 : i32, i32
  }
  func.func @transform_1(%arg0: i32) -> (i32, i32) {
    %c0_i32 = arith.constant 0 : i32
    %c0_i32_0 = arith.constant 0 : i32
    %c0_i32_1 = arith.constant 0 : i32
    return %c0_i32, %c0_i32_0 : i32, i32
  }
  func.func @transform_2(%arg0: i32) -> (i32, i32) {
    %c0_i32 = arith.constant 0 : i32
    %c0_i32_0 = arith.constant 0 : i32
    return %arg0, %c0_i32 : i32, i32
  }
}

</mosaic_0001>

<sc_bundles>
// kernel: kernel.4.cloned.1.call-start
scs
__scs_entry_jumppad:
0x0: {  	(pc) =	sbr.rel $0x88, $3  }
0x1: {  	(tag) =	ssettag $0x0;
	lr =	simm.s32 $0x1  }
0x2: {  	[smem:$0x3F9F] =	sst lr;
	_ =	strace $0xD0000000  }
0x3: {  	_ = 	snop  }
0x4: {  	_ = 	snop  }
0x5: {  	_ = 	snop  }
0x6: {  	_ = 	snop  }
0x7: {  	_ = 	snop  }
__scs_overlays_trampoline_lowered:
0x8: {  	[smem:$0x3FAE] =	sst s0  }
0x9: {  	[smem:$0x3FAF] =	sst s1  }
0xa: {  	[smem:$0x3FB0] =	sst s2  }
0xb: {  	[smem:$0x3FB1] =	sst s3  }
0xc: {  	[smem:$0x3FB2] =	sst s4  }
0xd: {  	[smem:$0x3FB3] =	sst s5  }
0xe: {  	[smem:$0x3FB4] =	sst s6  }
0xf: {  	[smem:$0x3FB5] =	sst s7  }
0x10: {  	[smem:$0x3FB6] =	sst s8  }
0x11: {  	[smem:$0x3FB7] =	sst s9;
	s0 =	simm.s32 @!p0 $0x0  }
0x12: {  	s1 =	sld [smem:$0x3F9D];
	s0 =	simm.s32 @p0 $0x1  }
0x13: {  	[smem:$0x3FB8] =	sst s0;
	s0 =	simm.s32 @!p1 $0x0  }
0x14: {  	s2 =	sld [smem:$0x3F9C];
	s0 =	simm.s32 @p1 $0x1  }
0x15: {  	[smem:$0x3FB9] =	sst s0;
	s0 =	simm.s32 @!p2 $0x0  }
0x16: {  	s3 =	sld [smem:$0x3FDB];
	s0 =	simm.s32 @p2 $0x1  }
0x17: {  	s4 =	simm.s32 $0x1BF5;
	[smem:$0x3FBB] =	sst s0  }
0x18: {  	s0 =	sld [smem:$0x3F9E];
	_ =	swait.ge [sflag:s4], $0x0  }
0x19: {  	s7 =	sld [smem:$0x3F9F]  }
0x1a: {  	s8 =	sadd.s32 $0xFFFFE003, lr  }
0x1b: {  	s9 =	sadd.s32 $0xFFFFFEF7, lr;
	s5 =	simm.s32 $0xFFFFFFFF;
	p2 =	slt.u32 s8, $0xFFFFF086  }
0x1c: {  	p1 =	slt.u32 s9, $0xF7A;
	s5 =	simm.s32 @!p2 $0x0  }
0x1d: {  	s5 =	simm.s32 @p1 $0x1;
	p0 =	seq.s32 s7, s2  }
0x1e: {  	s7 =	smul.u32 @!p0 $0xF7A, s2;
	p2 =	seq.s32 @!p0 s5, $0x0  }
0x1f: {  	s9 =	smul.u32 $0xF7A, s1;
	s8 =	simm.s32 @!p0 $0x1BF5;
	p2 =	por !p2, p0  }
0x20: {  	[sflag:s8] =	ssyncset.s32 @!p0 $0xFFFFF086;
	s6 =	sadd.s32 @!p0 s3, s7;
	s7 =	simm.s32 @!p0 $0x108  }
0x21: {  	s3 =	sadd.s32 s3, s9;
	s6 =	sadd.s32 @!p0 $0x88, s6;
	s7 =	simm.s32 @p2 $0x1082  }
0x22: {  	[simem:s7], [sflag:s8] =	dma.local @!p0 [hbm:s6], $0xF7A  }
0x23: {  	s9 =	sor.u32 $0xD0000000, s2;
	s6 =	simm.s32 $0x108;
	_ =	swait.ge @!p0 [sflag:s8], $0x0  }
0x24: {  	s3 =	sadd.s32 $0x88, s3;
	s6 =	simm.s32 @!p1 $0x1082;
	[sflag:s4] =	ssyncset.s32 $0xFFFFF086  }
0x25: {  	[simem:s6], [sflag:s4] =	dma.local [hbm:s3], $0xF7A  }
0x26: {  	[smem:$0x3F9F] =	sst s1;
	(tag) =	ssettag s2;
	_ =	strace s9  }
0x27: {  	s1 =	sld [smem:$0x3FAF]  }
0x28: {  	s2 =	sld [smem:$0x3FB0]  }
0x29: {  	s4 =	sld [smem:$0x3FB2]  }
0x2a: {  	p0 =	seq.s32 s5, $0x0;
	s5 =	sld [smem:$0x3FB3]  }
0x2b: {  	s6 =	sld [smem:$0x3FB4]  }
0x2c: {  	s7 =	sld [smem:$0x3FB5]  }
0x2d: {  	s3 =	simm.s32 $0x108;
	s8 =	sld [smem:$0x3FB6]  }
0x2e: {  	s3 =	simm.s32 @!p0 $0x1082;
	s9 =	sld [smem:$0x3FB7]  }
0x2f: {  	lr =	sadd.s32 s0, s3;
	s0 =	sld [smem:$0x3FAE]  }
0x30: {  	s3 =	sld [smem:$0x3FB1]  }
0x31: {  	[smem:$0x3FBA] =	sst s10  }
0x32: {  	s10 =	sld [smem:$0x3FB8];
	_ =	sdelay $0x3  }
0x33: {  	p0 =	seq.s32 s10, $0x1;
	s10 =	sld [smem:$0x3FBA];
	_ =	sdelay $0x3  }
0x34: {  	[smem:$0x3FBA] =	sst s10  }
0x35: {  	s10 =	sld [smem:$0x3FB9];
	_ =	sdelay $0x3  }
0x36: {  	p1 =	seq.s32 s10, $0x1;
	s10 =	sld [smem:$0x3FBA];
	_ =	sdelay $0x3  }
0x37: {  	[smem:$0x3FBA] =	sst s10  }
0x38: {  	s10 =	sld [smem:$0x3FBB]  }
0x39: {  	_ = 	snop;
	(pc) =	sbr.ind lr, $3  }
0x3a: {  	_ = 	snop  }
0x3b: {  	_ = 	snop  }
0x3c: {  	p2 =	seq.s32 s10, $0x1;
	s10 =	sld [smem:$0x3FBA]  }
0x3d: {  	_ =	shalt  }
0x3e: {  	_ =	shalt  }
0x3f: {  	_ =	shalt  }
0x40: {  	_ =	shalt  }
0x41: {  	_ =	shalt  }
0x42: {  	_ =	shalt  }
0x43: {  	_ =	shalt  }
0x44: {  	_ =	shalt  }
0x45: {  	_ =	shalt  }
0x46: {  	_ =	shalt  }
0x47: {  	_ =	shalt  }
0x48: {  	_ =	shalt  }
0x49: {  	_ =	shalt  }
0x4a: {  	_ =	shalt  }
0x4b: {  	_ =	shalt  }
0x4c: {  	_ =	shalt  }
0x4d: {  	_ =	shalt  }
0x4e: {  	_ =	shalt  }
0x4f: {  	_ =	shalt  }
0x50: {  	_ =	shalt  }
0x51: {  	_ =	shalt  }
0x52: {  	_ =	shalt  }
0x53: {  	_ =	shalt  }
0x54: {  	_ =	shalt  }
0x55: {  	_ =	shalt  }
0x56: {  	_ =	shalt  }
0x57: {  	_ =	shalt  }
0x58: {  	_ =	shalt  }
0x59: {  	_ =	shalt  }
0x5a: {  	_ =	shalt  }
0x5b: {  	_ =	shalt  }
0x5c: {  	_ =	shalt  }
0x5d: {  	_ =	shalt  }
0x5e: {  	_ =	shalt  }
0x5f: {  	_ =	shalt  }
0x60: {  	_ =	shalt  }
0x61: {  	_ =	shalt  }
0x62: {  	_ =	shalt  }
0x63: {  	_ =	shalt  }
0x64: {  	_ =	shalt  }
0x65: {  	_ =	shalt  }
0x66: {  	_ =	shalt  }
0x67: {  	_ =	shalt  }
0x68: {  	_ =	shalt  }
0x69: {  	_ =	shalt  }
0x6a: {  	_ =	shalt  }
0x6b: {  	_ =	shalt  }
0x6c: {  	_ =	shalt  }
0x6d: {  	_ =	shalt  }
0x6e: {  	_ =	shalt  }
0x6f: {  	_ =	shalt  }
0x70: {  	_ =	shalt  }
0x71: {  	_ =	shalt  }
0x72: {  	_ =	shalt  }
0x73: {  	_ =	shalt  }
0x74: {  	_ =	shalt  }
0x75: {  	_ =	shalt  }
0x76: {  	_ =	shalt  }
0x77: {  	_ =	shalt  }
0x78: {  	_ =	shalt  }
0x79: {  	_ =	shalt  }
0x7a: {  	_ =	shalt  }
0x7b: {  	_ =	shalt  }
0x7c: {  	_ =	shalt  }
0x7d: {  	_ =	shalt  }
0x7e: {  	_ =	shalt  }
0x7f: {  	_ =	shalt  }
0x80: {  	_ =	shalt  }
0x81: {  	_ =	shalt  }
0x82: {  	_ =	shalt  }
0x83: {  	_ =	shalt  }
0x84: {  	_ =	shalt  }
0x85: {  	_ =	shalt  }
0x86: {  	_ =	shalt  }
0x87: {  	_ =	shalt  }
.Lfunc_end0:
.L_simem_size_0:
called_computation_lowered:
.L_overlay_start_0:
0x88: {  	s2 =	sld [smem:$0x3FD9]  }
0x89: {  	s3 =	sld [smem:$0x3FFE];
	_ =	sdelay $0x1  }
0x8a: {  	s1 =	srdreg.scid  }
0x8b: {  	s0 =	sand.u32 $0x1, s1  }
0x8c: {  	s17 =	sshll.u32 s0, $0xA;
	s2 =	sadd.s32 s3, s2  }
0x8d: {  	s2 =	sadd.s32 s2, s17  }
0x8e: {  	[smem:$0x3FC6] =	sst s2  }
0x8f: {  	_ = 	snop  }
0x90: {  	s2 =	sld [smem:$0x3FC9]  }
0x91: {  	s18 =	sld [smem:$0x3FD0];
	(tm) =	ssettm $0x1  }
0x92: {  	s4 =	sld [smem:$0x3FFB];
	_ =	sdelay $0x3  }
0x93: {  	_ =	strace s4  }
0x94: {  	s4 =	sld [smem:$0x3FFC];
	_ =	sdelay $0x3  }
0x95: {  	_ =	strace s4  }
0x96: {  	s4 =	sld [smem:$0x3FFD];
	_ =	sdelay $0x3  }
0x97: {  	_ =	strace s4  }
0x98: {  	_ =	strace $0x8FFFFFFF  }
0x99: {  	s19 =	sld [smem:$0x3FDB];
	_ =	sdelay $0x1  }
0x9a: {  	s5 =	simm.s32 $_scs_section_size  }
0x9b: {  	s6 =	simm.s32 $_size__tile_overlayer_lowered;
	s7 =	simm.s32 $_tile_overlayer_lowered  }
0x9c: {  	s22 =	simm.s32 $0x1BFF;
	s21 =	sshll.u32 s7, $0x1;
	s4 =	sadd.s32 s5, s19  }
0x9d: {  	s8 =	simm.s32 $0x0;
	s20 =	sshll.u32 s6, $0x1;
	s6 =	sadd.s32 s21, s4  }
0x9e: {  	[timem:s8], [sflag:s22] =	dma.local [hbm:s6], s20  }
0x9f: {  	_ =	swait.ge [sflag:s22], s20  }
0xa0: {  	s5 =	ssub.s32 $0x0, s20;
	[sflag:s22] =	ssyncset.done $0x0  }
0xa1: {  	[sflag:s22] =	ssyncadd.s32 s5;
	_ =	sdelay $0x1  }
0xa2: {  	s23 =	simm.s32 $0x1B8B  }
0xa3: {  	_ =	swait.ge [sflag:s23], $0x1  }
0xa4: {  	[sflag:s23] =	ssyncset.done $0x0  }
0xa5: {  	s25 =	simm.s32 $0x1B8E;
	s24 =	sld [smem:$0x3FFE];
	[sflag:s23] =	ssyncadd.s32 $0xFFFFFFFF  }
0xa6: {  	s26 =	simm.s32 $execute0_lowered;
	[smem:$0x3FD2] =	sst s25  }
0xa7: {  	s6 =	sshll.u32 s26, $0x1;
	_ =	strace $0x80000046;
	[dreg:$0x1] =	wrdreg $0xFFFFFFFF  }
0xa8: {  	s28 =	simm.s32 $_size_execute0_lowered;
	s4 =	sadd.s32 s4, s6;
	[dreg:$0x0] =	wrdreg $0x0  }
0xa9: {  	s6 =	sshll.u32 s28, $0x1;
	[dreg:$0x2] =	wrdreg s4  }
0xaa: {  	[dreg:$0x3] =	wrdreg s6  }
0xab: {  	[dreg:$0x4] =	wrdreg $0xC0  }
0xac: {  	_ =	task [dreg:s8], $0x5FFFF  }
0xad: {  	[dreg:$0x1] =	wrdreg $0xFFFFFFFF  }
0xae: {  	[dreg:$0x0] =	wrdreg $0x60  }
0xaf: {  	[dreg:$0x2] =	wrdreg s2  }
0xb0: {  	[dreg:$0x3] =	wrdreg s18  }
0xb1: {  	[dreg:$0x4] =	wrdreg s24  }
0xb2: {  	[dreg:$0x5] =	wrdreg $0x9  }
0xb3: {  	_ =	task.clear_ibuf [dreg:s8], $0x6FFFF;
	_ =	strace $0x90000046  }
0xb4: {  	s29 =	simm.s32 $0x9;
	_ =	strace $0x80000048  }
0xb5: {  	_ =	swait.ge [sflag:s29], $0x1  }
0xb6: {  	[sflag:s29] =	ssyncadd.s32 $0xFFFFFFFF  }
0xb7: {  	_ =	strace $0x90000048  }
0xb8: {  	_ =	sfence  }
0xb9: {  	s30 =	sld [smem:$0x0];
	_ =	sdelay $0x2  }
0xba: {  	s31 =	sshll.u32 s1, $0xD;
	s1 =	sshrl.u32 s1, $0x2  }
0xbb: {  	s3 =	sand.u32 $0x4000, s31;
	s1 =	sadd.s32 s1, s30  }
0xbc: {  	s0 =	sor.u32 s3, s0;
	s1 =	sshll.u32 s1, $0x11  }
0xbd: {  	s0 =	sor.u32 s1, s0  }
0xbe: {  	s0 =	sadd.s32 $0x8F2B, s0  }
0xbf: {  	[sflag:s0] =	ssyncadd.remote.s32 $0x1  }
0xc0: {  	_ =	sfence.sel $0xFFFF  }
0xc1: {  	[dreg:$0x0] =	wrdreg $0xFFFFFFFF;
	(pc) =	sbr.abs _section_cstart, $3  }
0xc2: {  	[dreg:$0x1] =	wrdreg $0xFFFFFFFF  }
0xc3: {  	_ =	task.clear_ibuf [dreg:s8], $0x2FFFF;
	_ =	strace $0x9FFFFFFF  }
0xc4: {  	(tm) =	ssettm $0x7FFFFFFF  }
0xc5: {  	_ =	shalt  }
tec
execute0_lowered:
.L_overlay_start_1:
0x0: {  	(tag) =	ssettag $0x1  }
0x1: {  	s2 =	rddreg [dreg:$0x0]  }
0x2: {  	s1 =	rddreg [dreg:$0x1]  }
0x3: {  	s7 =	rddreg [dreg:$0x2];
	s3 =	simm.s32 $0x0  }
0x4: {  	[smem:$0x7FF] =	sst s3;
	s23 =	sadd.s32 $0xA00, s7  }
0x5: {  	s12 =	simm.s32 $0x1000;
	_ =	strace $0x80000047;
	[dreg:$0x4] =	wrdreg s23  }
0x6: {  	s13 =	simm.s32 $0x1080;
	[dreg:$0xb] =	wrdreg s12  }
0x7: {  	s14 =	simm.s32 $0x9900;
	[dreg:$0xc] =	wrdreg s13  }
0x8: {  	s0 =	srdreg.scid;
	s15 =	simm.s32 $0xA100;
	[dreg:$0xd] =	wrdreg s14  }
0x9: {  	s10 =	stileid.u32;
	s16 =	simm.s32 $0xA900;
	[dreg:$0xe] =	wrdreg s15  }
0xa: {  	s18 =	simm.s32 $0xB100;
	s20 =	simm.s32 $0xB900;
	[dreg:$0xf] =	wrdreg s16  }
0xb: {  	s21 =	simm.s32 $0xC100;
	s29 =	simm.s32 $0x8900;
	[dreg:$0x10] =	wrdreg s18  }
0xc: {  	s30 =	simm.s32 $0x2;
	s31 =	simm.s32 $0x3;
	[dreg:$0x11] =	wrdreg s20  }
0xd: {  	s5 =	sand.u32 $0x1, s0;
	[dreg:$0x12] =	wrdreg s21;
	s23 =	simm.s32 $0xC900  }
0xe: {  	s22 =	sshll.u32 s10, $0x1;
	s12 =	simm.s32 $0xF900;
	[dreg:$0x13] =	wrdreg s23  }
0xf: {  	p2 =	sgt.u32 s10, $0x2;
	s13 =	simm.s32 $0x10100;
	[dreg:$0x19] =	wrdreg s12  }
0x10: {  	p3 =	sgt.u32 s10, $0x1;
	s14 =	simm.s32 $0x10900;
	[dreg:$0x1a] =	wrdreg s13  }
0x11: {  	p4 =	seq.s32 s10, $0x0;
	s15 =	simm.s32 $0x11900;
	[dreg:$0x1b] =	wrdreg s14  }
0x12: {  	s17 =	sor.u32 s5, s22;
	s16 =	simm.s32 $0x12100;
	[dreg:$0x1c] =	wrdreg s15  }
0x13: {  	s5 =	ssub.s32 $0x2, s5;
	s18 =	simm.s32 $0x12900;
	[dreg:$0x1d] =	wrdreg s16  }
0x14: {  	s20 =	simm.s32 $0x13100;
	s21 =	simm.s32 $0x13900;
	[dreg:$0x1e] =	wrdreg s18  }
0x15: {  	s4 =	sshll.u32 s17, $0x4;
	s19 =	sshll.u32 s17, $0x7;
	[dreg:$0x1f] =	wrdreg s20  }
0x16: {  	s24 =	sshll.u32 s17, $0xE;
	p0 =	seq.s32 s17, $0x1F;
	[smem:$0x7DC] =	sst s21  }
0x17: {  	s12 =	simm.s32 $0x15100;
	s13 =	simm.s32 $0x15900;
	s14 =	simm.s32 $0x16100  }
0x18: {  	s15 =	simm.s32 $0x16900;
	s16 =	simm.s32 $0x17100;
	s18 =	simm.s32 $0x17900  }
0x19: {  	s20 =	simm.s32 $0x18100;
	s21 =	simm.s32 $0x18900;
	s22 =	sor.u32 $0x20, s19  }
0x1a: {  	s6 =	sadd.s32 s2, s24;
	s0 =	sor.u32 $0x40, s19;
	s9 =	sadd.s32 s4, s7  }
0x1b: {  	s4 =	sadd.s32 s1, s4;
	s24 =	sshrl.u32 s5, $0x1;
	[smem:$0x7E2] =	sst s12  }
0x1c: {  	[smem:$0x7E3] =	sst s13;
	s8 =	sshll.u32 s22, $0x7;
	s26 =	sshll.u32 s0, $0x7  }
0x1d: {  	s1 =	ssub.s32 s5, s24;
	s25 =	sadd.s32 s2, s8;
	s8 =	sadd.s32 s2, s26  }
0x1e: {  	[dreg:$0x7] =	wrdreg s8;
	s8 =	smax.u32 s1, $0x1;
	s1 =	simm.s32 @!p0 $0x0  }
0x1f: {  	[smem:$0x7E4] =	sst s14;
	s1 =	simm.s32 @p0 $0x1;
	p0 =	sgt.u32 s17, $0x1C  }
0x20: {  	p1 =	sne.s32 s17, $0x0;
	[smem:$0x7D8] =	sst s1;
	s1 =	simm.s32 @!p0 $0x0  }
0x21: {  	[smem:$0x7E5] =	sst s15;
	s1 =	simm.s32 @p0 $0x1;
	p0 =	sgt.u32 s17, $0x1A  }
0x22: {  	s23 =	sor.u32 $0x10, s19;
	[smem:$0x7D9] =	sst s1;
	s1 =	simm.s32 @!p0 $0x0  }
0x23: {  	[smem:$0x7E6] =	sst s16;
	s1 =	simm.s32 @p0 $0x1;
	p0 =	sgt.u32 s17, $0x18  }
0x24: {  	s28 =	sor.u32 $0x50, s19;
	[smem:$0x7DA] =	sst s1;
	s1 =	simm.s32 @!p0 $0x0  }
0x25: {  	[smem:$0x7E7] =	sst s18;
	s1 =	simm.s32 @p0 $0x1;
	p0 =	sgt.u32 s17, $0x16  }
0x26: {  	s12 =	simm.s32 $0x4;
	[smem:$0x7DB] =	sst s1;
	s1 =	simm.s32 @!p0 $0x0  }
0x27: {  	[smem:$0x7E8] =	sst s20;
	s1 =	simm.s32 @p0 $0x1;
	p0 =	sgt.u32 s17, $0x14  }
0x28: {  	s13 =	simm.s32 $0x1;
	[smem:$0x7DD] =	sst s1;
	s1 =	simm.s32 @!p0 $0x0  }
0x29: {  	[smem:$0x7E9] =	sst s21;
	s1 =	simm.s32 @p0 $0x1;
	p0 =	sgt.u32 s17, $0x12  }
0x2a: {  	s16 =	simm.s32 $0x2900;
	[smem:$0x7DF] =	sst s1;
	s1 =	simm.s32 @!p0 $0x0  }
0x2b: {  	s18 =	simm.s32 $0x3900;
	s1 =	simm.s32 @p0 $0x1;
	p0 =	sgt.u32 s17, $0x10  }
0x2c: {  	s20 =	simm.s32 $0x4900;
	[smem:$0x7E1] =	sst s1;
	s1 =	simm.s32 @!p0 $0x0  }
0x2d: {  	s21 =	simm.s32 $0x5100;
	s1 =	simm.s32 @p0 $0x1;
	p0 =	sgt.u32 s17, $0xE  }
0x2e: {  	s14 =	simm.s32 $0x9100;
	[smem:$0x7EA] =	sst s1;
	s1 =	simm.s32 @!p0 $0x0  }
0x2f: {  	[dreg:$0x5] =	wrdreg s6;
	s1 =	simm.s32 @p0 $0x1;
	p0 =	sgt.u32 s17, $0xC  }
0x30: {  	s15 =	simm.s32 $0x11100;
	[smem:$0x7EB] =	sst s1;
	s1 =	simm.s32 @!p0 $0x0  }
0x31: {  	[dreg:$0x8] =	wrdreg s4;
	s1 =	simm.s32 @p0 $0x1;
	p0 =	sgt.u32 s17, $0xA  }
0x32: {  	s9 =	sadd.s32 $0x800, s9;
	[smem:$0x7EC] =	sst s1;
	s1 =	simm.s32 @!p0 $0x0  }
0x33: {  	s4 =	sadd.s32 $0xC00, s7;
	s1 =	simm.s32 @p0 $0x1;
	p0 =	sgt.u32 s17, $0x8  }
0x34: {  	s5 =	simm.s32 $0xD900;
	[smem:$0x7ED] =	sst s1;
	s1 =	simm.s32 @!p0 $0x0  }
0x35: {  	s6 =	simm.s32 $0xE100;
	s1 =	simm.s32 @p0 $0x1;
	p0 =	sgt.u32 s17, $0x6  }
0x36: {  	v10 =	vlaneseq.u32;
	s24 =	sor.u32 $0x30, s19;
	[smem:$0x7EE] =	sst s1;
	s1 =	simm.s32 @!p0 $0x0  }
0x37: {  	v2 =	vor.u32 s22, v10;
	s22 =	simm.s32 $0x5900;
	s1 =	simm.s32 @p0 $0x1;
	p0 =	sgt.u32 s17, $0x4  }
0x38: {  	v1 =	vor.u32 s23, v10;
	s23 =	simm.s32 $0x6100;
	[smem:$0x7EF] =	sst s1;
	s1 =	simm.s32 @!p0 $0x0  }
0x39: {  	[dreg:$0x9] =	wrdreg s9;
	s1 =	simm.s32 @p0 $0x1;
	p0 =	sgt.u32 s17, $0x2  }
0x3a: {  	v5 =	vor.u32 s28, v10;
	s28 =	simm.s32 $0x8100;
	[smem:$0x7F0] =	sst s1;
	s1 =	simm.s32 @!p0 $0x0  }
0x3b: {  	[dreg:$0x15] =	wrdreg s5;
	s1 =	simm.s32 @p0 $0x1;
	p0 =	seq.s32 s17, $0x0  }
0x3c: {  	s26 =	simm.s32 $0xD100;
	[smem:$0x7F1] =	sst s1;
	s1 =	simm.s32 @!p0 $0x0  }
0x3d: {  	[dreg:$0x16] =	wrdreg s6;
	s1 =	simm.s32 @p0 $0x1;
	p0 =	seq.s32 s10, $0xF  }
0x3e: {  	s9 =	simm.s32 $0xE900;
	[smem:$0x7F2] =	sst s1;
	s1 =	simm.s32 @!p0 $0x0  }
0x3f: {  	s5 =	sadd.s32 $0xD00, s7;
	s1 =	simm.s32 @p0 $0x1;
	p0 =	sgt.u32 s10, $0xD  }
0x40: {  	s6 =	sadd.s32 $0xE00, s7;
	[smem:$0x7F3] =	sst s1;
	s1 =	simm.s32 @!p0 $0x0  }
0x41: {  	[dreg:$0x6] =	wrdreg s25;
	s1 =	simm.s32 @p0 $0x1;
	p0 =	sgt.u32 s10, $0xC  }
0x42: {  	s7 =	sadd.s32 $0xF00, s7;
	[smem:$0x7F4] =	sst s1;
	s1 =	simm.s32 @!p0 $0x0  }
0x43: {  	[dreg:$0x14] =	wrdreg s26;
	s1 =	simm.s32 @p0 $0x1;
	p0 =	sgt.u32 s10, $0xB  }
0x44: {  	v3 =	vor.u32 s24, v10;
	s24 =	simm.s32 $0x6900;
	[smem:$0x7F5] =	sst s1;
	s1 =	simm.s32 @!p0 $0x0  }
0x45: {  	[dreg:$0x17] =	wrdreg s9;
	s1 =	simm.s32 @p0 $0x1;
	p0 =	sgt.u32 s10, $0xA  }
0x46: {  	s25 =	sor.u32 $0x60, s19;
	[smem:$0x7F6] =	sst s1;
	s1 =	simm.s32 @!p0 $0x0  }
0x47: {  	s26 =	sor.u32 $0x70, s19;
	s1 =	simm.s32 @p0 $0x1;
	p0 =	sgt.u32 s10, $0x9  }
0x48: {  	s9 =	simm.s32 $0x14100;
	[smem:$0x7F7] =	sst s1;
	s1 =	simm.s32 @!p0 $0x0  }
0x49: {  	v0 =	vor.u32 s19, v10;
	s19 =	simm.s32 $0x4100;
	s1 =	simm.s32 @p0 $0x1;
	p0 =	sgt.u32 s10, $0x8  }
0x4a: {  	s11 =	sshll.u32 s25, $0x7;
	[smem:$0x7F8] =	sst s1;
	s1 =	simm.s32 @!p0 $0x0  }
0x4b: {  	[smem:$0x7DE] =	sst s9;
	s1 =	simm.s32 @p0 $0x1;
	p0 =	sgt.u32 s10, $0x7  }
0x4c: {  	s9 =	simm.s32 $0x1100;
	[smem:$0x7F9] =	sst s1;
	s1 =	simm.s32 @!p0 $0x0  }
0x4d: {  	v6 =	vor.u32 s25, v10;
	s25 =	simm.s32 $0x7100;
	s1 =	simm.s32 @p0 $0x1;
	p0 =	sgt.u32 s10, $0x6  }
0x4e: {  	s2 =	sadd.s32 s2, s11;
	[smem:$0x7FA] =	sst s1;
	s1 =	simm.s32 @!p0 $0x0  }
0x4f: {  	[dreg:$0xa] =	wrdreg s2;
	s1 =	simm.s32 @p0 $0x1;
	p0 =	sgt.u32 s10, $0x5  }
0x50: {  	s11 =	simm.s32 $0xF100;
	[smem:$0x7FB] =	sst s1;
	s1 =	simm.s32 @!p0 $0x0  }
0x51: {  	[dreg:$0x18] =	wrdreg s11;
	s1 =	simm.s32 @p0 $0x1;
	p0 =	sgt.u32 s10, $0x4  }
0x52: {  	vm0 =	vmmov $0xffff;
	s11 =	simm.s32 $0x14900;
	[smem:$0x7FC] =	sst s1;
	s1 =	simm.s32 @!p0 $0x0  }
0x53: {  	v9 =	vshrl.u32 v10, $0x3;
	v8 =	vand.u32 $0x7, v10;
	v7 =	vor.u32 s26, v10;
	s26 =	simm.s32 $0x7900;
	[smem:$0x7E0] =	sst s11;
	s1 =	simm.s32 @p0 $0x1  }
0x54: {  	v9 =	vmul.u32 $0x8, v9;
	v4 =	vor.u32 s0, v10;
	v10 =	vor.u32 $0x8, v10;
	s17 =	simm.s32 $0x3100;
	p0 =	sgt.u32 s10, $0x3;
	[smem:$0x7FD] =	sst s1  }
.LBB2_1:
0x55: {  	s0 =	rddreg [dreg:$0x5]  }
0x56: {  	[tilespmem:s9], [sflag:$0x1] =	stream.linear.gather [hbm4b:s0+s3], $0x8000, $0x38;
	[tilespmem:$0x19300] =	vst v63  }
0x57: {  	s2 =	rddreg [dreg:$0x6]  }
0x58: {  	[tilespmem:s14], [sflag:$0x2] =	stream.linear.gather [hbm4b:s2+s3], $0x8000, $0x38;
	[tilespmem:$0x19300] =	vst v63  }
0x59: {  	s1 =	rddreg [dreg:$0x7]  }
0x5a: {  	[tilespmem:s15], [sflag:$0x3] =	stream.linear.gather [hbm4b:s1+s3], $0x8000, $0x38;
	[tilespmem:$0x19300] =	vst v63  }
0x5b: {  	s2 =	rddreg [dreg:$0x1]  }
0x5c: {  	[tilespmem:s3], [sflag:$0x4] =	stream.linear.gather [hbm4b:s2+s3], $0x1000, $0x38;
	[tilespmem:$0x19300] =	vst v63  }
0x5d: {  	_ =	swait.ge [sflag:s12], $0x1000  }
0x5e: {  	s10 =	rddreg [dreg:$0x8];
	[sflag:s12] =	ssyncset.done $0x0  }
0x5f: {  	s11 =	rddreg [dreg:$0xb];
	[sflag:s12] =	ssyncadd.s32 $0xFFFFF000  }
0x60: {  	[tilespmem:s11], [sflag:$0x4] =	stream.linear.gather [hbm4b:s10+s3], $0x80, $0x38;
	[tilespmem:$0x19300] =	vst v63  }
0x61: {  	_ =	swait.ge [sflag:s12], $0x80  }
0x62: {  	[sflag:s12] =	ssyncset.done $0x0  }
0x63: {  	[sflag:s12] =	ssyncadd.s32 $0xFFFFFF80  }
0x64: {  	v11 =	vld [tilespmem:$0x0]  }
0x65: {  	v12 =	vld [tilespmem:$0x10]  }
0x66: {  	v13 =	vld [tilespmem:$0x20]  }
0x67: {  	v14 =	vld [tilespmem:$0x30]  }
0x68: {  	v15 =	vld [tilespmem:$0x40]  }
0x69: {  	v16 =	vld [tilespmem:$0x50]  }
0x6a: {  	v35 =	vld [tilespmem:$0x60];
	v11 =	vadd.s32 v11, v12  }
0x6b: {  	v36 =	vld [tilespmem:$0x70];
	v11 =	vadd.s32 v13, v11  }
0x6c: {  	v37 =	vld [tilespmem:$0x80];
	v11 =	vadd.s32 v14, v11  }
0x6d: {  	v38 =	vld [tilespmem:$0x90];
	v11 =	vadd.s32 v15, v11  }
0x6e: {  	v39 =	vld [tilespmem:$0xA0];
	v11 =	vadd.s32 v16, v11  }
0x6f: {  	v40 =	vld [tilespmem:$0xB0];
	v11 =	vadd.s32 v35, v11  }
0x70: {  	v41 =	vld [tilespmem:$0xC0];
	v11 =	vadd.s32 v36, v11  }
0x71: {  	v18 =	vld [tilespmem:$0xD0];
	v17 =	vadd.s32 v37, v11  }
0x72: {  	s1 =	sld [smem:$0x7F2];
	v19 =	vld [tilespmem:$0xE0];
	v17 =	vadd.s32 v38, v17  }
0x73: {  	v20 =	vld [tilespmem:$0xF0];
	v17 =	vadd.s32 v39, v17  }
0x74: {  	v21 =	vld [tilespmem:$0x100];
	v17 =	vadd.s32 v40, v17  }
0x75: {  	v22 =	vld [tilespmem:$0x110];
	p5 =	seq.s32 s1, $0x1;
	v17 =	vadd.s32 v41, v17  }
0x76: {  	v23 =	vld [tilespmem:$0x120];
	v14 =	vpsel p4, $0x0, v37;
	v11 =	vpsel p5, $0x0, v11;
	v17 =	vadd.s32 v18, v17  }
0x77: {  	v24 =	vld [tilespmem:$0x130];
	v42 =	vpsel p4, $0x0, v38;
	v11 =	vadd.s32 v14, v11;
	v17 =	vadd.s32 v19, v17  }
0x78: {  	v44 =	vld [tilespmem:$0x140];
	v45 =	vpsel p4, $0x0, v39;
	v11 =	vadd.s32 v42, v11;
	v43 =	vadd.s32 v20, v17  }
0x79: {  	v46 =	vld [tilespmem:$0x150];
	v12 =	vpsel p4, $0x0, v40;
	v11 =	vadd.s32 v45, v11;
	v15 =	vadd.s32 v21, v43  }
0x7a: {  	s2 =	sld [smem:$0x7F1];
	v48 =	vld [tilespmem:$0x160];
	v49 =	vpsel p4, $0x0, v41;
	v11 =	vadd.s32 v12, v11;
	v47 =	vadd.s32 v22, v15  }
0x7b: {  	v51 =	vld [tilespmem:$0x170];
	v52 =	vpsel p4, $0x0, v18;
	v11 =	vadd.s32 v49, v11;
	v50 =	vadd.s32 v23, v47  }
0x7c: {  	v53 =	vld [tilespmem:$0x180];
	v54 =	vpsel p4, $0x0, v19;
	v11 =	vadd.s32 v52, v11;
	v13 =	vadd.s32 v24, v50  }
0x7d: {  	v55 =	vld [tilespmem:$0x190];
	p6 =	seq.s32 s2, $0x1;
	v56 =	vpsel p4, $0x0, v20;
	v11 =	vadd.s32 v54, v11;
	v13 =	vadd.s32 v44, v13  }
0x7e: {  	v57 =	vld [tilespmem:$0x1A0];
	v58 =	vpsel !p6, $0x0, v21;
	v11 =	vadd.s32 v56, v11;
	v13 =	vadd.s32 v46, v13  }
0x7f: {  	v59 =	vld [tilespmem:$0x1B0];
	v60 =	vpsel !p6, $0x0, v22;
	v11 =	vadd.s32 v58, v11;
	v13 =	vadd.s32 v48, v13  }
0x80: {  	v61 =	vld [tilespmem:$0x1C0];
	v62 =	vpsel !p6, $0x0, v23;
	v11 =	vadd.s32 v60, v11;
	v13 =	vadd.s32 v51, v13  }
0x81: {  	v63 =	vld [tilespmem:$0x1D0];
	v28 =	vpsel !p6, $0x0, v24;
	v11 =	vadd.s32 v62, v11;
	v13 =	vadd.s32 v53, v13  }
0x82: {  	v29 =	vld [tilespmem:$0x1E0];
	v30 =	vpsel !p6, $0x0, v44;
	v11 =	vadd.s32 v28, v11;
	v13 =	vadd.s32 v55, v13  }
0x83: {  	v31 =	vld [tilespmem:$0x1F0];
	v32 =	vpsel !p6, $0x0, v46;
	v11 =	vadd.s32 v30, v11;
	v13 =	vadd.s32 v57, v13  }
0x84: {  	v33 =	vld [tilespmem:$0x200];
	v34 =	vpsel !p6, $0x0, v48;
	v11 =	vadd.s32 v32, v11;
	v13 =	vadd.s32 v59, v13  }
0x85: {  	v35 =	vld [tilespmem:$0x210];
	v36 =	vpsel !p6, $0x0, v51;
	v11 =	vadd.s32 v34, v11;
	v13 =	vadd.s32 v61, v13  }
0x86: {  	v37 =	vld [tilespmem:$0x220];
	v38 =	vpsel !p3, $0x0, v53;
	v11 =	vadd.s32 v36, v11;
	v13 =	vadd.s32 v63, v13  }
0x87: {  	v39 =	vld [tilespmem:$0x230];
	v40 =	vpsel !p3, $0x0, v55;
	v11 =	vadd.s32 v38, v11;
	v13 =	vadd.s32 v29, v13  }
0x88: {  	v42 =	vpsel !p3, $0x0, v57;
	v41 =	vld [tilespmem:$0x240];
	v11 =	vadd.s32 v40, v11;
	v13 =	vadd.s32 v31, v13  }
0x89: {  	v43 =	vld [tilespmem:$0x250];
	v44 =	vpsel !p3, $0x0, v59;
	v11 =	vadd.s32 v42, v11;
	v13 =	vadd.s32 v33, v13  }
0x8a: {  	s10 =	sld [smem:$0x7F0];
	v45 =	vld [tilespmem:$0x260];
	v46 =	vpsel !p3, $0x0, v61;
	v11 =	vadd.s32 v44, v11;
	v13 =	vadd.s32 v35, v13  }
0x8b: {  	v47 =	vld [tilespmem:$0x270];
	v48 =	vpsel !p3, $0x0, v63;
	v11 =	vadd.s32 v46, v11;
	v13 =	vadd.s32 v37, v13  }
0x8c: {  	v49 =	vld [tilespmem:$0x280];
	v50 =	vpsel !p3, $0x0, v29;
	v11 =	vadd.s32 v48, v11;
	v13 =	vadd.s32 v39, v13  }
0x8d: {  	p6 =	seq.s32 s10, $0x1;
	v52 =	vpsel !p3, $0x0, v31;
	v51 =	vld [tilespmem:$0x290];
	v11 =	vadd.s32 v50, v11;
	v13 =	vadd.s32 v41, v13  }
0x8e: {  	v54 =	vpsel !p6, $0x0, v33;
	v53 =	vld [tilespmem:$0x2A0];
	v11 =	vadd.s32 v52, v11;
	v13 =	vadd.s32 v43, v13  }
0x8f: {  	v56 =	vpsel !p6, $0x0, v35;
	v55 =	vld [tilespmem:$0x2B0];
	v11 =	vadd.s32 v54, v11;
	v13 =	vadd.s32 v45, v13  }
0x90: {  	v58 =	vpsel !p6, $0x0, v37;
	v57 =	vld [tilespmem:$0x2C0];
	v11 =	vadd.s32 v56, v11;
	v13 =	vadd.s32 v47, v13  }
0x91: {  	v60 =	vpsel !p6, $0x0, v39;
	v59 =	vld [tilespmem:$0x2D0];
	v11 =	vadd.s32 v58, v11;
	v13 =	vadd.s32 v49, v13  }
0x92: {  	v62 =	vpsel !p6, $0x0, v41;
	v61 =	vld [tilespmem:$0x2E0];
	v11 =	vadd.s32 v60, v11;
	v13 =	vadd.s32 v51, v13  }
0x93: {  	v28 =	vpsel !p6, $0x0, v43;
	v63 =	vld [tilespmem:$0x2F0];
	v11 =	vadd.s32 v62, v11;
	v13 =	vadd.s32 v53, v13  }
0x94: {  	v30 =	vpsel !p6, $0x0, v45;
	v29 =	vld [tilespmem:$0x300];
	v11 =	vadd.s32 v28, v11;
	v13 =	vadd.s32 v55, v13  }
0x95: {  	v32 =	vpsel !p6, $0x0, v47;
	v31 =	vld [tilespmem:$0x310];
	v11 =	vadd.s32 v30, v11;
	v13 =	vadd.s32 v57, v13  }
0x96: {  	v34 =	vpsel !p2, $0x0, v49;
	v33 =	vld [tilespmem:$0x320];
	v11 =	vadd.s32 v32, v11;
	v13 =	vadd.s32 v59, v13  }
0x97: {  	v36 =	vpsel !p2, $0x0, v51;
	v35 =	vld [tilespmem:$0x330];
	v11 =	vadd.s32 v34, v11;
	v13 =	vadd.s32 v61, v13  }
0x98: {  	v38 =	vpsel !p2, $0x0, v53;
	v37 =	vld [tilespmem:$0x340];
	v11 =	vadd.s32 v36, v11;
	v13 =	vadd.s32 v63, v13  }
0x99: {  	v40 =	vpsel !p2, $0x0, v55;
	v39 =	vld [tilespmem:$0x350];
	v11 =	vadd.s32 v38, v11;
	v13 =	vadd.s32 v29, v13  }
0x9a: {  	s11 =	sld [smem:$0x7EF];
	v42 =	vpsel !p2, $0x0, v57;
	v41 =	vld [tilespmem:$0x360];
	v11 =	vadd.s32 v40, v11;
	v13 =	vadd.s32 v31, v13  }
0x9b: {  	v44 =	vpsel !p2, $0x0, v59;
	v43 =	vld [tilespmem:$0x370];
	v11 =	vadd.s32 v42, v11;
	v13 =	vadd.s32 v33, v13  }
0x9c: {  	v46 =	vpsel !p2, $0x0, v61;
	v45 =	vld [tilespmem:$0x380];
	v11 =	vadd.s32 v44, v11;
	v13 =	vadd.s32 v35, v13  }
0x9d: {  	p6 =	seq.s32 s11, $0x1;
	v48 =	vpsel !p2, $0x0, v63;
	v47 =	vld [tilespmem:$0x390];
	v11 =	vadd.s32 v46, v11;
	v13 =	vadd.s32 v37, v13  }
0x9e: {  	v50 =	vpsel !p6, $0x0, v29;
	v49 =	vld [tilespmem:$0x3A0];
	v11 =	vadd.s32 v48, v11;
	v13 =	vadd.s32 v39, v13  }
0x9f: {  	v52 =	vpsel !p6, $0x0, v31;
	v51 =	vld [tilespmem:$0x3B0];
	v11 =	vadd.s32 v50, v11;
	v13 =	vadd.s32 v41, v13  }
0xa0: {  	v54 =	vpsel !p6, $0x0, v33;
	v53 =	vld [tilespmem:$0x3C0];
	v11 =	vadd.s32 v52, v11;
	v13 =	vadd.s32 v43, v13  }
0xa1: {  	v56 =	vpsel !p6, $0x0, v35;
	v55 =	vld [tilespmem:$0x3D0];
	v11 =	vadd.s32 v54, v11;
	v13 =	vadd.s32 v45, v13  }
0xa2: {  	v58 =	vpsel !p6, $0x0, v37;
	v57 =	vld [tilespmem:$0x3E0];
	v11 =	vadd.s32 v56, v11;
	v13 =	vadd.s32 v47, v13  }
0xa3: {  	v60 =	vpsel !p6, $0x0, v39;
	v59 =	vld [tilespmem:$0x3F0];
	v11 =	vadd.s32 v58, v11;
	v13 =	vadd.s32 v49, v13  }
0xa4: {  	v62 =	vpsel !p6, $0x0, v41;
	v61 =	vld [tilespmem:$0x400];
	v11 =	vadd.s32 v60, v11;
	v13 =	vadd.s32 v51, v13  }
0xa5: {  	v28 =	vpsel !p6, $0x0, v43;
	v63 =	vld [tilespmem:$0x410];
	v11 =	vadd.s32 v62, v11;
	v13 =	vadd.s32 v53, v13  }
0xa6: {  	v30 =	vpsel !p0, $0x0, v45;
	v29 =	vld [tilespmem:$0x420];
	v11 =	vadd.s32 v28, v11;
	v13 =	vadd.s32 v55, v13  }
0xa7: {  	v32 =	vpsel !p0, $0x0, v47;
	v31 =	vld [tilespmem:$0x430];
	v11 =	vadd.s32 v30, v11;
	v13 =	vadd.s32 v57, v13  }
0xa8: {  	v34 =	vpsel !p0, $0x0, v49;
	v33 =	vld [tilespmem:$0x440];
	v11 =	vadd.s32 v32, v11;
	v13 =	vadd.s32 v59, v13  }
0xa9: {  	v36 =	vpsel !p0, $0x0, v51;
	v35 =	vld [tilespmem:$0x450];
	v11 =	vadd.s32 v34, v11;
	v13 =	vadd.s32 v61, v13  }
0xaa: {  	s1 =	sld [smem:$0x7EE];
	v38 =	vpsel !p0, $0x0, v53;
	v37 =	vld [tilespmem:$0x460];
	v11 =	vadd.s32 v36, v11;
	v13 =	vadd.s32 v63, v13  }
0xab: {  	v40 =	vpsel !p0, $0x0, v55;
	v39 =	vld [tilespmem:$0x470];
	v11 =	vadd.s32 v38, v11;
	v13 =	vadd.s32 v29, v13  }
0xac: {  	v42 =	vpsel !p0, $0x0, v57;
	v41 =	vld [tilespmem:$0x480];
	v11 =	vadd.s32 v40, v11;
	v13 =	vadd.s32 v31, v13  }
0xad: {  	p6 =	seq.s32 s1, $0x1;
	v44 =	vpsel !p0, $0x0, v59;
	v43 =	vld [tilespmem:$0x490];
	v11 =	vadd.s32 v42, v11;
	v13 =	vadd.s32 v33, v13  }
0xae: {  	v46 =	vpsel !p6, $0x0, v61;
	v45 =	vld [tilespmem:$0x4A0];
	v11 =	vadd.s32 v44, v11;
	v13 =	vadd.s32 v35, v13  }
0xaf: {  	v48 =	vpsel !p6, $0x0, v63;
	v47 =	vld [tilespmem:$0x4B0];
	v11 =	vadd.s32 v46, v11;
	v13 =	vadd.s32 v37, v13  }
0xb0: {  	v50 =	vpsel !p6, $0x0, v29;
	v49 =	vld [tilespmem:$0x4C0];
	v11 =	vadd.s32 v48, v11;
	v13 =	vadd.s32 v39, v13  }
0xb1: {  	v52 =	vpsel !p6, $0x0, v31;
	v51 =	vld [tilespmem:$0x4D0];
	v11 =	vadd.s32 v50, v11;
	v13 =	vadd.s32 v41, v13  }
0xb2: {  	s2 =	sld [smem:$0x7FD];
	v54 =	vpsel !p6, $0x0, v33;
	v53 =	vld [tilespmem:$0x4E0];
	v11 =	vadd.s32 v52, v11;
	v13 =	vadd.s32 v43, v13  }
0xb3: {  	v56 =	vpsel !p6, $0x0, v35;
	v55 =	vld [tilespmem:$0x4F0];
	v11 =	vadd.s32 v54, v11;
	v13 =	vadd.s32 v45, v13  }
0xb4: {  	v58 =	vpsel !p6, $0x0, v37;
	v57 =	vld [tilespmem:$0x500];
	v11 =	vadd.s32 v56, v11;
	v13 =	vadd.s32 v47, v13  }
0xb5: {  	v60 =	vpsel !p6, $0x0, v39;
	p6 =	seq.s32 s2, $0x1;
	v59 =	vld [tilespmem:$0x510];
	v11 =	vadd.s32 v58, v11;
	v13 =	vadd.s32 v49, v13  }
0xb6: {  	v62 =	vpsel !p6, $0x0, v41;
	v61 =	vld [tilespmem:$0x520];
	v11 =	vadd.s32 v60, v11;
	v13 =	vadd.s32 v51, v13  }
0xb7: {  	v28 =	vpsel !p6, $0x0, v43;
	v63 =	vld [tilespmem:$0x530];
	v11 =	vadd.s32 v62, v11;
	v13 =	vadd.s32 v53, v13  }
0xb8: {  	v30 =	vpsel !p6, $0x0, v45;
	v29 =	vld [tilespmem:$0x540];
	v11 =	vadd.s32 v28, v11;
	v13 =	vadd.s32 v55, v13  }
0xb9: {  	v32 =	vpsel !p6, $0x0, v47;
	v31 =	vld [tilespmem:$0x550];
	v11 =	vadd.s32 v30, v11;
	v13 =	vadd.s32 v57, v13  }
0xba: {  	s10 =	sld [smem:$0x7ED];
	v34 =	vpsel !p6, $0x0, v49;
	v33 =	vld [tilespmem:$0x560];
	v11 =	vadd.s32 v32, v11;
	v13 =	vadd.s32 v59, v13  }
0xbb: {  	v36 =	vpsel !p6, $0x0, v51;
	v35 =	vld [tilespmem:$0x570];
	v11 =	vadd.s32 v34, v11;
	v13 =	vadd.s32 v61, v13  }
0xbc: {  	v38 =	vpsel !p6, $0x0, v53;
	v37 =	vld [tilespmem:$0x580];
	v11 =	vadd.s32 v36, v11;
	v13 =	vadd.s32 v63, v13  }
0xbd: {  	v40 =	vpsel !p6, $0x0, v55;
	p6 =	seq.s32 s10, $0x1;
	v39 =	vld [tilespmem:$0x590];
	v11 =	vadd.s32 v38, v11;
	v13 =	vadd.s32 v29, v13  }
0xbe: {  	v42 =	vpsel !p6, $0x0, v57;
	v41 =	vld [tilespmem:$0x5A0];
	v11 =	vadd.s32 v40, v11;
	v13 =	vadd.s32 v31, v13  }
0xbf: {  	v44 =	vpsel !p6, $0x0, v59;
	v43 =	vld [tilespmem:$0x5B0];
	v11 =	vadd.s32 v42, v11;
	v13 =	vadd.s32 v33, v13  }
0xc0: {  	v46 =	vpsel !p6, $0x0, v61;
	v45 =	vld [tilespmem:$0x5C0];
	v11 =	vadd.s32 v44, v11;
	v13 =	vadd.s32 v35, v13  }
0xc1: {  	v48 =	vpsel !p6, $0x0, v63;
	v47 =	vld [tilespmem:$0x5D0];
	v11 =	vadd.s32 v46, v11;
	v13 =	vadd.s32 v37, v13  }
0xc2: {  	s11 =	sld [smem:$0x7FC];
	v50 =	vpsel !p6, $0x0, v29;
	v49 =	vld [tilespmem:$0x5E0];
	v11 =	vadd.s32 v48, v11;
	v13 =	vadd.s32 v39, v13  }
0xc3: {  	v52 =	vpsel !p6, $0x0, v31;
	v51 =	vld [tilespmem:$0x5F0];
	v11 =	vadd.s32 v50, v11;
	v13 =	vadd.s32 v41, v13  }
0xc4: {  	v54 =	vpsel !p6, $0x0, v33;
	v53 =	vld [tilespmem:$0x600];
	v11 =	vadd.s32 v52, v11;
	v13 =	vadd.s32 v43, v13  }
0xc5: {  	v56 =	vpsel !p6, $0x0, v35;
	p6 =	seq.s32 s11, $0x1;
	v55 =	vld [tilespmem:$0x610];
	v11 =	vadd.s32 v54, v11;
	v13 =	vadd.s32 v45, v13  }
0xc6: {  	v58 =	vpsel !p6, $0x0, v37;
	v57 =	vld [tilespmem:$0x620];
	v11 =	vadd.s32 v56, v11;
	v13 =	vadd.s32 v47, v13  }
0xc7: {  	v60 =	vpsel !p6, $0x0, v39;
	v59 =	vld [tilespmem:$0x630];
	v11 =	vadd.s32 v58, v11;
	v13 =	vadd.s32 v49, v13  }
0xc8: {  	v62 =	vpsel !p6, $0x0, v41;
	v61 =	vld [tilespmem:$0x640];
	v11 =	vadd.s32 v60, v11;
	v13 =	vadd.s32 v51, v13  }
0xc9: {  	v28 =	vpsel !p6, $0x0, v43;
	v63 =	vld [tilespmem:$0x650];
	v11 =	vadd.s32 v62, v11;
	v13 =	vadd.s32 v53, v13  }
0xca: {  	s1 =	sld [smem:$0x7EC];
	v30 =	vpsel !p6, $0x0, v45;
	v29 =	vld [tilespmem:$0x660];
	v11 =	vadd.s32 v28, v11;
	v13 =	vadd.s32 v55, v13  }
0xcb: {  	v32 =	vpsel !p6, $0x0, v47;
	v31 =	vld [tilespmem:$0x670];
	v11 =	vadd.s32 v30, v11;
	v13 =	vadd.s32 v57, v13  }
0xcc: {  	v34 =	vpsel !p6, $0x0, v49;
	v33 =	vld [tilespmem:$0x680];
	v11 =	vadd.s32 v32, v11;
	v13 =	vadd.s32 v59, v13  }
0xcd: {  	v36 =	vpsel !p6, $0x0, v51;
	p6 =	seq.s32 s1, $0x1;
	v35 =	vld [tilespmem:$0x690];
	v11 =	vadd.s32 v34, v11;
	v13 =	vadd.s32 v61, v13  }
0xce: {  	v38 =	vpsel !p6, $0x0, v53;
	v37 =	vld [tilespmem:$0x6A0];
	v11 =	vadd.s32 v36, v11;
	v13 =	vadd.s32 v63, v13  }
0xcf: {  	v40 =	vpsel !p6, $0x0, v55;
	v39 =	vld [tilespmem:$0x6B0];
	v11 =	vadd.s32 v38, v11;
	v13 =	vadd.s32 v29, v13  }
0xd0: {  	v42 =	vpsel !p6, $0x0, v57;
	v41 =	vld [tilespmem:$0x6C0];
	v11 =	vadd.s32 v40, v11;
	v13 =	vadd.s32 v31, v13  }
0xd1: {  	v44 =	vpsel !p6, $0x0, v59;
	v43 =	vld [tilespmem:$0x6D0];
	v11 =	vadd.s32 v42, v11;
	v13 =	vadd.s32 v33, v13  }
0xd2: {  	s2 =	sld [smem:$0x7FB];
	v46 =	vpsel !p6, $0x0, v61;
	v45 =	vld [tilespmem:$0x6E0];
	v11 =	vadd.s32 v44, v11;
	v13 =	vadd.s32 v35, v13  }
0xd3: {  	v48 =	vpsel !p6, $0x0, v63;
	v47 =	vld [tilespmem:$0x6F0];
	v11 =	vadd.s32 v46, v11;
	v13 =	vadd.s32 v37, v13  }
0xd4: {  	v50 =	vpsel !p6, $0x0, v29;
	v49 =	vld [tilespmem:$0x700];
	v11 =	vadd.s32 v48, v11;
	v13 =	vadd.s32 v39, v13  }
0xd5: {  	v52 =	vpsel !p6, $0x0, v31;
	p6 =	seq.s32 s2, $0x1;
	v51 =	vld [tilespmem:$0x710];
	v11 =	vadd.s32 v50, v11;
	v13 =	vadd.s32 v41, v13  }
0xd6: {  	v54 =	vpsel !p6, $0x0, v33;
	v53 =	vld [tilespmem:$0x720];
	v11 =	vadd.s32 v52, v11;
	v13 =	vadd.s32 v43, v13  }
0xd7: {  	v56 =	vpsel !p6, $0x0, v35;
	v55 =	vld [tilespmem:$0x730];
	v11 =	vadd.s32 v54, v11;
	v13 =	vadd.s32 v45, v13  }
0xd8: {  	v58 =	vpsel !p6, $0x0, v37;
	v57 =	vld [tilespmem:$0x740];
	v11 =	vadd.s32 v56, v11;
	v13 =	vadd.s32 v47, v13  }
0xd9: {  	v60 =	vpsel !p6, $0x0, v39;
	v59 =	vld [tilespmem:$0x750];
	v11 =	vadd.s32 v58, v11;
	v13 =	vadd.s32 v49, v13  }
0xda: {  	s10 =	sld [smem:$0x7EB];
	v62 =	vpsel !p6, $0x0, v41;
	v61 =	vld [tilespmem:$0x760];
	v11 =	vadd.s32 v60, v11;
	v13 =	vadd.s32 v51, v13  }
0xdb: {  	v28 =	vpsel !p6, $0x0, v43;
	v63 =	vld [tilespmem:$0x770];
	v11 =	vadd.s32 v62, v11;
	v13 =	vadd.s32 v53, v13  }
0xdc: {  	v30 =	vpsel !p6, $0x0, v45;
	v29 =	vld [tilespmem:$0x780];
	v11 =	vadd.s32 v28, v11;
	v13 =	vadd.s32 v55, v13  }
0xdd: {  	v32 =	vpsel !p6, $0x0, v47;
	p6 =	seq.s32 s10, $0x1;
	v31 =	vld [tilespmem:$0x790];
	v11 =	vadd.s32 v30, v11;
	v13 =	vadd.s32 v57, v13  }
0xde: {  	v34 =	vpsel !p6, $0x0, v49;
	v33 =	vld [tilespmem:$0x7A0];
	v11 =	vadd.s32 v32, v11;
	v13 =	vadd.s32 v59, v13  }
0xdf: {  	v36 =	vpsel !p6, $0x0, v51;
	v35 =	vld [tilespmem:$0x7B0];
	v11 =	vadd.s32 v34, v11;
	v13 =	vadd.s32 v61, v13  }
0xe0: {  	v38 =	vpsel !p6, $0x0, v53;
	v37 =	vld [tilespmem:$0x7C0];
	v11 =	vadd.s32 v36, v11;
	v13 =	vadd.s32 v63, v13  }
0xe1: {  	v40 =	vpsel !p6, $0x0, v55;
	v39 =	vld [tilespmem:$0x7D0];
	v11 =	vadd.s32 v38, v11;
	v13 =	vadd.s32 v29, v13  }
0xe2: {  	s11 =	sld [smem:$0x7FA];
	v42 =	vpsel !p6, $0x0, v57;
	v41 =	vld [tilespmem:$0x7E0];
	v11 =	vadd.s32 v40, v11;
	v13 =	vadd.s32 v31, v13  }
0xe3: {  	v44 =	vpsel !p6, $0x0, v59;
	v43 =	vld [tilespmem:$0x7F0];
	v11 =	vadd.s32 v42, v11;
	v13 =	vadd.s32 v33, v13  }
0xe4: {  	v46 =	vpsel !p6, $0x0, v61;
	v45 =	vld [tilespmem:$0x800];
	v11 =	vadd.s32 v44, v11;
	v13 =	vadd.s32 v35, v13  }
0xe5: {  	v48 =	vpsel !p6, $0x0, v63;
	p6 =	seq.s32 s11, $0x1;
	v47 =	vld [tilespmem:$0x810];
	v11 =	vadd.s32 v46, v11;
	v13 =	vadd.s32 v37, v13  }
0xe6: {  	v50 =	vpsel !p6, $0x0, v29;
	v49 =	vld [tilespmem:$0x820];
	v11 =	vadd.s32 v48, v11;
	v13 =	vadd.s32 v39, v13  }
0xe7: {  	v52 =	vpsel !p6, $0x0, v31;
	v51 =	vld [tilespmem:$0x830];
	v11 =	vadd.s32 v50, v11;
	v13 =	vadd.s32 v41, v13  }
0xe8: {  	v54 =	vpsel !p6, $0x0, v33;
	v53 =	vld [tilespmem:$0x840];
	v11 =	vadd.s32 v52, v11;
	v13 =	vadd.s32 v43, v13  }
0xe9: {  	v56 =	vpsel !p6, $0x0, v35;
	v55 =	vld [tilespmem:$0x850];
	v11 =	vadd.s32 v54, v11;
	v13 =	vadd.s32 v45, v13  }
0xea: {  	s1 =	sld [smem:$0x7EA];
	v58 =	vpsel !p6, $0x0, v37;
	v57 =	vld [tilespmem:$0x860];
	v11 =	vadd.s32 v56, v11;
	v13 =	vadd.s32 v47, v13  }
0xeb: {  	v60 =	vpsel !p6, $0x0, v39;
	v59 =	vld [tilespmem:$0x870];
	v11 =	vadd.s32 v58, v11;
	v13 =	vadd.s32 v49, v13  }
0xec: {  	v62 =	vpsel !p6, $0x0, v41;
	v61 =	vld [tilespmem:$0x880];
	v11 =	vadd.s32 v60, v11;
	v13 =	vadd.s32 v51, v13  }
0xed: {  	v28 =	vpsel !p6, $0x0, v43;
	p6 =	seq.s32 s1, $0x1;
	v63 =	vld [tilespmem:$0x890];
	v11 =	vadd.s32 v62, v11;
	v13 =	vadd.s32 v53, v13  }
0xee: {  	v30 =	vpsel !p6, $0x0, v45;
	v29 =	vld [tilespmem:$0x8A0];
	v11 =	vadd.s32 v28, v11;
	v13 =	vadd.s32 v55, v13  }
0xef: {  	v32 =	vpsel !p6, $0x0, v47;
	v31 =	vld [tilespmem:$0x8B0];
	v11 =	vadd.s32 v30, v11;
	v13 =	vadd.s32 v57, v13  }
0xf0: {  	v34 =	vpsel !p6, $0x0, v49;
	v33 =	vld [tilespmem:$0x8C0];
	v11 =	vadd.s32 v32, v11;
	v13 =	vadd.s32 v59, v13  }
0xf1: {  	v36 =	vpsel !p6, $0x0, v51;
	v35 =	vld [tilespmem:$0x8D0];
	v11 =	vadd.s32 v34, v11;
	v13 =	vadd.s32 v61, v13  }
0xf2: {  	s2 =	sld [smem:$0x7F9];
	v38 =	vpsel !p6, $0x0, v53;
	v37 =	vld [tilespmem:$0x8E0];
	v11 =	vadd.s32 v36, v11;
	v13 =	vadd.s32 v63, v13  }
0xf3: {  	v40 =	vpsel !p6, $0x0, v55;
	v39 =	vld [tilespmem:$0x8F0];
	v11 =	vadd.s32 v38, v11;
	v13 =	vadd.s32 v29, v13  }
0xf4: {  	v42 =	vpsel !p6, $0x0, v57;
	v41 =	vld [tilespmem:$0x900];
	v11 =	vadd.s32 v40, v11;
	v13 =	vadd.s32 v31, v13  }
0xf5: {  	v44 =	vpsel !p6, $0x0, v59;
	p6 =	seq.s32 s2, $0x1;
	v43 =	vld [tilespmem:$0x910];
	v11 =	vadd.s32 v42, v11;
	v13 =	vadd.s32 v33, v13  }
0xf6: {  	v46 =	vpsel !p6, $0x0, v61;
	v45 =	vld [tilespmem:$0x920];
	v11 =	vadd.s32 v44, v11;
	v13 =	vadd.s32 v35, v13  }
0xf7: {  	v48 =	vpsel !p6, $0x0, v63;
	v47 =	vld [tilespmem:$0x930];
	v11 =	vadd.s32 v46, v11;
	v13 =	vadd.s32 v37, v13  }
0xf8: {  	v50 =	vpsel !p6, $0x0, v29;
	v49 =	vld [tilespmem:$0x940];
	v11 =	vadd.s32 v48, v11;
	v13 =	vadd.s32 v39, v13  }
0xf9: {  	v52 =	vpsel !p6, $0x0, v31;
	v51 =	vld [tilespmem:$0x950];
	v11 =	vadd.s32 v50, v11;
	v13 =	vadd.s32 v41, v13  }
0xfa: {  	s10 =	sld [smem:$0x7E1];
	v54 =	vpsel !p6, $0x0, v33;
	v53 =	vld [tilespmem:$0x960];
	v11 =	vadd.s32 v52, v11;
	v13 =	vadd.s32 v43, v13  }
0xfb: {  	v56 =	vpsel !p6, $0x0, v35;
	v55 =	vld [tilespmem:$0x970];
	v11 =	vadd.s32 v54, v11;
	v13 =	vadd.s32 v45, v13  }
0xfc: {  	v58 =	vpsel !p6, $0x0, v37;
	v57 =	vld [tilespmem:$0x980];
	v11 =	vadd.s32 v56, v11;
	v13 =	vadd.s32 v47, v13  }
0xfd: {  	v60 =	vpsel !p6, $0x0, v39;
	p6 =	seq.s32 s10, $0x1;
	v59 =	vld [tilespmem:$0x990];
	v11 =	vadd.s32 v58, v11;
	v13 =	vadd.s32 v49, v13  }
0xfe: {  	v62 =	vpsel !p6, $0x0, v41;
	v61 =	vld [tilespmem:$0x9A0];
	v11 =	vadd.s32 v60, v11;
	v13 =	vadd.s32 v51, v13  }
0xff: {  	v28 =	vpsel !p6, $0x0, v43;
	v63 =	vld [tilespmem:$0x9B0];
	v11 =	vadd.s32 v62, v11;
	v13 =	vadd.s32 v53, v13  }
0x100: {  	v30 =	vpsel !p6, $0x0, v45;
	v29 =	vld [tilespmem:$0x9C0];
	v11 =	vadd.s32 v28, v11;
	v13 =	vadd.s32 v55, v13  }
0x101: {  	v32 =	vpsel !p6, $0x0, v47;
	v31 =	vld [tilespmem:$0x9D0];
	v11 =	vadd.s32 v30, v11;
	v13 =	vadd.s32 v57, v13  }
0x102: {  	s11 =	sld [smem:$0x7F8];
	v34 =	vpsel !p6, $0x0, v49;
	v33 =	vld [tilespmem:$0x9E0];
	v11 =	vadd.s32 v32, v11;
	v13 =	vadd.s32 v59, v13  }
0x103: {  	v36 =	vpsel !p6, $0x0, v51;
	v35 =	vld [tilespmem:$0x9F0];
	v11 =	vadd.s32 v34, v11;
	v13 =	vadd.s32 v61, v13  }
0x104: {  	v38 =	vpsel !p6, $0x0, v53;
	v37 =	vld [tilespmem:$0xA00];
	v11 =	vadd.s32 v36, v11;
	v13 =	vadd.s32 v63, v13  }
0x105: {  	v40 =	vpsel !p6, $0x0, v55;
	p6 =	seq.s32 s11, $0x1;
	v39 =	vld [tilespmem:$0xA10];
	v11 =	vadd.s32 v38, v11;
	v13 =	vadd.s32 v29, v13  }
0x106: {  	v42 =	vpsel !p6, $0x0, v57;
	v41 =	vld [tilespmem:$0xA20];
	v11 =	vadd.s32 v40, v11;
	v13 =	vadd.s32 v31, v13  }
0x107: {  	v44 =	vpsel !p6, $0x0, v59;
	v43 =	vld [tilespmem:$0xA30];
	v11 =	vadd.s32 v42, v11;
	v13 =	vadd.s32 v33, v13  }
0x108: {  	v46 =	vpsel !p6, $0x0, v61;
	v45 =	vld [tilespmem:$0xA40];
	v11 =	vadd.s32 v44, v11;
	v13 =	vadd.s32 v35, v13  }
0x109: {  	v48 =	vpsel !p6, $0x0, v63;
	v47 =	vld [tilespmem:$0xA50];
	v11 =	vadd.s32 v46, v11;
	v13 =	vadd.s32 v37, v13  }
0x10a: {  	s1 =	sld [smem:$0x7DF];
	v50 =	vpsel !p6, $0x0, v29;
	v49 =	vld [tilespmem:$0xA60];
	v11 =	vadd.s32 v48, v11;
	v13 =	vadd.s32 v39, v13  }
0x10b: {  	v52 =	vpsel !p6, $0x0, v31;
	v51 =	vld [tilespmem:$0xA70];
	v11 =	vadd.s32 v50, v11;
	v13 =	vadd.s32 v41, v13  }
0x10c: {  	v54 =	vpsel !p6, $0x0, v33;
	v53 =	vld [tilespmem:$0xA80];
	v11 =	vadd.s32 v52, v11;
	v13 =	vadd.s32 v43, v13  }
0x10d: {  	v56 =	vpsel !p6, $0x0, v35;
	p6 =	seq.s32 s1, $0x1;
	v55 =	vld [tilespmem:$0xA90];
	v11 =	vadd.s32 v54, v11;
	v13 =	vadd.s32 v45, v13  }
0x10e: {  	v58 =	vpsel !p6, $0x0, v37;
	v57 =	vld [tilespmem:$0xAA0];
	v11 =	vadd.s32 v56, v11;
	v13 =	vadd.s32 v47, v13  }
0x10f: {  	v60 =	vpsel !p6, $0x0, v39;
	v59 =	vld [tilespmem:$0xAB0];
	v11 =	vadd.s32 v58, v11;
	v13 =	vadd.s32 v49, v13  }
0x110: {  	v62 =	vpsel !p6, $0x0, v41;
	v61 =	vld [tilespmem:$0xAC0];
	v11 =	vadd.s32 v60, v11;
	v13 =	vadd.s32 v51, v13  }
0x111: {  	v28 =	vpsel !p6, $0x0, v43;
	v63 =	vld [tilespmem:$0xAD0];
	v11 =	vadd.s32 v62, v11;
	v13 =	vadd.s32 v53, v13  }
0x112: {  	s2 =	sld [smem:$0x7F7];
	v30 =	vpsel !p6, $0x0, v45;
	v29 =	vld [tilespmem:$0xAE0];
	v11 =	vadd.s32 v28, v11;
	v13 =	vadd.s32 v55, v13  }
0x113: {  	v32 =	vpsel !p6, $0x0, v47;
	v31 =	vld [tilespmem:$0xAF0];
	v11 =	vadd.s32 v30, v11;
	v13 =	vadd.s32 v57, v13  }
0x114: {  	v34 =	vpsel !p6, $0x0, v49;
	v33 =	vld [tilespmem:$0xB00];
	v11 =	vadd.s32 v32, v11;
	v13 =	vadd.s32 v59, v13  }
0x115: {  	v36 =	vpsel !p6, $0x0, v51;
	p6 =	seq.s32 s2, $0x1;
	v35 =	vld [tilespmem:$0xB10];
	v11 =	vadd.s32 v34, v11;
	v13 =	vadd.s32 v61, v13  }
0x116: {  	v38 =	vpsel !p6, $0x0, v53;
	v37 =	vld [tilespmem:$0xB20];
	v11 =	vadd.s32 v36, v11;
	v13 =	vadd.s32 v63, v13  }
0x117: {  	v40 =	vpsel !p6, $0x0, v55;
	v39 =	vld [tilespmem:$0xB30];
	v11 =	vadd.s32 v38, v11;
	v13 =	vadd.s32 v29, v13  }
0x118: {  	v42 =	vpsel !p6, $0x0, v57;
	v41 =	vld [tilespmem:$0xB40];
	v11 =	vadd.s32 v40, v11;
	v13 =	vadd.s32 v31, v13  }
0x119: {  	v44 =	vpsel !p6, $0x0, v59;
	v43 =	vld [tilespmem:$0xB50];
	v11 =	vadd.s32 v42, v11;
	v13 =	vadd.s32 v33, v13  }
0x11a: {  	s10 =	sld [smem:$0x7DD];
	v46 =	vpsel !p6, $0x0, v61;
	v45 =	vld [tilespmem:$0xB60];
	v11 =	vadd.s32 v44, v11;
	v13 =	vadd.s32 v35, v13  }
0x11b: {  	v48 =	vpsel !p6, $0x0, v63;
	v47 =	vld [tilespmem:$0xB70];
	v11 =	vadd.s32 v46, v11;
	v13 =	vadd.s32 v37, v13  }
0x11c: {  	v50 =	vpsel !p6, $0x0, v29;
	v49 =	vld [tilespmem:$0xB80];
	v11 =	vadd.s32 v48, v11;
	v13 =	vadd.s32 v39, v13  }
0x11d: {  	v52 =	vpsel !p6, $0x0, v31;
	p6 =	seq.s32 s10, $0x1;
	v51 =	vld [tilespmem:$0xB90];
	v11 =	vadd.s32 v50, v11;
	v13 =	vadd.s32 v41, v13  }
0x11e: {  	v54 =	vpsel !p6, $0x0, v33;
	v53 =	vld [tilespmem:$0xBA0];
	v11 =	vadd.s32 v52, v11;
	v13 =	vadd.s32 v43, v13  }
0x11f: {  	v56 =	vpsel !p6, $0x0, v35;
	v55 =	vld [tilespmem:$0xBB0];
	v11 =	vadd.s32 v54, v11;
	v13 =	vadd.s32 v45, v13  }
0x120: {  	v58 =	vpsel !p6, $0x0, v37;
	v57 =	vld [tilespmem:$0xBC0];
	v11 =	vadd.s32 v56, v11;
	v13 =	vadd.s32 v47, v13  }
0x121: {  	v60 =	vpsel !p6, $0x0, v39;
	v59 =	vld [tilespmem:$0xBD0];
	v11 =	vadd.s32 v58, v11;
	v13 =	vadd.s32 v49, v13  }
0x122: {  	s11 =	sld [smem:$0x7F6];
	v62 =	vpsel !p6, $0x0, v41;
	v61 =	vld [tilespmem:$0xBE0];
	v11 =	vadd.s32 v60, v11;
	v13 =	vadd.s32 v51, v13  }
0x123: {  	v28 =	vpsel !p6, $0x0, v43;
	v63 =	vld [tilespmem:$0xBF0];
	v11 =	vadd.s32 v62, v11;
	v13 =	vadd.s32 v53, v13  }
0x124: {  	v30 =	vpsel !p6, $0x0, v45;
	v29 =	vld [tilespmem:$0xC00];
	v11 =	vadd.s32 v28, v11;
	v13 =	vadd.s32 v55, v13  }
0x125: {  	v32 =	vpsel !p6, $0x0, v47;
	p6 =	seq.s32 s11, $0x1;
	v31 =	vld [tilespmem:$0xC10];
	v11 =	vadd.s32 v30, v11;
	v13 =	vadd.s32 v57, v13  }
0x126: {  	v34 =	vpsel !p6, $0x0, v49;
	v33 =	vld [tilespmem:$0xC20];
	v11 =	vadd.s32 v32, v11;
	v13 =	vadd.s32 v59, v13  }
0x127: {  	v36 =	vpsel !p6, $0x0, v51;
	v35 =	vld [tilespmem:$0xC30];
	v11 =	vadd.s32 v34, v11;
	v13 =	vadd.s32 v61, v13  }
0x128: {  	v38 =	vpsel !p6, $0x0, v53;
	v37 =	vld [tilespmem:$0xC40];
	v11 =	vadd.s32 v36, v11;
	v13 =	vadd.s32 v63, v13  }
0x129: {  	v40 =	vpsel !p6, $0x0, v55;
	v39 =	vld [tilespmem:$0xC50];
	v11 =	vadd.s32 v38, v11;
	v13 =	vadd.s32 v29, v13  }
0x12a: {  	s1 =	sld [smem:$0x7DB];
	v42 =	vpsel !p6, $0x0, v57;
	v41 =	vld [tilespmem:$0xC60];
	v11 =	vadd.s32 v40, v11;
	v13 =	vadd.s32 v31, v13  }
0x12b: {  	v44 =	vpsel !p6, $0x0, v59;
	v43 =	vld [tilespmem:$0xC70];
	v11 =	vadd.s32 v42, v11;
	v13 =	vadd.s32 v33, v13  }
0x12c: {  	v46 =	vpsel !p6, $0x0, v61;
	v45 =	vld [tilespmem:$0xC80];
	v11 =	vadd.s32 v44, v11;
	v13 =	vadd.s32 v35, v13  }
0x12d: {  	v48 =	vpsel !p6, $0x0, v63;
	p6 =	seq.s32 s1, $0x1;
	v47 =	vld [tilespmem:$0xC90];
	v11 =	vadd.s32 v46, v11;
	v13 =	vadd.s32 v37, v13  }
0x12e: {  	v50 =	vpsel !p6, $0x0, v29;
	v49 =	vld [tilespmem:$0xCA0];
	v11 =	vadd.s32 v48, v11;
	v13 =	vadd.s32 v39, v13  }
0x12f: {  	v52 =	vpsel !p6, $0x0, v31;
	v51 =	vld [tilespmem:$0xCB0];
	v11 =	vadd.s32 v50, v11;
	v13 =	vadd.s32 v41, v13  }
0x130: {  	v54 =	vpsel !p6, $0x0, v33;
	v53 =	vld [tilespmem:$0xCC0];
	v11 =	vadd.s32 v52, v11;
	v13 =	vadd.s32 v43, v13  }
0x131: {  	v56 =	vpsel !p6, $0x0, v35;
	v55 =	vld [tilespmem:$0xCD0];
	v11 =	vadd.s32 v54, v11;
	v13 =	vadd.s32 v45, v13  }
0x132: {  	s2 =	sld [smem:$0x7F5];
	v58 =	vpsel !p6, $0x0, v37;
	v57 =	vld [tilespmem:$0xCE0];
	v11 =	vadd.s32 v56, v11;
	v13 =	vadd.s32 v47, v13  }
0x133: {  	v60 =	vpsel !p6, $0x0, v39;
	v59 =	vld [tilespmem:$0xCF0];
	v11 =	vadd.s32 v58, v11;
	v13 =	vadd.s32 v49, v13  }
0x134: {  	v62 =	vpsel !p6, $0x0, v41;
	v61 =	vld [tilespmem:$0xD00];
	v11 =	vadd.s32 v60, v11;
	v13 =	vadd.s32 v51, v13  }
0x135: {  	v28 =	vpsel !p6, $0x0, v43;
	p6 =	seq.s32 s2, $0x1;
	v63 =	vld [tilespmem:$0xD10];
	v11 =	vadd.s32 v62, v11;
	v13 =	vadd.s32 v53, v13  }
0x136: {  	v30 =	vpsel !p6, $0x0, v45;
	v29 =	vld [tilespmem:$0xD20];
	v11 =	vadd.s32 v28, v11;
	v13 =	vadd.s32 v55, v13  }
0x137: {  	v32 =	vpsel !p6, $0x0, v47;
	v31 =	vld [tilespmem:$0xD30];
	v11 =	vadd.s32 v30, v11;
	v13 =	vadd.s32 v57, v13  }
0x138: {  	v34 =	vpsel !p6, $0x0, v49;
	v33 =	vld [tilespmem:$0xD40];
	v11 =	vadd.s32 v32, v11;
	v13 =	vadd.s32 v59, v13  }
0x139: {  	v36 =	vpsel !p6, $0x0, v51;
	v35 =	vld [tilespmem:$0xD50];
	v11 =	vadd.s32 v34, v11;
	v13 =	vadd.s32 v61, v13  }
0x13a: {  	s10 =	sld [smem:$0x7DA];
	v38 =	vpsel !p6, $0x0, v53;
	v37 =	vld [tilespmem:$0xD60];
	v11 =	vadd.s32 v36, v11;
	v13 =	vadd.s32 v63, v13  }
0x13b: {  	v40 =	vpsel !p6, $0x0, v55;
	v39 =	vld [tilespmem:$0xD70];
	v11 =	vadd.s32 v38, v11;
	v13 =	vadd.s32 v29, v13  }
0x13c: {  	v42 =	vpsel !p6, $0x0, v57;
	v41 =	vld [tilespmem:$0xD80];
	v11 =	vadd.s32 v40, v11;
	v13 =	vadd.s32 v31, v13  }
0x13d: {  	v44 =	vpsel !p6, $0x0, v59;
	p6 =	seq.s32 s10, $0x1;
	v43 =	vld [tilespmem:$0xD90];
	v11 =	vadd.s32 v42, v11;
	v13 =	vadd.s32 v33, v13  }
0x13e: {  	v46 =	vpsel !p6, $0x0, v61;
	v45 =	vld [tilespmem:$0xDA0];
	v11 =	vadd.s32 v44, v11;
	v13 =	vadd.s32 v35, v13  }
0x13f: {  	v48 =	vpsel !p6, $0x0, v63;
	v47 =	vld [tilespmem:$0xDB0];
	v11 =	vadd.s32 v46, v11;
	v13 =	vadd.s32 v37, v13  }
0x140: {  	v50 =	vpsel !p6, $0x0, v29;
	v49 =	vld [tilespmem:$0xDC0];
	v11 =	vadd.s32 v48, v11;
	v13 =	vadd.s32 v39, v13  }
0x141: {  	v52 =	vpsel !p6, $0x0, v31;
	v51 =	vld [tilespmem:$0xDD0];
	v11 =	vadd.s32 v50, v11;
	v13 =	vadd.s32 v41, v13  }
0x142: {  	s11 =	sld [smem:$0x7F4];
	v54 =	vpsel !p6, $0x0, v33;
	v53 =	vld [tilespmem:$0xDE0];
	v11 =	vadd.s32 v52, v11;
	v13 =	vadd.s32 v43, v13  }
0x143: {  	v56 =	vpsel !p6, $0x0, v35;
	v55 =	vld [tilespmem:$0xDF0];
	v11 =	vadd.s32 v54, v11;
	v13 =	vadd.s32 v45, v13  }
0x144: {  	v58 =	vpsel !p6, $0x0, v37;
	v57 =	vld [tilespmem:$0xE00];
	v11 =	vadd.s32 v56, v11;
	v13 =	vadd.s32 v47, v13  }
0x145: {  	v60 =	vpsel !p6, $0x0, v39;
	p6 =	seq.s32 s11, $0x1;
	v59 =	vld [tilespmem:$0xE10];
	v11 =	vadd.s32 v58, v11;
	v13 =	vadd.s32 v49, v13  }
0x146: {  	v62 =	vpsel !p6, $0x0, v41;
	v61 =	vld [tilespmem:$0xE20];
	v11 =	vadd.s32 v60, v11;
	v13 =	vadd.s32 v51, v13  }
0x147: {  	v28 =	vpsel !p6, $0x0, v43;
	v63 =	vld [tilespmem:$0xE30];
	v11 =	vadd.s32 v62, v11;
	v13 =	vadd.s32 v53, v13  }
0x148: {  	v30 =	vpsel !p6, $0x0, v45;
	v29 =	vld [tilespmem:$0xE40];
	v11 =	vadd.s32 v28, v11;
	v13 =	vadd.s32 v55, v13  }
0x149: {  	v32 =	vpsel !p6, $0x0, v47;
	v31 =	vld [tilespmem:$0xE50];
	v11 =	vadd.s32 v30, v11;
	v13 =	vadd.s32 v57, v13  }
0x14a: {  	s1 =	sld [smem:$0x7D9];
	v34 =	vpsel !p6, $0x0, v49;
	v33 =	vld [tilespmem:$0xE60];
	v11 =	vadd.s32 v32, v11;
	v13 =	vadd.s32 v59, v13  }
0x14b: {  	v36 =	vpsel !p6, $0x0, v51;
	v35 =	vld [tilespmem:$0xE70];
	v11 =	vadd.s32 v34, v11;
	v13 =	vadd.s32 v61, v13  }
0x14c: {  	v38 =	vpsel !p6, $0x0, v53;
	v37 =	vld [tilespmem:$0xE80];
	v11 =	vadd.s32 v36, v11;
	v13 =	vadd.s32 v63, v13  }
0x14d: {  	v40 =	vpsel !p6, $0x0, v55;
	p6 =	seq.s32 s1, $0x1;
	v39 =	vld [tilespmem:$0xE90];
	v11 =	vadd.s32 v38, v11;
	v13 =	vadd.s32 v29, v13  }
0x14e: {  	v42 =	vpsel !p6, $0x0, v57;
	v41 =	vld [tilespmem:$0xEA0];
	v11 =	vadd.s32 v40, v11;
	v13 =	vadd.s32 v31, v13  }
0x14f: {  	v44 =	vpsel !p6, $0x0, v59;
	v43 =	vld [tilespmem:$0xEB0];
	v11 =	vadd.s32 v42, v11;
	v13 =	vadd.s32 v33, v13  }
0x150: {  	v46 =	vpsel !p6, $0x0, v61;
	v45 =	vld [tilespmem:$0xEC0];
	v11 =	vadd.s32 v44, v11;
	v13 =	vadd.s32 v35, v13  }
0x151: {  	v48 =	vpsel !p6, $0x0, v63;
	v47 =	vld [tilespmem:$0xED0];
	v11 =	vadd.s32 v46, v11;
	v13 =	vadd.s32 v37, v13  }
0x152: {  	s2 =	sld [smem:$0x7F3];
	v50 =	vpsel !p6, $0x0, v29;
	v49 =	vld [tilespmem:$0xEE0];
	v11 =	vadd.s32 v48, v11;
	v13 =	vadd.s32 v39, v13  }
0x153: {  	v52 =	vpsel !p6, $0x0, v31;
	v51 =	vld [tilespmem:$0xEF0];
	v11 =	vadd.s32 v50, v11;
	v13 =	vadd.s32 v41, v13  }
0x154: {  	v54 =	vpsel !p6, $0x0, v33;
	v53 =	vld [tilespmem:$0xF00];
	v11 =	vadd.s32 v52, v11;
	v13 =	vadd.s32 v43, v13  }
0x155: {  	v56 =	vpsel !p6, $0x0, v35;
	p6 =	seq.s32 s2, $0x1;
	v55 =	vld [tilespmem:$0xF10];
	v11 =	vadd.s32 v54, v11;
	v13 =	vadd.s32 v45, v13  }
0x156: {  	v58 =	vpsel !p6, $0x0, v37;
	v57 =	vld [tilespmem:$0xF20];
	v11 =	vadd.s32 v56, v11;
	v13 =	vadd.s32 v47, v13  }
0x157: {  	v60 =	vpsel !p6, $0x0, v39;
	v59 =	vld [tilespmem:$0xF30];
	v11 =	vadd.s32 v58, v11;
	v13 =	vadd.s32 v49, v13  }
0x158: {  	v62 =	vpsel !p6, $0x0, v41;
	v61 =	vld [tilespmem:$0xF40];
	v11 =	vadd.s32 v60, v11;
	v13 =	vadd.s32 v51, v13  }
0x159: {  	v28 =	vpsel !p6, $0x0, v43;
	v63 =	vld [tilespmem:$0xF50];
	v11 =	vadd.s32 v62, v11;
	v13 =	vadd.s32 v53, v13  }
0x15a: {  	s10 =	sld [smem:$0x7D8];
	v30 =	vpsel !p6, $0x0, v45;
	v29 =	vld [tilespmem:$0xF60];
	v11 =	vadd.s32 v28, v11;
	v13 =	vadd.s32 v55, v13  }
0x15b: {  	v32 =	vpsel !p6, $0x0, v47;
	v31 =	vld [tilespmem:$0xF70];
	v11 =	vadd.s32 v30, v11;
	v13 =	vadd.s32 v57, v13  }
0x15c: {  	v34 =	vpsel !p6, $0x0, v49;
	v33 =	vld [tilespmem:$0xF80];
	v11 =	vadd.s32 v32, v11;
	v13 =	vadd.s32 v59, v13  }
0x15d: {  	v36 =	vpsel !p6, $0x0, v51;
	p6 =	seq.s32 s10, $0x1;
	v35 =	vld [tilespmem:$0xF90];
	v11 =	vadd.s32 v34, v11;
	v13 =	vadd.s32 v61, v13  }
0x15e: {  	v38 =	vpsel !p6, $0x0, v53;
	v37 =	vld [tilespmem:$0xFA0];
	v11 =	vadd.s32 v36, v11;
	v13 =	vadd.s32 v63, v13  }
0x15f: {  	v40 =	vpsel !p6, $0x0, v55;
	v39 =	vld [tilespmem:$0xFB0];
	v11 =	vadd.s32 v38, v11;
	v13 =	vadd.s32 v29, v13  }
0x160: {  	v42 =	vpsel !p6, $0x0, v57;
	v41 =	vld [tilespmem:$0xFC0];
	v11 =	vadd.s32 v40, v11;
	v13 =	vadd.s32 v31, v13  }
0x161: {  	v44 =	vpsel !p6, $0x0, v59;
	v43 =	vld [tilespmem:$0xFD0];
	v11 =	vadd.s32 v42, v11;
	v13 =	vadd.s32 v33, v13  }
0x162: {  	v46 =	vpsel !p6, $0x0, v61;
	v45 =	vld [tilespmem:$0xFE0];
	v11 =	vadd.s32 v44, v11;
	v13 =	vadd.s32 v35, v13  }
0x163: {  	v48 =	vpsel !p6, $0x0, v63;
	v47 =	vld [tilespmem:$0xFF0];
	v11 =	vadd.s32 v46, v11;
	v13 =	vadd.s32 v37, v13  }
0x164: {  	v49 =	vpsel !p6, $0x0, v29;
	v11 =	vadd.s32 v48, v11;
	v13 =	vadd.s32 v39, v13  }
0x165: {  	v50 =	vpsel !p6, $0x0, v31;
	v11 =	vadd.s32 v49, v11;
	v13 =	vadd.s32 v41, v13  }
0x166: {  	v11 =	vadd.s32 v50, v11;
	v13 =	vadd.s32 v43, v13  }
0x167: {  	(xrf0) =	vadd.scan.msk.s32 $0xffff, v11;
	v51 =	vadd.s32 v45, v13  }
0x168: {  	v12 =	vadd.s32 v47, v51  }
0x169: {  	(xrf0) =	vadd.scan.msk.s32 $0xffff, v12  }
0x16a: {  	v11 =	vld [tilespmem:$0x1000];
	_ =	sdelay $0x2  }
0x16b: {  	v54 =	vld [tilespmem:$0x1010];
	v52, _, _ =	vpop (xrf0)  }
0x16c: {  	v55 =	vld [tilespmem:$0x1020];
	(v2sf) =	vpush v52, $0xF  }
0x16d: {  	(xrf0) =	vadd.scan.msk.s32 $0xffff, v11;
	v53, _, _ =	vpop (xrf0)  }
0x16e: {  	v56 =	vld [tilespmem:$0x1030];
	(v2sf) =	vpush v53, $0xF;
	_ =	sdelay $0x1  }
0x16f: {  	(xrf0) =	vadd.scan.msk.s32 $0xffff, v54  }
0x170: {  	v57 =	vld [tilespmem:$0x1040];
	(xrf0) =	vadd.scan.msk.s32 $0xffff, v55  }
0x171: {  	v58 =	vld [tilespmem:$0x1050]  }
0x172: {  	v59, _, _ =	vpop (xrf0);
	(xrf0) =	vadd.scan.msk.s32 $0xffff, v56  }
0x173: {  	v60 =	vld [tilespmem:$0x1060];
	_ =	sdelay $0x1  }
0x174: {  	(v2sf) =	vpush v59, $0xF;
	v61, _, _ =	vpop (xrf0);
	(xrf0) =	vadd.scan.msk.s32 $0xffff, v57  }
0x175: {  	(v2sf) =	vpush v61, $0xF;
	v62, _, _ =	vpop (xrf0);
	(xrf0) =	vadd.scan.msk.s32 $0xffff, v58;
	_ =	sdelay $0x1  }
0x176: {  	(v2sf) =	vpush v62, $0xF;
	v63, _, _ =	vpop (xrf0);
	(xrf0) =	vadd.scan.msk.s32 $0xffff, v60;
	_ =	sdelay $0x1  }
0x177: {  	v31 =	vld [tilespmem:$0x1070];
	s1 =	spop (v2sf);
	(v2sf) =	vpush v63, $0xF  }
0x178: {  	v28, _, _ =	vpop (xrf0)  }
0x179: {  	v29, _, _ =	vpop (xrf0);
	s11 =	spop (v2sf);
	(v2sf) =	vpush v28, $0xF  }
0x17a: {  	s0 =	simm.s32 $0x1;
	s2 =	ssub.s32 $0x11FF, s11;
	p5 =	sne.s32 s11, $0x11FF;
	(v2sf) =	vpush v29, $0xF  }
0x17b: {  	v25, _, _ =	vpop (xrf0);
	s10 =	sshra.s32 s2, $0x1F;
	s0 =	simm.s32 @!p5 $0x0  }
0x17c: {  	v12 =	vbroadcast v52, $0xF;
	(xrf0) =	vadd.scan.msk.s32 $0xffff, v31;
	s11 =	sand.u32 $0x1FF, s2;
	(v2sf) =	vpush v25, $0xF;
	s0 =	sor.u32 s0, s10  }
0x17d: {  	p6 =	sne.s32 s11, $0x0;
	p5 =	sne.s32 s0, $0x1  }
0x17e: {  	v12 =	vsub.s32 v12, v11;
	s10 =	sshrl.u32 s10, $0x17;
	p5 =	por !p6, !p5  }
0x17f: {  	v12 =	vadd.s32 v59, v12;
	s0 =	sadd.s32 s10, s2;
	s2 =	simm.s32 $0x1;
	p5 =	por !p5, !p5  }
0x180: {  	vm2 =	vgt.s32 v55, $0x0;
	vm1 =	vgt.s32 v11, $0x0;
	v18 =	vsub.s32 v0, v12;
	s0 =	sshra.s32 s0, $0x9;
	s2 =	simm.s32 @!p5 $0x0  }
0x181: {  	v30 =	vsub.s32 v61, v54;
	v33 =	vsub.s32 v62, v55;
	v35 =	vsub.s32 v63, v56;
	s11 =	spop (v2sf);
	s0 =	ssub.s32 s0, s2  }
0x182: {  	v38 =	vsub.s32 v28, v57;
	v40 =	vsub.s32 v29, v58;
	v44 =	vsub.s32 v25, v60;
	s1 =	sadd.s32 s1, s11;
	v47, _, _ =	vpop (xrf0);
	s11 =	spop (v2sf);
	s2 =	sshll.u32 s0, $0x9  }
0x183: {  	v16 =	vsub.s32 v47, v31;
	v11 =	vadd.s32 s2, v12;
	v12 =	vadd.s32 s1, v30;
	s1 =	sadd.s32 s1, s11  }
0x184: {  	s11 =	spop (v2sf);
	v11 =	vsel vm1, v11, v18;
	vm1 =	vgt.s32 v54, $0x0;
	v18 =	vadd.s32 s1, v33  }
0x185: {  	v32 =	vsub.s32 v1, v12;
	v12 =	vadd.s32 s2, v12;
	s1 =	sadd.s32 s1, s11;
	v34 =	vsub.s32 v2, v18  }
0x186: {  	s11 =	spop (v2sf);
	v18 =	vadd.s32 s2, v18;
	v12 =	vsel vm1, v12, v32;
	v36 =	vadd.s32 s1, v35  }
0x187: {  	vm1 =	vgt.s32 v56, $0x0;
	s1 =	sadd.s32 s1, s11;
	v13 =	vsel vm2, v18, v34;
	v37 =	vsub.s32 v3, v36  }
0x188: {  	v14 =	vadd.s32 s2, v36;
	v18 =	vadd.s32 s1, v38;
	vm2 =	vgt.s32 v57, $0x0;
	s11 =	spop (v2sf)  }
0x189: {  	[tilespmem:$0x1080] =	vst v11;
	v39 =	vsub.s32 v4, v18;
	v18 =	vadd.s32 s2, v18;
	v11 =	vsel vm1, v14, v37;
	s1 =	sadd.s32 s1, s11;
	s11 =	spop (v2sf)  }
0x18a: {  	[tilespmem:$0x1090] =	vst v12;
	vm1 =	vgt.s32 v58, $0x0;
	v41 =	vsel vm2, v18, v39;
	v42 =	vadd.s32 s1, v40;
	s1 =	sadd.s32 s1, s11  }
0x18b: {  	[tilespmem:$0x10A0] =	vst v13;
	vm2 =	vgt.s32 v60, $0x0;
	s11 =	spop (v2sf);
	v43 =	vsub.s32 v5, v42;
	v46 =	vadd.s32 s1, v44  }
0x18c: {  	[tilespmem:$0x10B0] =	vst v11;
	v45 =	vadd.s32 s2, v42;
	s1 =	sadd.s32 s1, s11;
	v11 =	vsub.s32 v6, v46;
	v15 =	vadd.s32 s2, v46  }
0x18d: {  	[tilespmem:$0x10C0] =	vst v41;
	v12 =	vsel vm1, v45, v43;
	v48 =	vadd.s32 s1, v16;
	vm1 =	vgt.s32 v31, $0x0  }
0x18e: {  	v11 =	vsel vm2, v15, v11;
	[tilespmem:$0x10D0] =	vst v12;
	v49 =	vsub.s32 v7, v48;
	v13 =	vadd.s32 s2, v48  }
0x18f: {  	s10 =	rddreg [dreg:$0x9];
	[tilespmem:$0x10E0] =	vst v11;
	v11 =	vsel vm1, v13, v49  }
0x190: {  	s11 =	rddreg [dreg:$0xc];
	[tilespmem:$0x10F0] =	vst v11  }
0x191: {  	[hbm4b:s10+s3] =	stream.linear.scatter [tilespmem:s11], [sflag:$0x4], $0x80, $0x38;
	[tilespmem:$0x19300] =	vst v63  }
0x192: {  	_ =	swait.ge [sflag:s12], $0x80  }
0x193: {  	[sflag:s12] =	ssyncset.done $0x0  }
0x194: {  	[sflag:s12] =	ssyncadd.s32 $0xFFFFFF80  }
0x195: {  	v11 =	vld [tilespmem:$0x1080]  }
0x196: {  	v50 =	vld [tilespmem:$0x1090]  }
0x197: {  	v51 =	vld [tilespmem:$0x10A0]  }
0x198: {  	v52 =	vld [tilespmem:$0x10B0]  }
0x199: {  	v53 =	vld [tilespmem:$0x10C0]  }
0x19a: {  	[tilespmem:$0x19100] =	vst v11;
	v11 =	vld [tilespmem:$0x10D0]  }
0x19b: {  	[tilespmem:$0x19110] =	vst v50  }
0x19c: {  	[tilespmem:$0x19180] =	vst v51  }
0x19d: {  	[tilespmem:$0x19190] =	vst v52  }
0x19e: {  	[tilespmem:$0x19200] =	vst v53  }
0x19f: {  	[tilespmem:$0x19210] =	vst v11  }
0x1a0: {  	_ =	swait.ge [sflag:s13], $0x8000  }
0x1a1: {  	[sflag:s13] =	ssyncset.done $0x0  }
0x1a2: {  	[sflag:s13] =	ssyncadd.s32 $0xFFFF8000  }
0x1a3: {  	v11 =	vld [tilespmem:$0x19100];
	_ =	sdelay $0x4  }
0x1a4: {  	v54 =	vshll.u32 v11, $0x3  }
0x1a5: {  	v11 =	vand.u32 $0x7, v11;
	v12 =	vand.u32 $0xFFFFFFC0, v54  }
0x1a6: {  	v11 =	vor.u32 v11, v12  }
0x1a7: {  	v12 =	vperm.xlane v11, v8;
	_ =	sdelay $0x1  }
0x1a8: {  	v12 =	vadd.s32 v9, v12;
	_ =	sdelay $0x4  }
0x1a9: {  	[hbm4b:s4+s3] =	stream.indirect_vreg.scatter [tilespmem:s9], [sflag:$0x1], $0x80, v12, vm0, $0xb8;
	[tilespmem:$0x19300] =	vst v63  }
0x1aa: {  	s10 =	simm.s32 $0x1900;
	v11 =	vperm.xlane v11, v10  }
0x1ab: {  	[hbm4b:s5+s3] =	stream.indirect_vreg.scatter [tilespmem:s10], [sflag:$0x1], $0x80, v12, vm0, $0xb8;
	[tilespmem:$0x19300] =	vst v63  }
0x1ac: {  	s11 =	simm.s32 $0x2100;
	v11 =	vadd.s32 v9, v11  }
0x1ad: {  	[hbm4b:s6+s3] =	stream.indirect_vreg.scatter [tilespmem:s11], [sflag:$0x1], $0x80, v12, vm0, $0xb8;
	[tilespmem:$0x19300] =	vst v63  }
0x1ae: {  	_ = 	snop  }
0x1af: {  	[hbm4b:s7+s3] =	stream.indirect_vreg.scatter [tilespmem:s16], [sflag:$0x1], $0x80, v12, vm0, $0xb8;
	[tilespmem:$0x19300] =	vst v63  }
0x1b0: {  	_ = 	snop  }
0x1b1: {  	[hbm4b:s4+s3] =	stream.indirect_vreg.scatter [tilespmem:s17], [sflag:$0x1], $0x80, v11, vm0, $0xb8;
	[tilespmem:$0x19300] =	vst v63  }
0x1b2: {  	_ = 	snop  }
0x1b3: {  	[hbm4b:s5+s3] =	stream.indirect_vreg.scatter [tilespmem:s18], [sflag:$0x1], $0x80, v11, vm0, $0xb8;
	[tilespmem:$0x19300] =	vst v63  }
0x1b4: {  	_ = 	snop  }
0x1b5: {  	[hbm4b:s6+s3] =	stream.indirect_vreg.scatter [tilespmem:s19], [sflag:$0x1], $0x80, v11, vm0, $0xb8;
	[tilespmem:$0x19300] =	vst v63  }
0x1b6: {  	_ = 	snop  }
0x1b7: {  	[hbm4b:s7+s3] =	stream.indirect_vreg.scatter [tilespmem:s20], [sflag:$0x1], $0x80, v11, vm0, $0xb8;
	[tilespmem:$0x19300] =	vst v63  }
0x1b8: {  	v11 =	vld [tilespmem:$0x19110];
	_ =	sdelay $0x4  }
0x1b9: {  	v55 =	vshll.u32 v11, $0x3  }
0x1ba: {  	v11 =	vand.u32 $0x7, v11;
	v12 =	vand.u32 $0xFFFFFFC0, v55  }
0x1bb: {  	v11 =	vor.u32 v11, v12  }
0x1bc: {  	v12 =	vperm.xlane v11, v8;
	_ =	sdelay $0x1  }
0x1bd: {  	v12 =	vadd.s32 v9, v12;
	_ =	sdelay $0x4  }
0x1be: {  	[hbm4b:s4+s3] =	stream.indirect_vreg.scatter [tilespmem:s21], [sflag:$0x1], $0x80, v12, vm0, $0xb8;
	[tilespmem:$0x19300] =	vst v63  }
0x1bf: {  	v11 =	vperm.xlane v11, v10  }
0x1c0: {  	[hbm4b:s5+s3] =	stream.indirect_vreg.scatter [tilespmem:s22], [sflag:$0x1], $0x80, v12, vm0, $0xb8;
	[tilespmem:$0x19300] =	vst v63  }
0x1c1: {  	v11 =	vadd.s32 v9, v11  }
0x1c2: {  	[hbm4b:s6+s3] =	stream.indirect_vreg.scatter [tilespmem:s23], [sflag:$0x1], $0x80, v12, vm0, $0xb8;
	[tilespmem:$0x19300] =	vst v63  }
0x1c3: {  	_ = 	snop  }
0x1c4: {  	[hbm4b:s7+s3] =	stream.indirect_vreg.scatter [tilespmem:s24], [sflag:$0x1], $0x80, v12, vm0, $0xb8;
	[tilespmem:$0x19300] =	vst v63  }
0x1c5: {  	_ = 	snop  }
0x1c6: {  	[hbm4b:s4+s3] =	stream.indirect_vreg.scatter [tilespmem:s25], [sflag:$0x1], $0x80, v11, vm0, $0xb8;
	[tilespmem:$0x19300] =	vst v63  }
0x1c7: {  	_ = 	snop  }
0x1c8: {  	[hbm4b:s5+s3] =	stream.indirect_vreg.scatter [tilespmem:s26], [sflag:$0x1], $0x80, v11, vm0, $0xb8;
	[tilespmem:$0x19300] =	vst v63  }
0x1c9: {  	_ = 	snop  }
0x1ca: {  	[hbm4b:s6+s3] =	stream.indirect_vreg.scatter [tilespmem:s28], [sflag:$0x1], $0x80, v11, vm0, $0xb8;
	[tilespmem:$0x19300] =	vst v63  }
0x1cb: {  	_ = 	snop  }
0x1cc: {  	[hbm4b:s7+s3] =	stream.indirect_vreg.scatter [tilespmem:s29], [sflag:$0x1], $0x80, v11, vm0, $0xb8;
	[tilespmem:$0x19300] =	vst v63  }
0x1cd: {  	_ =	swait.ge [sflag:s30], $0x8000  }
0x1ce: {  	[sflag:s30] =	ssyncset.done $0x0  }
0x1cf: {  	[sflag:s30] =	ssyncadd.s32 $0xFFFF8000  }
0x1d0: {  	v11 =	vld [tilespmem:$0x19180];
	_ =	sdelay $0x4  }
0x1d1: {  	v56 =	vshll.u32 v11, $0x3  }
0x1d2: {  	v11 =	vand.u32 $0x7, v11;
	v12 =	vand.u32 $0xFFFFFFC0, v56  }
0x1d3: {  	v11 =	vor.u32 v11, v12  }
0x1d4: {  	v12 =	vperm.xlane v11, v8;
	_ =	sdelay $0x1  }
0x1d5: {  	v12 =	vadd.s32 v9, v12;
	_ =	sdelay $0x4  }
0x1d6: {  	[hbm4b:s4+s3] =	stream.indirect_vreg.scatter [tilespmem:s14], [sflag:$0x2], $0x80, v12, vm0, $0xb8;
	[tilespmem:$0x19300] =	vst v63  }
0x1d7: {  	s1 =	rddreg [dreg:$0xd];
	v11 =	vperm.xlane v11, v10  }
0x1d8: {  	[hbm4b:s5+s3] =	stream.indirect_vreg.scatter [tilespmem:s1], [sflag:$0x2], $0x80, v12, vm0, $0xb8;
	[tilespmem:$0x19300] =	vst v63  }
0x1d9: {  	s2 =	rddreg [dreg:$0xe];
	v11 =	vadd.s32 v9, v11  }
0x1da: {  	[hbm4b:s6+s3] =	stream.indirect_vreg.scatter [tilespmem:s2], [sflag:$0x2], $0x80, v12, vm0, $0xb8;
	[tilespmem:$0x19300] =	vst v63  }
0x1db: {  	s1 =	rddreg [dreg:$0xf]  }
0x1dc: {  	[hbm4b:s7+s3] =	stream.indirect_vreg.scatter [tilespmem:s1], [sflag:$0x2], $0x80, v12, vm0, $0xb8;
	[tilespmem:$0x19300] =	vst v63  }
0x1dd: {  	s2 =	rddreg [dreg:$0x10]  }
0x1de: {  	[hbm4b:s4+s3] =	stream.indirect_vreg.scatter [tilespmem:s2], [sflag:$0x2], $0x80, v11, vm0, $0xb8;
	[tilespmem:$0x19300] =	vst v63  }
0x1df: {  	s1 =	rddreg [dreg:$0x11]  }
0x1e0: {  	[hbm4b:s5+s3] =	stream.indirect_vreg.scatter [tilespmem:s1], [sflag:$0x2], $0x80, v11, vm0, $0xb8;
	[tilespmem:$0x19300] =	vst v63  }
0x1e1: {  	s2 =	rddreg [dreg:$0x12]  }
0x1e2: {  	[hbm4b:s6+s3] =	stream.indirect_vreg.scatter [tilespmem:s2], [sflag:$0x2], $0x80, v11, vm0, $0xb8;
	[tilespmem:$0x19300] =	vst v63  }
0x1e3: {  	s1 =	rddreg [dreg:$0x13]  }
0x1e4: {  	[hbm4b:s7+s3] =	stream.indirect_vreg.scatter [tilespmem:s1], [sflag:$0x2], $0x80, v11, vm0, $0xb8;
	[tilespmem:$0x19300] =	vst v63  }
0x1e5: {  	v11 =	vld [tilespmem:$0x19190];
	_ =	sdelay $0x4  }
0x1e6: {  	v57 =	vshll.u32 v11, $0x3  }
0x1e7: {  	v11 =	vand.u32 $0x7, v11;
	v12 =	vand.u32 $0xFFFFFFC0, v57  }
0x1e8: {  	v11 =	vor.u32 v11, v12  }
0x1e9: {  	v12 =	vperm.xlane v11, v8;
	_ =	sdelay $0x1  }
0x1ea: {  	v12 =	vadd.s32 v9, v12;
	_ =	sdelay $0x3  }
0x1eb: {  	s1 =	rddreg [dreg:$0x14]  }
0x1ec: {  	[hbm4b:s4+s3] =	stream.indirect_vreg.scatter [tilespmem:s1], [sflag:$0x2], $0x80, v12, vm0, $0xb8;
	[tilespmem:$0x19300] =	vst v63  }
0x1ed: {  	s2 =	rddreg [dreg:$0x15];
	v11 =	vperm.xlane v11, v10  }
0x1ee: {  	[hbm4b:s5+s3] =	stream.indirect_vreg.scatter [tilespmem:s2], [sflag:$0x2], $0x80, v12, vm0, $0xb8;
	[tilespmem:$0x19300] =	vst v63  }
0x1ef: {  	v11 =	vadd.s32 v9, v11;
	s1 =	rddreg [dreg:$0x16]  }
0x1f0: {  	[hbm4b:s6+s3] =	stream.indirect_vreg.scatter [tilespmem:s1], [sflag:$0x2], $0x80, v12, vm0, $0xb8;
	[tilespmem:$0x19300] =	vst v63  }
0x1f1: {  	s2 =	rddreg [dreg:$0x17]  }
0x1f2: {  	[hbm4b:s7+s3] =	stream.indirect_vreg.scatter [tilespmem:s2], [sflag:$0x2], $0x80, v12, vm0, $0xb8;
	[tilespmem:$0x19300] =	vst v63  }
0x1f3: {  	s1 =	rddreg [dreg:$0x18]  }
0x1f4: {  	[hbm4b:s4+s3] =	stream.indirect_vreg.scatter [tilespmem:s1], [sflag:$0x2], $0x80, v11, vm0, $0xb8;
	[tilespmem:$0x19300] =	vst v63  }
0x1f5: {  	s2 =	rddreg [dreg:$0x19]  }
0x1f6: {  	[hbm4b:s5+s3] =	stream.indirect_vreg.scatter [tilespmem:s2], [sflag:$0x2], $0x80, v11, vm0, $0xb8;
	[tilespmem:$0x19300] =	vst v63  }
0x1f7: {  	s1 =	rddreg [dreg:$0x1a]  }
0x1f8: {  	[hbm4b:s6+s3] =	stream.indirect_vreg.scatter [tilespmem:s1], [sflag:$0x2], $0x80, v11, vm0, $0xb8;
	[tilespmem:$0x19300] =	vst v63  }
0x1f9: {  	s2 =	rddreg [dreg:$0x1b]  }
0x1fa: {  	[hbm4b:s7+s3] =	stream.indirect_vreg.scatter [tilespmem:s2], [sflag:$0x2], $0x80, v11, vm0, $0xb8;
	[tilespmem:$0x19300] =	vst v63  }
0x1fb: {  	_ =	swait.ge [sflag:s31], $0x8000  }
0x1fc: {  	[sflag:s31] =	ssyncset.done $0x0  }
0x1fd: {  	[sflag:s31] =	ssyncadd.s32 $0xFFFF8000  }
0x1fe: {  	v11 =	vld [tilespmem:$0x19200];
	_ =	sdelay $0x4  }
0x1ff: {  	v58 =	vshll.u32 v11, $0x3  }
0x200: {  	v11 =	vand.u32 $0x7, v11;
	v12 =	vand.u32 $0xFFFFFFC0, v58  }
0x201: {  	v11 =	vor.u32 v11, v12  }
0x202: {  	v12 =	vperm.xlane v11, v8;
	_ =	sdelay $0x1  }
0x203: {  	v12 =	vadd.s32 v9, v12;
	_ =	sdelay $0x3  }
0x204: {  	s1 =	rddreg [dreg:$0x1c]  }
0x205: {  	[hbm4b:s4+s3] =	stream.indirect_vreg.scatter [tilespmem:s15], [sflag:$0x3], $0x80, v12, vm0, $0xb8;
	[tilespmem:$0x19300] =	vst v63  }
0x206: {  	s2 =	rddreg [dreg:$0x1d];
	v11 =	vperm.xlane v11, v10  }
0x207: {  	[hbm4b:s5+s3] =	stream.indirect_vreg.scatter [tilespmem:s1], [sflag:$0x3], $0x80, v12, vm0, $0xb8;
	[tilespmem:$0x19300] =	vst v63  }
0x208: {  	v11 =	vadd.s32 v9, v11;
	s1 =	rddreg [dreg:$0x1e]  }
0x209: {  	[hbm4b:s6+s3] =	stream.indirect_vreg.scatter [tilespmem:s2], [sflag:$0x3], $0x80, v12, vm0, $0xb8;
	[tilespmem:$0x19300] =	vst v63  }
0x20a: {  	s2 =	rddreg [dreg:$0x1f]  }
0x20b: {  	[hbm4b:s7+s3] =	stream.indirect_vreg.scatter [tilespmem:s1], [sflag:$0x3], $0x80, v12, vm0, $0xb8;
	[tilespmem:$0x19300] =	vst v63  }
0x20c: {  	s1 =	sld [smem:$0x7DC]  }
0x20d: {  	[hbm4b:s4+s3] =	stream.indirect_vreg.scatter [tilespmem:s2], [sflag:$0x3], $0x80, v11, vm0, $0xb8;
	[tilespmem:$0x19300] =	vst v63  }
0x20e: {  	s2 =	sld [smem:$0x7DE]  }
0x20f: {  	[hbm4b:s5+s3] =	stream.indirect_vreg.scatter [tilespmem:s1], [sflag:$0x3], $0x80, v11, vm0, $0xb8;
	[tilespmem:$0x19300] =	vst v63  }
0x210: {  	s1 =	sld [smem:$0x7E0]  }
0x211: {  	[hbm4b:s6+s3] =	stream.indirect_vreg.scatter [tilespmem:s2], [sflag:$0x3], $0x80, v11, vm0, $0xb8;
	[tilespmem:$0x19300] =	vst v63  }
0x212: {  	_ = 	snop  }
0x213: {  	[hbm4b:s7+s3] =	stream.indirect_vreg.scatter [tilespmem:s1], [sflag:$0x3], $0x80, v11, vm0, $0xb8;
	[tilespmem:$0x19300] =	vst v63  }
0x214: {  	v11 =	vld [tilespmem:$0x19210];
	_ =	sdelay $0x4  }
0x215: {  	v59 =	vshll.u32 v11, $0x3  }
0x216: {  	v11 =	vand.u32 $0x7, v11;
	v12 =	vand.u32 $0xFFFFFFC0, v59  }
0x217: {  	v11 =	vor.u32 v11, v12  }
0x218: {  	v12 =	vperm.xlane v11, v8;
	_ =	sdelay $0x1  }
0x219: {  	v12 =	vadd.s32 v9, v12;
	_ =	sdelay $0x1  }
0x21a: {  	s1 =	sld [smem:$0x7E2];
	_ =	sdelay $0x1  }
0x21b: {  	s2 =	sld [smem:$0x7E3]  }
0x21c: {  	[hbm4b:s4+s3] =	stream.indirect_vreg.scatter [tilespmem:s1], [sflag:$0x3], $0x80, v12, vm0, $0xb8;
	[tilespmem:$0x19300] =	vst v63  }
0x21d: {  	v11 =	vperm.xlane v11, v10;
	s1 =	sld [smem:$0x7E4]  }
0x21e: {  	[hbm4b:s5+s3] =	stream.indirect_vreg.scatter [tilespmem:s2], [sflag:$0x3], $0x80, v12, vm0, $0xb8;
	[tilespmem:$0x19300] =	vst v63  }
0x21f: {  	v11 =	vadd.s32 v9, v11;
	s2 =	sld [smem:$0x7E5]  }
0x220: {  	[hbm4b:s6+s3] =	stream.indirect_vreg.scatter [tilespmem:s1], [sflag:$0x3], $0x80, v12, vm0, $0xb8;
	[tilespmem:$0x19300] =	vst v63  }
0x221: {  	s1 =	sld [smem:$0x7E6]  }
0x222: {  	[hbm4b:s7+s3] =	stream.indirect_vreg.scatter [tilespmem:s2], [sflag:$0x3], $0x80, v12, vm0, $0xb8;
	[tilespmem:$0x19300] =	vst v63  }
0x223: {  	s2 =	sld [smem:$0x7E7]  }
0x224: {  	[hbm4b:s4+s3] =	stream.indirect_vreg.scatter [tilespmem:s1], [sflag:$0x3], $0x80, v11, vm0, $0xb8;
	[tilespmem:$0x19300] =	vst v63  }
0x225: {  	s1 =	sld [smem:$0x7E8]  }
0x226: {  	[hbm4b:s5+s3] =	stream.indirect_vreg.scatter [tilespmem:s2], [sflag:$0x3], $0x80, v11, vm0, $0xb8;
	[tilespmem:$0x19300] =	vst v63  }
0x227: {  	s2 =	sld [smem:$0x7E9]  }
0x228: {  	[hbm4b:s6+s3] =	stream.indirect_vreg.scatter [tilespmem:s1], [sflag:$0x3], $0x80, v11, vm0, $0xb8;
	[tilespmem:$0x19300] =	vst v63  }
0x229: {  	_ = 	snop  }
0x22a: {  	[hbm4b:s7+s3] =	stream.indirect_vreg.scatter [tilespmem:s2], [sflag:$0x3], $0x80, v11, vm0, $0xb8;
	[tilespmem:$0x19300] =	vst v63  }
0x22b: {  	_ =	swait.ge [sflag:s13], $0x8000  }
0x22c: {  	[sflag:s13] =	ssyncset.done $0x0  }
0x22d: {  	s2 =	rddreg [dreg:$0xa];
	[sflag:s13] =	ssyncadd.s32 $0xFFFF8000  }
0x22e: {  	[tilespmem:s9], [sflag:$0x1] =	stream.linear.gather [hbm4b:s2+s3], $0x8000, $0x38;
	[tilespmem:$0x19300] =	vst v63  }
0x22f: {  	v11 =	vld [tilespmem:$0x10E0];
	_ =	sdelay $0x4  }
0x230: {  	v60 =	vshll.u32 v11, $0x3  }
0x231: {  	v61 =	vld [tilespmem:$0x10F0];
	v62 =	vand.u32 $0x7, v11;
	v12 =	vand.u32 $0xFFFFFFC0, v60  }
0x232: {  	v12 =	vor.u32 v62, v12  }
0x233: {  	v14 =	vperm.xlane v12, v8;
	_ =	sdelay $0x1  }
0x234: {  	[tilespmem:$0x19100] =	vst v11;
	v11 =	vadd.s32 v9, v14  }
0x235: {  	[tilespmem:$0x19110] =	vst v61  }
0x236: {  	_ =	swait.ge [sflag:s13], $0x8000  }
0x237: {  	[sflag:s13] =	ssyncset.done $0x0  }
0x238: {  	[sflag:s13] =	ssyncadd.s32 $0xFFFF8000  }
0x239: {  	[hbm4b:s4+s3] =	stream.indirect_vreg.scatter [tilespmem:s9], [sflag:$0x1], $0x80, v11, vm0, $0xb8;
	[tilespmem:$0x19300] =	vst v63  }
0x23a: {  	v12 =	vperm.xlane v12, v10  }
0x23b: {  	[hbm4b:s5+s3] =	stream.indirect_vreg.scatter [tilespmem:s10], [sflag:$0x1], $0x80, v11, vm0, $0xb8;
	[tilespmem:$0x19300] =	vst v63  }
0x23c: {  	v12 =	vadd.s32 v9, v12  }
0x23d: {  	[hbm4b:s6+s3] =	stream.indirect_vreg.scatter [tilespmem:s11], [sflag:$0x1], $0x80, v11, vm0, $0xb8;
	[tilespmem:$0x19300] =	vst v63  }
0x23e: {  	_ = 	snop  }
0x23f: {  	[hbm4b:s7+s3] =	stream.indirect_vreg.scatter [tilespmem:s16], [sflag:$0x1], $0x80, v11, vm0, $0xb8;
	[tilespmem:$0x19300] =	vst v63  }
0x240: {  	_ = 	snop  }
0x241: {  	[hbm4b:s4+s3] =	stream.indirect_vreg.scatter [tilespmem:s17], [sflag:$0x1], $0x80, v12, vm0, $0xb8;
	[tilespmem:$0x19300] =	vst v63  }
0x242: {  	_ = 	snop  }
0x243: {  	[hbm4b:s5+s3] =	stream.indirect_vreg.scatter [tilespmem:s18], [sflag:$0x1], $0x80, v12, vm0, $0xb8;
	[tilespmem:$0x19300] =	vst v63  }
0x244: {  	_ = 	snop  }
0x245: {  	[hbm4b:s6+s3] =	stream.indirect_vreg.scatter [tilespmem:s19], [sflag:$0x1], $0x80, v12, vm0, $0xb8;
	[tilespmem:$0x19300] =	vst v63  }
0x246: {  	_ = 	snop  }
0x247: {  	[hbm4b:s7+s3] =	stream.indirect_vreg.scatter [tilespmem:s20], [sflag:$0x1], $0x80, v12, vm0, $0xb8;
	[tilespmem:$0x19300] =	vst v63  }
0x248: {  	v11 =	vld [tilespmem:$0x19110];
	_ =	sdelay $0x4  }
0x249: {  	v63 =	vshll.u32 v11, $0x3  }
0x24a: {  	v11 =	vand.u32 $0x7, v11;
	v12 =	vand.u32 $0xFFFFFFC0, v63  }
0x24b: {  	v11 =	vor.u32 v11, v12  }
0x24c: {  	v12 =	vperm.xlane v11, v8;
	_ =	sdelay $0x1  }
0x24d: {  	v12 =	vadd.s32 v9, v12;
	_ =	sdelay $0x4  }
0x24e: {  	[hbm4b:s4+s3] =	stream.indirect_vreg.scatter [tilespmem:s21], [sflag:$0x1], $0x80, v12, vm0, $0xb8;
	[tilespmem:$0x19300] =	vst v63  }
0x24f: {  	v11 =	vperm.xlane v11, v10  }
0x250: {  	[hbm4b:s5+s3] =	stream.indirect_vreg.scatter [tilespmem:s22], [sflag:$0x1], $0x80, v12, vm0, $0xb8;
	[tilespmem:$0x19300] =	vst v63  }
0x251: {  	v11 =	vadd.s32 v9, v11  }
0x252: {  	[hbm4b:s6+s3] =	stream.indirect_vreg.scatter [tilespmem:s23], [sflag:$0x1], $0x80, v12, vm0, $0xb8;
	[tilespmem:$0x19300] =	vst v63  }
0x253: {  	_ = 	snop  }
0x254: {  	[hbm4b:s7+s3] =	stream.indirect_vreg.scatter [tilespmem:s24], [sflag:$0x1], $0x80, v12, vm0, $0xb8;
	[tilespmem:$0x19300] =	vst v63  }
0x255: {  	_ = 	snop  }
0x256: {  	[hbm4b:s4+s3] =	stream.indirect_vreg.scatter [tilespmem:s25], [sflag:$0x1], $0x80, v11, vm0, $0xb8;
	[tilespmem:$0x19300] =	vst v63  }
0x257: {  	_ = 	snop  }
0x258: {  	[hbm4b:s5+s3] =	stream.indirect_vreg.scatter [tilespmem:s26], [sflag:$0x1], $0x80, v11, vm0, $0xb8;
	[tilespmem:$0x19300] =	vst v63  }
0x259: {  	_ = 	snop  }
0x25a: {  	[hbm4b:s6+s3] =	stream.indirect_vreg.scatter [tilespmem:s28], [sflag:$0x1], $0x80, v11, vm0, $0xb8;
	[tilespmem:$0x19300] =	vst v63  }
0x25b: {  	_ = 	snop  }
0x25c: {  	[hbm4b:s7+s3] =	stream.indirect_vreg.scatter [tilespmem:s29], [sflag:$0x1], $0x80, v11, vm0, $0xb8;
	[tilespmem:$0x19300] =	vst v63  }
0x25d: {  	_ =	swait.ge [sflag:s30], $0x8000  }
0x25e: {  	[sflag:s30] =	ssyncset.done $0x0  }
0x25f: {  	[sflag:s30] =	ssyncadd.s32 $0xFFFF8000  }
0x260: {  	_ =	swait.ge [sflag:s31], $0x8000  }
0x261: {  	[sflag:s31] =	ssyncset.done $0x0  }
0x262: {  	v11 =	vlaneseq.u32 @!p1;
	[sflag:s31] =	ssyncadd.s32 $0xFFFF8000  }
0x263: {  	v12 =	vmov @!p1 s0;
	v13 =	vadd.s32 @!p1 $0x1, v11;
	_ =	swait.ge [sflag:s13], $0x8000  }
0x264: {  	v11 =	vadd.s32 @!p1 $0x11, v11;
	vm1 =	vlt.s32 @!p1 v12, v13;
	v13 =	vimm.s32 @!p1 $0x0;
	[sflag:s13] =	ssyncset.done $0x0  }
0x265: {  	s8 =	sadd.s32 $0xFFFFFFFF, s8;
	v14 =	vsel @!p1 vm1, $0x1, v13;
	vm1 =	vlt.s32 @!p1 v12, v11;
	[sflag:s13] =	ssyncadd.s32 $0xFFFF8000  }
0x266: {  	p5 =	sne.s32 s8, $0x0;
	v11 =	vsel @!p1 vm1, $0x1, v13;
	[tilespmem:$0x19280] =	vst @!p1 v14  }
0x267: {  	s1 =	simm.s32 @!p1 $0x0;
	s2 =	simm.s32 @!p1 $0x19280;
	s0 =	rddreg [dreg:$0x4];
	[tilespmem:$0x19290] =	vst @!p1 v11  }
0x268: {  	[hbm4b:s0+s1] =	stream.linear.scatter @!p1 [tilespmem:s2], [sflag:$0x4], $0x80, $0x38;
	[tilespmem:$0x19300] =	vst v63  }
.Ltmp0:
0x269: {  	_ = 	snop;
	(pc) =	sbr.rel @p5 .LBB2_1-.Ltmp0, $4  }
0x26a: {  	s0 =	simm.s32 @!p1 $0x4  }
0x26b: {  	_ =	swait.ge @!p1 [sflag:s0], $0x80  }
0x26c: {  	[sflag:s0] =	ssyncset.done @!p1 $0x0  }
0x26d: {  	[sflag:s0] =	ssyncadd.s32 @!p1 $0xFFFFFF80  }
0x26e: {  	_ =	sfence.sel $0x180000  }
0x26f: {  	[bflag:$0x0] =	sbarrier.arrive $0xFFFF  }
0x270: {  	_ =	strace $0x90000047  }
0x271: {  	s0 =	stileid.u32;
	[bflag:$0x2] =	sbarrier.arrive $0xFFFF  }
0x272: {  	p0 =	sne.s32 s0, $0x0;
	s0 =	rddreg [dreg:$0x3]  }
0x273: {  	s0 =	sadd.s32 @!p0 $0x100000, s0  }
0x274: {  	[sflag:s0] =	ssyncadd.tile.s32 @!p0 $0x1;
	_ =	shalt  }
.Lfunc_end2:
_tile_overlayer_lowered:
.L_overlay_start_2:
0x275: {  	(tag) =	ssettag $0x2  }
0x276: {  	s0 =	rddreg [dreg:$0x0];
	s2 =	stileid.u32  }
0x277: {  	s1 =	rddreg [dreg:$0x1];
	p0 =	sne.s32 s2, $0x0  }
0x278: {  	s3 =	rddreg [dreg:$0x2];
	[bflag:$0x3] =	sbarrier.arrive $0xFFFF;
	s2 =	simm.s32 @!p0 $0x1C04  }
0x279: {  	[timem:s3], [sflag:s2] =	dma.local @!p0 [hbm:s0], s1  }
0x27a: {  	s0 =	simm.s32 @!p0 $0x4  }
0x27b: {  	_ =	swait.ge @!p0 [sflag:s0], s1  }
0x27c: {  	s1 =	ssub.s32 @!p0 $0x0, s1;
	[sflag:s0] =	ssyncset.done @!p0 $0x0  }
0x27d: {  	[sflag:s0] =	ssyncadd.s32 @!p0 s1  }
0x27e: {  	[bflag:$0x3] =	sbarrier.arrive $0xFFFF  }
0x27f: {  	_ =	shalt  }

</sc_bundles>
